<compile_context>
chip_gen: v7x
topology: tpu7x:2x2x1
jax: 0.10.2.dev20260603
libtpu: 0.0.44.dev20260713+nightly
codegen_flags: <defaults>
</compile_context>

<pallas_src>
import functools
import math

import jax
import jax.numpy as jnp
from jax import lax
from jax.experimental import pallas as pl
from jax.experimental.pallas import tpu as pltpu
from jax.experimental.pallas import tpu_sc as plsc

D_MODEL = 64
SCALE = math.sqrt(D_MODEL)
NC = 2
NS = 16
NW = NC * NS
CH = 128


def _make_kernel(steps):
    mesh = plsc.VectorSubcoreMesh(core_axis_name="c", subcore_axis_name="s")
    n_rows = NW * steps * CH

    @functools.partial(
        pl.kernel,
        mesh=mesh,
        out_type=jax.ShapeDtypeStruct((n_rows // 2, 2 * D_MODEL), jnp.float32),
        scratch_types=[
            pltpu.VMEM((steps, CH), jnp.int32),
            pltpu.VMEM((2, CH, 2 * D_MODEL), jnp.float32),
            pltpu.VMEM((2, CH // 2, 2 * D_MODEL), jnp.float32),
            [pltpu.SemaphoreType.DMA] * 2,
            [pltpu.SemaphoreType.DMA] * 2,
        ],
        compiler_params=pltpu.CompilerParams(use_tc_tiling_on_sc=False),
    )
    def emb_kernel(idx_hbm, table_hbm, out_hbm, idx_v, rows_v, y_v, gs, ss):
        wid = lax.axis_index("s") * NC + lax.axis_index("c")
        pltpu.sync_copy(idx_hbm.at[wid], idx_v)
        out_base = wid * steps

        def gather_start(j, b):
            pltpu.async_copy(table_hbm.at[idx_v.at[j]], rows_v.at[b], gs[b])

        def gather_wait(j, b):
            pltpu.make_async_copy(
                table_hbm.at[idx_v.at[j]], rows_v.at[b], gs[b]
            ).wait()

        def scatter_start(j, b):
            row0 = (out_base + j) * (CH // 2)
            pltpu.async_copy(y_v.at[b], out_hbm.at[pl.ds(row0, CH // 2)], ss[b])

        def scatter_wait(j, b):
            row0 = (out_base + j) * (CH // 2)
            pltpu.make_async_copy(
                y_v.at[b], out_hbm.at[pl.ds(row0, CH // 2)], ss[b]
            ).wait()

        def scale(b):
            @plsc.parallel_loop(0, CH, 1, unroll=4)
            def _(r):
                for c in range(D_MODEL // 16):
                    v = rows_v[b, r, pl.ds(c * 16, 16)]
                    y_v[b, r // 2,
                        pl.ds((r % 2) * D_MODEL + c * 16, 16)] = v * SCALE

        def process(j, b, wait_prev_scatter, prefetch):
            gather_wait(j, b)
            if wait_prev_scatter:
                scatter_wait(j - 2, b)
            scale(b)
            if prefetch:
                gather_start(j + 2, b)
            scatter_start(j, b)

        gather_start(0, 0)
        gather_start(1, 1)
        process(0, 0, False, True)
        process(1, 1, False, True)

        @pl.loop(2, steps - 2, step=2)
        def _(j0):
            process(j0, 0, True, True)
            process(j0 + 1, 1, True, True)

        process(steps - 2, 0, True, False)
        process(steps - 1, 1, True, False)
        scatter_wait(steps - 2, 0)
        scatter_wait(steps - 1, 1)

    return emb_kernel


def kernel(x, table):
    n_b, n_s = x.shape
    v, d = table.shape
    assert d == D_MODEL and (n_b * n_s) % (NW * CH) == 0
    steps = (n_b * n_s) // (NW * CH)
    idx = x.reshape(NW, steps, CH)
    t2 = jnp.pad(table, ((0, 0), (0, D_MODEL)))
    y = _make_kernel(steps)(idx, t2)
    return y.reshape(n_b, n_s, D_MODEL)

# --- scband reference (transcript-rebuilt; emitter-appended) ---
"""Pipeline reference for scband-text-embedding-44238163148865 (READ-ONLY COPY).

The authoritative reference and input builder live on the scoring server;
editing this copy changes nothing except your own understanding.
"""

import jax, jax.numpy as jnp
import numpy as np
import math

VOCAB = 1000000
D_MODEL = 64

def setup_inputs(seed: int = 0) -> dict:
    key = jax.random.key(seed)
    k1, k2 = jax.random.split(key)
    x = jax.random.randint(k1, (4096, 200), 0, VOCAB, dtype=jnp.int64 if jax.config.jax_enable_x64 else jnp.int32).astype(jnp.int32)
    table = jax.random.normal(k2, (VOCAB, D_MODEL), dtype=jnp.float32) * 0.02
    # padding_idx=0: embedding row 0 is zeros
    table = table.at[0].set(0.0)
    return {"x": x, "table": table}

def reference(x, table):
    # nn.Embedding(vocab, d_model, padding_idx=0) lookup, scaled by sqrt(d_model)
    t = table.at[0].set(0.0)  # enforce padding row = 0 (faithful to padding_idx)
    emb = jnp.take(t, x, axis=0)
    return emb * math.sqrt(D_MODEL)

if __name__ == "__main__":
    import jax
    _d = setup_inputs()
    print(jax.jit(kernel)(*tuple(_d.values())))

</pallas_src>

<mosaic_0001>
#map = affine_map<(d0, d1) -> (0, 0, 0)>
#map1 = affine_map<(d0, d1) -> (0, 0)>
module attributes {stable_mosaic.version = 14 : i64} {
  func.func @emb_kernel(%arg0: i32, %arg1: i32, %arg2: memref<32x200x128xi32, #tpu.memory_space<hbm>>, %arg3: memref<1000000x128xf32, #tpu.memory_space<hbm>>, %arg4: memref<409600x128xf32, #tpu.memory_space<hbm>>, %arg5: memref<200x128xi32, #tpu.memory_space<vmem>>, %arg6: memref<2x128x128xf32, #tpu.memory_space<vmem>>, %arg7: memref<2x64x128xf32, #tpu.memory_space<vmem>>, %arg8: memref<!tpu.dma_semaphore, #tpu.memory_space<semaphore_mem>>, %arg9: memref<!tpu.dma_semaphore, #tpu.memory_space<semaphore_mem>>, %arg10: memref<!tpu.dma_semaphore, #tpu.memory_space<semaphore_mem>>, %arg11: memref<!tpu.dma_semaphore, #tpu.memory_space<semaphore_mem>>) attributes {dimension_semantics = [#tpu.dimension_semantics<core_parallel>, #tpu.dimension_semantics<subcore_parallel>], iteration_bounds = array<i64: 2, 16>, scalar_prefetch = 0 : i64, scratch_operands = 7 : i64, tpu.core_type = #tpu.core_type<sc_vector_subcore>, window_params = [{transform_indices = #map}, {transform_indices = #map1}, {transform_indices = #map1}]} {
    %mul3A = arith.constant 2 : i32
    %mul3A_0 = arith.muli %arg1, %mul3A : i32
    %add3A = arith.addi %mul3A_0, %arg0 : i32
    "tpu.region"() ({
      %run_scoped3A = tpu.sem_alloc : memref<!tpu.dma_semaphore, #tpu.memory_space<semaphore_mem>>
      %dma_start3A_248 = arith.constant 0 : i32
      %dma_start3A_249 = arith.constant 0 : i32
      %dma_start3A_250 = tpu.memref_slice %arg2[%add3A, %dma_start3A_248, %dma_start3A_249] : memref<32x200x128xi32, #tpu.memory_space<hbm>> -> memref<1x200x128xi32, #tpu.memory_space<hbm>>
      %dma_start3A_251 = tpu.memref_squeeze %dma_start3A_250 : memref<1x200x128xi32, #tpu.memory_space<hbm>> -> memref<200x128xi32, #tpu.memory_space<hbm>>
      %dma_start3A_252 = arith.constant 0 : i32
      %dma_start3A_253 = arith.constant 0 : i32
      %dma_start3A_254 = tpu.memref_slice %arg2[%add3A, %dma_start3A_252, %dma_start3A_253] : memref<32x200x128xi32, #tpu.memory_space<hbm>> -> memref<1x200x128xi32, #tpu.memory_space<hbm>>
      %dma_start3A_255 = tpu.memref_squeeze %dma_start3A_254 : memref<1x200x128xi32, #tpu.memory_space<hbm>> -> memref<200x128xi32, #tpu.memory_space<hbm>>
      tpu.enqueue_dma source(%dma_start3A_255 : memref<200x128xi32, #tpu.memory_space<hbm>>) target(%arg5 : memref<200x128xi32, #tpu.memory_space<vmem>>) target_semaphore(%run_scoped3A : memref<!tpu.dma_semaphore, #tpu.memory_space<semaphore_mem>>)
      %dma_wait3A_256 = arith.constant 0 : i32
      %dma_wait3A_257 = arith.constant 0 : i32
      %dma_wait3A_258 = tpu.memref_slice %arg2[%add3A, %dma_wait3A_256, %dma_wait3A_257] : memref<32x200x128xi32, #tpu.memory_space<hbm>> -> memref<1x200x128xi32, #tpu.memory_space<hbm>>
      %dma_wait3A_259 = tpu.memref_squeeze %dma_wait3A_258 : memref<1x200x128xi32, #tpu.memory_space<hbm>> -> memref<200x128xi32, #tpu.memory_space<hbm>>
      %dma_wait3A_260 = arith.constant 0 : i32
      %dma_wait3A_261 = arith.constant 0 : i32
      %dma_wait3A_262 = tpu.memref_slice %arg2[%add3A, %dma_wait3A_260, %dma_wait3A_261] : memref<32x200x128xi32, #tpu.memory_space<hbm>> -> memref<1x200x128xi32, #tpu.memory_space<hbm>>
      %dma_wait3A_263 = tpu.memref_squeeze %dma_wait3A_262 : memref<1x200x128xi32, #tpu.memory_space<hbm>> -> memref<200x128xi32, #tpu.memory_space<hbm>>
      tpu.wait_dma2 semaphore(%run_scoped3A : memref<!tpu.dma_semaphore, #tpu.memory_space<semaphore_mem>>) src(%dma_wait3A_263 : memref<200x128xi32, #tpu.memory_space<hbm>>) dst(%arg5 : memref<200x128xi32, #tpu.memory_space<vmem>>)
      tpu.yield
    }) : () -> ()
    %mul3A_1 = arith.constant 200 : i32
    %mul3A_2 = arith.muli %add3A, %mul3A_1 : i32
    %dma_start3A = arith.constant 0 : i32
    %dma_start3A_3 = arith.constant 0 : i32
    %dma_start3A_4 = arith.constant 0 : i32
    %dma_start3A_5 = arith.constant 0 : i32
    %dma_start3A_6 = tpu.memref_slice %arg6[%dma_start3A_3, %dma_start3A_4, %dma_start3A_5] : memref<2x128x128xf32, #tpu.memory_space<vmem>> -> memref<1x128x128xf32, #tpu.memory_space<vmem>>
    %dma_start3A_7 = tpu.memref_squeeze %dma_start3A_6 : memref<1x128x128xf32, #tpu.memory_space<vmem>> -> memref<128x128xf32, #tpu.memory_space<vmem>>
    %dma_start3A_8 = arith.constant 0 : i32
    %dma_start3A_9 = tpu.memref_slice %arg5[%dma_start3A, %dma_start3A_8] : memref<200x128xi32, #tpu.memory_space<vmem>> -> memref<1x128xi32, #tpu.memory_space<vmem>>
    %dma_start3A_10 = tpu.memref_squeeze %dma_start3A_9 : memref<1x128xi32, #tpu.memory_space<vmem>> -> memref<128xi32, #tpu.memory_space<vmem>>
    %dma_start3A_11 = arith.constant 0 : i32
    %dma_start3A_12 = arith.constant 0 : i32
    %dma_start3A_13 = tpu.memref_slice %arg3[%dma_start3A_11, %dma_start3A_12] : memref<1000000x128xf32, #tpu.memory_space<hbm>> -> memref<1000000x128xf32, #tpu.memory_space<hbm>>
    tpu.enqueue_indirect_dma source(%dma_start3A_13 : memref<1000000x128xf32, #tpu.memory_space<hbm>>) target(%dma_start3A_7 : memref<128x128xf32, #tpu.memory_space<vmem>>) offsets(%dma_start3A_10 : memref<128xi32, #tpu.memory_space<vmem>>) semaphore(%arg8 : memref<!tpu.dma_semaphore, #tpu.memory_space<semaphore_mem>>)
    %dma_start3A_14 = arith.constant 1 : i32
    %dma_start3A_15 = arith.constant 1 : i32
    %dma_start3A_16 = arith.constant 0 : i32
    %dma_start3A_17 = arith.constant 0 : i32
    %dma_start3A_18 = tpu.memref_slice %arg6[%dma_start3A_15, %dma_start3A_16, %dma_start3A_17] : memref<2x128x128xf32, #tpu.memory_space<vmem>> -> memref<1x128x128xf32, #tpu.memory_space<vmem>>
    %dma_start3A_19 = tpu.memref_squeeze %dma_start3A_18 : memref<1x128x128xf32, #tpu.memory_space<vmem>> -> memref<128x128xf32, #tpu.memory_space<vmem>>
    %dma_start3A_20 = arith.constant 0 : i32
    %dma_start3A_21 = tpu.memref_slice %arg5[%dma_start3A_14, %dma_start3A_20] : memref<200x128xi32, #tpu.memory_space<vmem>> -> memref<1x128xi32, #tpu.memory_space<vmem>>
    %dma_start3A_22 = tpu.memref_squeeze %dma_start3A_21 : memref<1x128xi32, #tpu.memory_space<vmem>> -> memref<128xi32, #tpu.memory_space<vmem>>
    %dma_start3A_23 = arith.constant 0 : i32
    %dma_start3A_24 = arith.constant 0 : i32
    %dma_start3A_25 = tpu.memref_slice %arg3[%dma_start3A_23, %dma_start3A_24] : memref<1000000x128xf32, #tpu.memory_space<hbm>> -> memref<1000000x128xf32, #tpu.memory_space<hbm>>
    tpu.enqueue_indirect_dma source(%dma_start3A_25 : memref<1000000x128xf32, #tpu.memory_space<hbm>>) target(%dma_start3A_19 : memref<128x128xf32, #tpu.memory_space<vmem>>) offsets(%dma_start3A_22 : memref<128xi32, #tpu.memory_space<vmem>>) semaphore(%arg9 : memref<!tpu.dma_semaphore, #tpu.memory_space<semaphore_mem>>)
    %dma_wait3A = arith.constant 0 : i32
    %dma_wait3A_26 = arith.constant 0 : i32
    %dma_wait3A_27 = arith.constant 0 : i32
    %dma_wait3A_28 = arith.constant 0 : i32
    %dma_wait3A_29 = tpu.memref_slice %arg6[%dma_wait3A_26, %dma_wait3A_27, %dma_wait3A_28] : memref<2x128x128xf32, #tpu.memory_space<vmem>> -> memref<1x128x128xf32, #tpu.memory_space<vmem>>
    %dma_wait3A_30 = tpu.memref_squeeze %dma_wait3A_29 : memref<1x128x128xf32, #tpu.memory_space<vmem>> -> memref<128x128xf32, #tpu.memory_space<vmem>>
    %dma_wait3A_31 = arith.constant 0 : i32
    %dma_wait3A_32 = tpu.memref_slice %arg5[%dma_wait3A, %dma_wait3A_31] : memref<200x128xi32, #tpu.memory_space<vmem>> -> memref<1x128xi32, #tpu.memory_space<vmem>>
    %dma_wait3A_33 = tpu.memref_squeeze %dma_wait3A_32 : memref<1x128xi32, #tpu.memory_space<vmem>> -> memref<128xi32, #tpu.memory_space<vmem>>
    %dma_wait3A_34 = arith.constant 0 : i32
    %dma_wait3A_35 = arith.constant 0 : i32
    %dma_wait3A_36 = tpu.memref_slice %arg3[%dma_wait3A_34, %dma_wait3A_35] : memref<1000000x128xf32, #tpu.memory_space<hbm>> -> memref<1000000x128xf32, #tpu.memory_space<hbm>>
    tpu.wait_indirect_dma semaphore(%arg8 : memref<!tpu.dma_semaphore, #tpu.memory_space<semaphore_mem>>) src(%dma_wait3A_36 : memref<1000000x128xf32, #tpu.memory_space<hbm>>) dst(%dma_wait3A_30 : memref<128x128xf32, #tpu.memory_space<vmem>>)
    %parallel_loop3A = arith.constant 0 : i32
    %parallel_loop3A_37 = arith.constant 128 : i32
    %parallel_loop3A_38 = arith.constant 1 : i32
    scf.for %parallel_loop3A_248 = %parallel_loop3A to %parallel_loop3A_37 step %parallel_loop3A_38  : i32 {
      %parallel_loop3A_249 = arith.constant 0 : i32
      %parallel_loop3A_250 = arith.index_cast %parallel_loop3A_249 : i32 to index
      %parallel_loop3A_251 = arith.index_cast %parallel_loop3A_248 : i32 to index
      %parallel_loop3A_252 = arith.constant 0 : index
      %parallel_loop3A_253 = tpu.vector_load %arg6[%parallel_loop3A_250, %parallel_loop3A_251, %parallel_loop3A_252] {strides = array<i32>} : memref<2x128x128xf32, #tpu.memory_space<vmem>>, vector<1x1x16xf32>,
      %parallel_loop3A_254 = vector.shape_cast %parallel_loop3A_253 : vector<1x1x16xf32> to vector<16xf32>
      %parallel_loop3A_255 = arith.constant 8.000000e+00 : f32
      %parallel_loop3A_256 = vector.broadcast %parallel_loop3A_255 : f32 to vector<16xf32>
      %parallel_loop3A_257 = arith.mulf %parallel_loop3A_254, %parallel_loop3A_256 : vector<16xf32>
      %parallel_loop3A_258 = arith.constant 2 : i32
      %parallel_loop3A_259 = arith.divsi %parallel_loop3A_248, %parallel_loop3A_258 : i32
      %parallel_loop3A_260 = arith.constant 0 : i32
      %parallel_loop3A_261 = arith.cmpi sgt, %parallel_loop3A_248, %parallel_loop3A_260 : i32
      %parallel_loop3A_262 = arith.extui %parallel_loop3A_261 : i1 to i32
      %parallel_loop3A_263 = arith.constant 0 : i32
      %parallel_loop3A_264 = arith.cmpi slt, %parallel_loop3A_248, %parallel_loop3A_263 : i32
      %parallel_loop3A_265 = arith.extui %parallel_loop3A_264 : i1 to i32
      %parallel_loop3A_266 = arith.subi %parallel_loop3A_262, %parallel_loop3A_265 : i32
      %parallel_loop3A_267 = arith.constant 0 : i32
      %parallel_loop3A_268 = arith.cmpi sgt, %parallel_loop3A_258, %parallel_loop3A_267 : i32
      %parallel_loop3A_269 = arith.extui %parallel_loop3A_268 : i1 to i32
      %parallel_loop3A_270 = arith.constant 0 : i32
      %parallel_loop3A_271 = arith.cmpi slt, %parallel_loop3A_258, %parallel_loop3A_270 : i32
      %parallel_loop3A_272 = arith.extui %parallel_loop3A_271 : i1 to i32
      %parallel_loop3A_273 = arith.subi %parallel_loop3A_269, %parallel_loop3A_272 : i32
      %parallel_loop3A_274 = arith.cmpi ne, %parallel_loop3A_266, %parallel_loop3A_273 : i32
      %parallel_loop3A_275 = arith.remsi %parallel_loop3A_248, %parallel_loop3A_258 : i32
      %parallel_loop3A_276 = arith.constant 0 : i32
      %parallel_loop3A_277 = arith.cmpi ne, %parallel_loop3A_275, %parallel_loop3A_276 : i32
      %parallel_loop3A_278 = arith.andi %parallel_loop3A_274, %parallel_loop3A_277 : i1
      %parallel_loop3A_279 = arith.constant 1 : i32
      %parallel_loop3A_280 = arith.subi %parallel_loop3A_259, %parallel_loop3A_279 : i32
      %parallel_loop3A_281 = arith.select %parallel_loop3A_278, %parallel_loop3A_280, %parallel_loop3A_259 : i32
      %parallel_loop3A_282 = arith.constant 2 : i32
      %parallel_loop3A_283 = arith.constant 0 : i32
      %parallel_loop3A_284 = arith.cmpi eq, %parallel_loop3A_282, %parallel_loop3A_283 : i32
      %parallel_loop3A_285 = arith.constant 1 : i32
      %parallel_loop3A_286 = arith.select %parallel_loop3A_284, %parallel_loop3A_285, %parallel_loop3A_282 : i32
      %parallel_loop3A_287 = arith.remsi %parallel_loop3A_248, %parallel_loop3A_286 : i32
      %parallel_loop3A_288 = arith.constant 0 : i32
      %parallel_loop3A_289 = arith.cmpi ne, %parallel_loop3A_287, %parallel_loop3A_288 : i32
      %parallel_loop3A_290 = arith.constant 0 : i32
      %parallel_loop3A_291 = arith.cmpi slt, %parallel_loop3A_287, %parallel_loop3A_290 : i32
      %parallel_loop3A_292 = arith.constant 0 : i32
      %parallel_loop3A_293 = arith.cmpi slt, %parallel_loop3A_286, %parallel_loop3A_292 : i32
      %parallel_loop3A_294 = arith.xori %parallel_loop3A_291, %parallel_loop3A_293 : i1
      %parallel_loop3A_295 = arith.andi %parallel_loop3A_294, %parallel_loop3A_289 : i1
      %parallel_loop3A_296 = arith.addi %parallel_loop3A_287, %parallel_loop3A_286 : i32
      %parallel_loop3A_297 = arith.select %parallel_loop3A_295, %parallel_loop3A_296, %parallel_loop3A_287 : i32
      %parallel_loop3A_298 = arith.constant 64 : i32
      %parallel_loop3A_299 = arith.muli %parallel_loop3A_297, %parallel_loop3A_298 : i32
      %parallel_loop3A_300 = arith.constant 0 : i32
      %parallel_loop3A_301 = arith.addi %parallel_loop3A_299, %parallel_loop3A_300 : i32
      %parallel_loop3A_302 = arith.constant 0 : i32
      %parallel_loop3A_303 = arith.index_cast %parallel_loop3A_302 : i32 to index
      %parallel_loop3A_304 = arith.index_cast %parallel_loop3A_281 : i32 to index
      %parallel_loop3A_305 = arith.index_cast %parallel_loop3A_301 : i32 to index
      %parallel_loop3A_306 = tpu.vector_load %arg7[%parallel_loop3A_303, %parallel_loop3A_304, %parallel_loop3A_305] {strides = array<i32>} : memref<2x64x128xf32, #tpu.memory_space<vmem>>, vector<1x1x16xf32>,
      %parallel_loop3A_307 = vector.shape_cast %parallel_loop3A_306 : vector<1x1x16xf32> to vector<16xf32>
      %parallel_loop3A_308 = vector.shape_cast %parallel_loop3A_257 : vector<16xf32> to vector<1x1x16xf32>
      tpu.vector_store %arg7[%parallel_loop3A_303, %parallel_loop3A_304, %parallel_loop3A_305], %parallel_loop3A_308 {strides = array<i32>} : memref<2x64x128xf32, #tpu.memory_space<vmem>>, vector<1x1x16xf32>,
      %parallel_loop3A_309 = arith.constant 0 : i32
      %parallel_loop3A_310 = arith.index_cast %parallel_loop3A_309 : i32 to index
      %parallel_loop3A_311 = arith.index_cast %parallel_loop3A_248 : i32 to index
      %parallel_loop3A_312 = arith.constant 16 : index
      %parallel_loop3A_313 = tpu.vector_load %arg6[%parallel_loop3A_310, %parallel_loop3A_311, %parallel_loop3A_312] {strides = array<i32>} : memref<2x128x128xf32, #tpu.memory_space<vmem>>, vector<1x1x16xf32>,
      %parallel_loop3A_314 = vector.shape_cast %parallel_loop3A_313 : vector<1x1x16xf32> to vector<16xf32>
      %parallel_loop3A_315 = arith.constant 8.000000e+00 : f32
      %parallel_loop3A_316 = vector.broadcast %parallel_loop3A_315 : f32 to vector<16xf32>
      %parallel_loop3A_317 = arith.mulf %parallel_loop3A_314, %parallel_loop3A_316 : vector<16xf32>
      %parallel_loop3A_318 = arith.constant 2 : i32
      %parallel_loop3A_319 = arith.divsi %parallel_loop3A_248, %parallel_loop3A_318 : i32
      %parallel_loop3A_320 = arith.constant 0 : i32
      %parallel_loop3A_321 = arith.cmpi sgt, %parallel_loop3A_248, %parallel_loop3A_320 : i32
      %parallel_loop3A_322 = arith.extui %parallel_loop3A_321 : i1 to i32
      %parallel_loop3A_323 = arith.constant 0 : i32
      %parallel_loop3A_324 = arith.cmpi slt, %parallel_loop3A_248, %parallel_loop3A_323 : i32
      %parallel_loop3A_325 = arith.extui %parallel_loop3A_324 : i1 to i32
      %parallel_loop3A_326 = arith.subi %parallel_loop3A_322, %parallel_loop3A_325 : i32
      %parallel_loop3A_327 = arith.constant 0 : i32
      %parallel_loop3A_328 = arith.cmpi sgt, %parallel_loop3A_318, %parallel_loop3A_327 : i32
      %parallel_loop3A_329 = arith.extui %parallel_loop3A_328 : i1 to i32
      %parallel_loop3A_330 = arith.constant 0 : i32
      %parallel_loop3A_331 = arith.cmpi slt, %parallel_loop3A_318, %parallel_loop3A_330 : i32
      %parallel_loop3A_332 = arith.extui %parallel_loop3A_331 : i1 to i32
      %parallel_loop3A_333 = arith.subi %parallel_loop3A_329, %parallel_loop3A_332 : i32
      %parallel_loop3A_334 = arith.cmpi ne, %parallel_loop3A_326, %parallel_loop3A_333 : i32
      %parallel_loop3A_335 = arith.remsi %parallel_loop3A_248, %parallel_loop3A_318 : i32
      %parallel_loop3A_336 = arith.constant 0 : i32
      %parallel_loop3A_337 = arith.cmpi ne, %parallel_loop3A_335, %parallel_loop3A_336 : i32
      %parallel_loop3A_338 = arith.andi %parallel_loop3A_334, %parallel_loop3A_337 : i1
      %parallel_loop3A_339 = arith.constant 1 : i32
      %parallel_loop3A_340 = arith.subi %parallel_loop3A_319, %parallel_loop3A_339 : i32
      %parallel_loop3A_341 = arith.select %parallel_loop3A_338, %parallel_loop3A_340, %parallel_loop3A_319 : i32
      %parallel_loop3A_342 = arith.constant 2 : i32
      %parallel_loop3A_343 = arith.constant 0 : i32
      %parallel_loop3A_344 = arith.cmpi eq, %parallel_loop3A_342, %parallel_loop3A_343 : i32
      %parallel_loop3A_345 = arith.constant 1 : i32
      %parallel_loop3A_346 = arith.select %parallel_loop3A_344, %parallel_loop3A_345, %parallel_loop3A_342 : i32
      %parallel_loop3A_347 = arith.remsi %parallel_loop3A_248, %parallel_loop3A_346 : i32
      %parallel_loop3A_348 = arith.constant 0 : i32
      %parallel_loop3A_349 = arith.cmpi ne, %parallel_loop3A_347, %parallel_loop3A_348 : i32
      %parallel_loop3A_350 = arith.constant 0 : i32
      %parallel_loop3A_351 = arith.cmpi slt, %parallel_loop3A_347, %parallel_loop3A_350 : i32
      %parallel_loop3A_352 = arith.constant 0 : i32
      %parallel_loop3A_353 = arith.cmpi slt, %parallel_loop3A_346, %parallel_loop3A_352 : i32
      %parallel_loop3A_354 = arith.xori %parallel_loop3A_351, %parallel_loop3A_353 : i1
      %parallel_loop3A_355 = arith.andi %parallel_loop3A_354, %parallel_loop3A_349 : i1
      %parallel_loop3A_356 = arith.addi %parallel_loop3A_347, %parallel_loop3A_346 : i32
      %parallel_loop3A_357 = arith.select %parallel_loop3A_355, %parallel_loop3A_356, %parallel_loop3A_347 : i32
      %parallel_loop3A_358 = arith.constant 64 : i32
      %parallel_loop3A_359 = arith.muli %parallel_loop3A_357, %parallel_loop3A_358 : i32
      %parallel_loop3A_360 = arith.constant 16 : i32
      %parallel_loop3A_361 = arith.addi %parallel_loop3A_359, %parallel_loop3A_360 : i32
      %parallel_loop3A_362 = arith.constant 0 : i32
      %parallel_loop3A_363 = arith.index_cast %parallel_loop3A_362 : i32 to index
      %parallel_loop3A_364 = arith.index_cast %parallel_loop3A_341 : i32 to index
      %parallel_loop3A_365 = arith.index_cast %parallel_loop3A_361 : i32 to index
      %parallel_loop3A_366 = tpu.vector_load %arg7[%parallel_loop3A_363, %parallel_loop3A_364, %parallel_loop3A_365] {strides = array<i32>} : memref<2x64x128xf32, #tpu.memory_space<vmem>>, vector<1x1x16xf32>,
      %parallel_loop3A_367 = vector.shape_cast %parallel_loop3A_366 : vector<1x1x16xf32> to vector<16xf32>
      %parallel_loop3A_368 = vector.shape_cast %parallel_loop3A_317 : vector<16xf32> to vector<1x1x16xf32>
      tpu.vector_store %arg7[%parallel_loop3A_363, %parallel_loop3A_364, %parallel_loop3A_365], %parallel_loop3A_368 {strides = array<i32>} : memref<2x64x128xf32, #tpu.memory_space<vmem>>, vector<1x1x16xf32>,
      %parallel_loop3A_369 = arith.constant 0 : i32
      %parallel_loop3A_370 = arith.index_cast %parallel_loop3A_369 : i32 to index
      %parallel_loop3A_371 = arith.index_cast %parallel_loop3A_248 : i32 to index
      %parallel_loop3A_372 = arith.constant 32 : index
      %parallel_loop3A_373 = tpu.vector_load %arg6[%parallel_loop3A_370, %parallel_loop3A_371, %parallel_loop3A_372] {strides = array<i32>} : memref<2x128x128xf32, #tpu.memory_space<vmem>>, vector<1x1x16xf32>,
      %parallel_loop3A_374 = vector.shape_cast %parallel_loop3A_373 : vector<1x1x16xf32> to vector<16xf32>
      %parallel_loop3A_375 = arith.constant 8.000000e+00 : f32
      %parallel_loop3A_376 = vector.broadcast %parallel_loop3A_375 : f32 to vector<16xf32>
      %parallel_loop3A_377 = arith.mulf %parallel_loop3A_374, %parallel_loop3A_376 : vector<16xf32>
      %parallel_loop3A_378 = arith.constant 2 : i32
      %parallel_loop3A_379 = arith.divsi %parallel_loop3A_248, %parallel_loop3A_378 : i32
      %parallel_loop3A_380 = arith.constant 0 : i32
      %parallel_loop3A_381 = arith.cmpi sgt, %parallel_loop3A_248, %parallel_loop3A_380 : i32
      %parallel_loop3A_382 = arith.extui %parallel_loop3A_381 : i1 to i32
      %parallel_loop3A_383 = arith.constant 0 : i32
      %parallel_loop3A_384 = arith.cmpi slt, %parallel_loop3A_248, %parallel_loop3A_383 : i32
      %parallel_loop3A_385 = arith.extui %parallel_loop3A_384 : i1 to i32
      %parallel_loop3A_386 = arith.subi %parallel_loop3A_382, %parallel_loop3A_385 : i32
      %parallel_loop3A_387 = arith.constant 0 : i32
      %parallel_loop3A_388 = arith.cmpi sgt, %parallel_loop3A_378, %parallel_loop3A_387 : i32
      %parallel_loop3A_389 = arith.extui %parallel_loop3A_388 : i1 to i32
      %parallel_loop3A_390 = arith.constant 0 : i32
      %parallel_loop3A_391 = arith.cmpi slt, %parallel_loop3A_378, %parallel_loop3A_390 : i32
      %parallel_loop3A_392 = arith.extui %parallel_loop3A_391 : i1 to i32
      %parallel_loop3A_393 = arith.subi %parallel_loop3A_389, %parallel_loop3A_392 : i32
      %parallel_loop3A_394 = arith.cmpi ne, %parallel_loop3A_386, %parallel_loop3A_393 : i32
      %parallel_loop3A_395 = arith.remsi %parallel_loop3A_248, %parallel_loop3A_378 : i32
      %parallel_loop3A_396 = arith.constant 0 : i32
      %parallel_loop3A_397 = arith.cmpi ne, %parallel_loop3A_395, %parallel_loop3A_396 : i32
      %parallel_loop3A_398 = arith.andi %parallel_loop3A_394, %parallel_loop3A_397 : i1
      %parallel_loop3A_399 = arith.constant 1 : i32
      %parallel_loop3A_400 = arith.subi %parallel_loop3A_379, %parallel_loop3A_399 : i32
      %parallel_loop3A_401 = arith.select %parallel_loop3A_398, %parallel_loop3A_400, %parallel_loop3A_379 : i32
      %parallel_loop3A_402 = arith.constant 2 : i32
      %parallel_loop3A_403 = arith.constant 0 : i32
      %parallel_loop3A_404 = arith.cmpi eq, %parallel_loop3A_402, %parallel_loop3A_403 : i32
      %parallel_loop3A_405 = arith.constant 1 : i32
      %parallel_loop3A_406 = arith.select %parallel_loop3A_404, %parallel_loop3A_405, %parallel_loop3A_402 : i32
      %parallel_loop3A_407 = arith.remsi %parallel_loop3A_248, %parallel_loop3A_406 : i32
      %parallel_loop3A_408 = arith.constant 0 : i32
      %parallel_loop3A_409 = arith.cmpi ne, %parallel_loop3A_407, %parallel_loop3A_408 : i32
      %parallel_loop3A_410 = arith.constant 0 : i32
      %parallel_loop3A_411 = arith.cmpi slt, %parallel_loop3A_407, %parallel_loop3A_410 : i32
      %parallel_loop3A_412 = arith.constant 0 : i32
      %parallel_loop3A_413 = arith.cmpi slt, %parallel_loop3A_406, %parallel_loop3A_412 : i32
      %parallel_loop3A_414 = arith.xori %parallel_loop3A_411, %parallel_loop3A_413 : i1
      %parallel_loop3A_415 = arith.andi %parallel_loop3A_414, %parallel_loop3A_409 : i1
      %parallel_loop3A_416 = arith.addi %parallel_loop3A_407, %parallel_loop3A_406 : i32
      %parallel_loop3A_417 = arith.select %parallel_loop3A_415, %parallel_loop3A_416, %parallel_loop3A_407 : i32
      %parallel_loop3A_418 = arith.constant 64 : i32
      %parallel_loop3A_419 = arith.muli %parallel_loop3A_417, %parallel_loop3A_418 : i32
      %parallel_loop3A_420 = arith.constant 32 : i32
      %parallel_loop3A_421 = arith.addi %parallel_loop3A_419, %parallel_loop3A_420 : i32
      %parallel_loop3A_422 = arith.constant 0 : i32
      %parallel_loop3A_423 = arith.index_cast %parallel_loop3A_422 : i32 to index
      %parallel_loop3A_424 = arith.index_cast %parallel_loop3A_401 : i32 to index
      %parallel_loop3A_425 = arith.index_cast %parallel_loop3A_421 : i32 to index
      %parallel_loop3A_426 = tpu.vector_load %arg7[%parallel_loop3A_423, %parallel_loop3A_424, %parallel_loop3A_425] {strides = array<i32>} : memref<2x64x128xf32, #tpu.memory_space<vmem>>, vector<1x1x16xf32>,
      %parallel_loop3A_427 = vector.shape_cast %parallel_loop3A_426 : vector<1x1x16xf32> to vector<16xf32>
      %parallel_loop3A_428 = vector.shape_cast %parallel_loop3A_377 : vector<16xf32> to vector<1x1x16xf32>
      tpu.vector_store %arg7[%parallel_loop3A_423, %parallel_loop3A_424, %parallel_loop3A_425], %parallel_loop3A_428 {strides = array<i32>} : memref<2x64x128xf32, #tpu.memory_space<vmem>>, vector<1x1x16xf32>,
      %parallel_loop3A_429 = arith.constant 0 : i32
      %parallel_loop3A_430 = arith.index_cast %parallel_loop3A_429 : i32 to index
      %parallel_loop3A_431 = arith.index_cast %parallel_loop3A_248 : i32 to index
      %parallel_loop3A_432 = arith.constant 48 : index
      %parallel_loop3A_433 = tpu.vector_load %arg6[%parallel_loop3A_430, %parallel_loop3A_431, %parallel_loop3A_432] {strides = array<i32>} : memref<2x128x128xf32, #tpu.memory_space<vmem>>, vector<1x1x16xf32>,
      %parallel_loop3A_434 = vector.shape_cast %parallel_loop3A_433 : vector<1x1x16xf32> to vector<16xf32>
      %parallel_loop3A_435 = arith.constant 8.000000e+00 : f32
      %parallel_loop3A_436 = vector.broadcast %parallel_loop3A_435 : f32 to vector<16xf32>
      %parallel_loop3A_437 = arith.mulf %parallel_loop3A_434, %parallel_loop3A_436 : vector<16xf32>
      %parallel_loop3A_438 = arith.constant 2 : i32
      %parallel_loop3A_439 = arith.divsi %parallel_loop3A_248, %parallel_loop3A_438 : i32
      %parallel_loop3A_440 = arith.constant 0 : i32
      %parallel_loop3A_441 = arith.cmpi sgt, %parallel_loop3A_248, %parallel_loop3A_440 : i32
      %parallel_loop3A_442 = arith.extui %parallel_loop3A_441 : i1 to i32
      %parallel_loop3A_443 = arith.constant 0 : i32
      %parallel_loop3A_444 = arith.cmpi slt, %parallel_loop3A_248, %parallel_loop3A_443 : i32
      %parallel_loop3A_445 = arith.extui %parallel_loop3A_444 : i1 to i32
      %parallel_loop3A_446 = arith.subi %parallel_loop3A_442, %parallel_loop3A_445 : i32
      %parallel_loop3A_447 = arith.constant 0 : i32
      %parallel_loop3A_448 = arith.cmpi sgt, %parallel_loop3A_438, %parallel_loop3A_447 : i32
      %parallel_loop3A_449 = arith.extui %parallel_loop3A_448 : i1 to i32
      %parallel_loop3A_450 = arith.constant 0 : i32
      %parallel_loop3A_451 = arith.cmpi slt, %parallel_loop3A_438, %parallel_loop3A_450 : i32
      %parallel_loop3A_452 = arith.extui %parallel_loop3A_451 : i1 to i32
      %parallel_loop3A_453 = arith.subi %parallel_loop3A_449, %parallel_loop3A_452 : i32
      %parallel_loop3A_454 = arith.cmpi ne, %parallel_loop3A_446, %parallel_loop3A_453 : i32
      %parallel_loop3A_455 = arith.remsi %parallel_loop3A_248, %parallel_loop3A_438 : i32
      %parallel_loop3A_456 = arith.constant 0 : i32
      %parallel_loop3A_457 = arith.cmpi ne, %parallel_loop3A_455, %parallel_loop3A_456 : i32
      %parallel_loop3A_458 = arith.andi %parallel_loop3A_454, %parallel_loop3A_457 : i1
      %parallel_loop3A_459 = arith.constant 1 : i32
      %parallel_loop3A_460 = arith.subi %parallel_loop3A_439, %parallel_loop3A_459 : i32
      %parallel_loop3A_461 = arith.select %parallel_loop3A_458, %parallel_loop3A_460, %parallel_loop3A_439 : i32
      %parallel_loop3A_462 = arith.constant 2 : i32
      %parallel_loop3A_463 = arith.constant 0 : i32
      %parallel_loop3A_464 = arith.cmpi eq, %parallel_loop3A_462, %parallel_loop3A_463 : i32
      %parallel_loop3A_465 = arith.constant 1 : i32
      %parallel_loop3A_466 = arith.select %parallel_loop3A_464, %parallel_loop3A_465, %parallel_loop3A_462 : i32
      %parallel_loop3A_467 = arith.remsi %parallel_loop3A_248, %parallel_loop3A_466 : i32
      %parallel_loop3A_468 = arith.constant 0 : i32
      %parallel_loop3A_469 = arith.cmpi ne, %parallel_loop3A_467, %parallel_loop3A_468 : i32
      %parallel_loop3A_470 = arith.constant 0 : i32
      %parallel_loop3A_471 = arith.cmpi slt, %parallel_loop3A_467, %parallel_loop3A_470 : i32
      %parallel_loop3A_472 = arith.constant 0 : i32
      %parallel_loop3A_473 = arith.cmpi slt, %parallel_loop3A_466, %parallel_loop3A_472 : i32
      %parallel_loop3A_474 = arith.xori %parallel_loop3A_471, %parallel_loop3A_473 : i1
      %parallel_loop3A_475 = arith.andi %parallel_loop3A_474, %parallel_loop3A_469 : i1
      %parallel_loop3A_476 = arith.addi %parallel_loop3A_467, %parallel_loop3A_466 : i32
      %parallel_loop3A_477 = arith.select %parallel_loop3A_475, %parallel_loop3A_476, %parallel_loop3A_467 : i32
      %parallel_loop3A_478 = arith.constant 64 : i32
      %parallel_loop3A_479 = arith.muli %parallel_loop3A_477, %parallel_loop3A_478 : i32
      %parallel_loop3A_480 = arith.constant 48 : i32
      %parallel_loop3A_481 = arith.addi %parallel_loop3A_479, %parallel_loop3A_480 : i32
      %parallel_loop3A_482 = arith.constant 0 : i32
      %parallel_loop3A_483 = arith.index_cast %parallel_loop3A_482 : i32 to index
      %parallel_loop3A_484 = arith.index_cast %parallel_loop3A_461 : i32 to index
      %parallel_loop3A_485 = arith.index_cast %parallel_loop3A_481 : i32 to index
      %parallel_loop3A_486 = tpu.vector_load %arg7[%parallel_loop3A_483, %parallel_loop3A_484, %parallel_loop3A_485] {strides = array<i32>} : memref<2x64x128xf32, #tpu.memory_space<vmem>>, vector<1x1x16xf32>,
      %parallel_loop3A_487 = vector.shape_cast %parallel_loop3A_486 : vector<1x1x16xf32> to vector<16xf32>
      %parallel_loop3A_488 = vector.shape_cast %parallel_loop3A_437 : vector<16xf32> to vector<1x1x16xf32>
      tpu.vector_store %arg7[%parallel_loop3A_483, %parallel_loop3A_484, %parallel_loop3A_485], %parallel_loop3A_488 {strides = array<i32>} : memref<2x64x128xf32, #tpu.memory_space<vmem>>, vector<1x1x16xf32>,
    } {sc.loop_unroll_factor = 4 : i64, sc.parallel_access}
    %dma_start3A_39 = arith.constant 2 : i32
    %dma_start3A_40 = arith.constant 0 : i32
    %dma_start3A_41 = arith.constant 0 : i32
    %dma_start3A_42 = arith.constant 0 : i32
    %dma_start3A_43 = tpu.memref_slice %arg6[%dma_start3A_40, %dma_start3A_41, %dma_start3A_42] : memref<2x128x128xf32, #tpu.memory_space<vmem>> -> memref<1x128x128xf32, #tpu.memory_space<vmem>>
    %dma_start3A_44 = tpu.memref_squeeze %dma_start3A_43 : memref<1x128x128xf32, #tpu.memory_space<vmem>> -> memref<128x128xf32, #tpu.memory_space<vmem>>
    %dma_start3A_45 = arith.constant 0 : i32
    %dma_start3A_46 = tpu.memref_slice %arg5[%dma_start3A_39, %dma_start3A_45] : memref<200x128xi32, #tpu.memory_space<vmem>> -> memref<1x128xi32, #tpu.memory_space<vmem>>
    %dma_start3A_47 = tpu.memref_squeeze %dma_start3A_46 : memref<1x128xi32, #tpu.memory_space<vmem>> -> memref<128xi32, #tpu.memory_space<vmem>>
    %dma_start3A_48 = arith.constant 0 : i32
    %dma_start3A_49 = arith.constant 0 : i32
    %dma_start3A_50 = tpu.memref_slice %arg3[%dma_start3A_48, %dma_start3A_49] : memref<1000000x128xf32, #tpu.memory_space<hbm>> -> memref<1000000x128xf32, #tpu.memory_space<hbm>>
    tpu.enqueue_indirect_dma source(%dma_start3A_50 : memref<1000000x128xf32, #tpu.memory_space<hbm>>) target(%dma_start3A_44 : memref<128x128xf32, #tpu.memory_space<vmem>>) offsets(%dma_start3A_47 : memref<128xi32, #tpu.memory_space<vmem>>) semaphore(%arg8 : memref<!tpu.dma_semaphore, #tpu.memory_space<semaphore_mem>>)
    %add3A_51 = arith.constant 0 : i32
    %add3A_52 = arith.addi %mul3A_2, %add3A_51 : i32
    %mul3A_53 = arith.constant 64 : i32
    %mul3A_54 = arith.muli %add3A_52, %mul3A_53 : i32
    %dma_start3A_55 = arith.constant 0 : i32
    %dma_start3A_56 = arith.constant 0 : i32
    %dma_start3A_57 = arith.constant 0 : i32
    %dma_start3A_58 = tpu.memref_slice %arg7[%dma_start3A_55, %dma_start3A_56, %dma_start3A_57] : memref<2x64x128xf32, #tpu.memory_space<vmem>> -> memref<1x64x128xf32, #tpu.memory_space<vmem>>
    %dma_start3A_59 = tpu.memref_squeeze %dma_start3A_58 : memref<1x64x128xf32, #tpu.memory_space<vmem>> -> memref<64x128xf32, #tpu.memory_space<vmem>>
    %dma_start3A_60 = arith.constant 0 : i32
    %dma_start3A_61 = tpu.memref_slice %arg4[%mul3A_54, %dma_start3A_60] : memref<409600x128xf32, #tpu.memory_space<hbm>> -> memref<64x128xf32, #tpu.memory_space<hbm>>
    %dma_start3A_62 = arith.constant 0 : i32
    %dma_start3A_63 = tpu.memref_slice %arg4[%mul3A_54, %dma_start3A_62] : memref<409600x128xf32, #tpu.memory_space<hbm>> -> memref<64x128xf32, #tpu.memory_space<hbm>>
    %dma_start3A_64 = arith.constant 0 : i32
    %dma_start3A_65 = arith.constant 0 : i32
    %dma_start3A_66 = tpu.memref_slice %arg7[%dma_start3A_55, %dma_start3A_64, %dma_start3A_65] : memref<2x64x128xf32, #tpu.memory_space<vmem>> -> memref<1x64x128xf32, #tpu.memory_space<vmem>>
    %dma_start3A_67 = tpu.memref_squeeze %dma_start3A_66 : memref<1x64x128xf32, #tpu.memory_space<vmem>> -> memref<64x128xf32, #tpu.memory_space<vmem>>
    tpu.enqueue_dma source(%dma_start3A_67 : memref<64x128xf32, #tpu.memory_space<vmem>>) target(%dma_start3A_63 : memref<64x128xf32, #tpu.memory_space<hbm>>) target_semaphore(%arg10 : memref<!tpu.dma_semaphore, #tpu.memory_space<semaphore_mem>>)
    %dma_wait3A_68 = arith.constant 1 : i32
    %dma_wait3A_69 = arith.constant 1 : i32
    %dma_wait3A_70 = arith.constant 0 : i32
    %dma_wait3A_71 = arith.constant 0 : i32
    %dma_wait3A_72 = tpu.memref_slice %arg6[%dma_wait3A_69, %dma_wait3A_70, %dma_wait3A_71] : memref<2x128x128xf32, #tpu.memory_space<vmem>> -> memref<1x128x128xf32, #tpu.memory_space<vmem>>
    %dma_wait3A_73 = tpu.memref_squeeze %dma_wait3A_72 : memref<1x128x128xf32, #tpu.memory_space<vmem>> -> memref<128x128xf32, #tpu.memory_space<vmem>>
    %dma_wait3A_74 = arith.constant 0 : i32
    %dma_wait3A_75 = tpu.memref_slice %arg5[%dma_wait3A_68, %dma_wait3A_74] : memref<200x128xi32, #tpu.memory_space<vmem>> -> memref<1x128xi32, #tpu.memory_space<vmem>>
    %dma_wait3A_76 = tpu.memref_squeeze %dma_wait3A_75 : memref<1x128xi32, #tpu.memory_space<vmem>> -> memref<128xi32, #tpu.memory_space<vmem>>
    %dma_wait3A_77 = arith.constant 0 : i32
    %dma_wait3A_78 = arith.constant 0 : i32
    %dma_wait3A_79 = tpu.memref_slice %arg3[%dma_wait3A_77, %dma_wait3A_78] : memref<1000000x128xf32, #tpu.memory_space<hbm>> -> memref<1000000x128xf32, #tpu.memory_space<hbm>>
    tpu.wait_indirect_dma semaphore(%arg9 : memref<!tpu.dma_semaphore, #tpu.memory_space<semaphore_mem>>) src(%dma_wait3A_79 : memref<1000000x128xf32, #tpu.memory_space<hbm>>) dst(%dma_wait3A_73 : memref<128x128xf32, #tpu.memory_space<vmem>>)
    %parallel_loop3A_80 = arith.constant 0 : i32
    %parallel_loop3A_81 = arith.constant 128 : i32
    %parallel_loop3A_82 = arith.constant 1 : i32
    scf.for %parallel_loop3A_248 = %parallel_loop3A_80 to %parallel_loop3A_81 step %parallel_loop3A_82  : i32 {
      %parallel_loop3A_249 = arith.constant 1 : i32
      %parallel_loop3A_250 = arith.index_cast %parallel_loop3A_249 : i32 to index
      %parallel_loop3A_251 = arith.index_cast %parallel_loop3A_248 : i32 to index
      %parallel_loop3A_252 = arith.constant 0 : index
      %parallel_loop3A_253 = tpu.vector_load %arg6[%parallel_loop3A_250, %parallel_loop3A_251, %parallel_loop3A_252] {strides = array<i32>} : memref<2x128x128xf32, #tpu.memory_space<vmem>>, vector<1x1x16xf32>,
      %parallel_loop3A_254 = vector.shape_cast %parallel_loop3A_253 : vector<1x1x16xf32> to vector<16xf32>
      %parallel_loop3A_255 = arith.constant 8.000000e+00 : f32
      %parallel_loop3A_256 = vector.broadcast %parallel_loop3A_255 : f32 to vector<16xf32>
      %parallel_loop3A_257 = arith.mulf %parallel_loop3A_254, %parallel_loop3A_256 : vector<16xf32>
      %parallel_loop3A_258 = arith.constant 2 : i32
      %parallel_loop3A_259 = arith.divsi %parallel_loop3A_248, %parallel_loop3A_258 : i32
      %parallel_loop3A_260 = arith.constant 0 : i32
      %parallel_loop3A_261 = arith.cmpi sgt, %parallel_loop3A_248, %parallel_loop3A_260 : i32
      %parallel_loop3A_262 = arith.extui %parallel_loop3A_261 : i1 to i32
      %parallel_loop3A_263 = arith.constant 0 : i32
      %parallel_loop3A_264 = arith.cmpi slt, %parallel_loop3A_248, %parallel_loop3A_263 : i32
      %parallel_loop3A_265 = arith.extui %parallel_loop3A_264 : i1 to i32
      %parallel_loop3A_266 = arith.subi %parallel_loop3A_262, %parallel_loop3A_265 : i32
      %parallel_loop3A_267 = arith.constant 0 : i32
      %parallel_loop3A_268 = arith.cmpi sgt, %parallel_loop3A_258, %parallel_loop3A_267 : i32
      %parallel_loop3A_269 = arith.extui %parallel_loop3A_268 : i1 to i32
      %parallel_loop3A_270 = arith.constant 0 : i32
      %parallel_loop3A_271 = arith.cmpi slt, %parallel_loop3A_258, %parallel_loop3A_270 : i32
      %parallel_loop3A_272 = arith.extui %parallel_loop3A_271 : i1 to i32
      %parallel_loop3A_273 = arith.subi %parallel_loop3A_269, %parallel_loop3A_272 : i32
      %parallel_loop3A_274 = arith.cmpi ne, %parallel_loop3A_266, %parallel_loop3A_273 : i32
      %parallel_loop3A_275 = arith.remsi %parallel_loop3A_248, %parallel_loop3A_258 : i32
      %parallel_loop3A_276 = arith.constant 0 : i32
      %parallel_loop3A_277 = arith.cmpi ne, %parallel_loop3A_275, %parallel_loop3A_276 : i32
      %parallel_loop3A_278 = arith.andi %parallel_loop3A_274, %parallel_loop3A_277 : i1
      %parallel_loop3A_279 = arith.constant 1 : i32
      %parallel_loop3A_280 = arith.subi %parallel_loop3A_259, %parallel_loop3A_279 : i32
      %parallel_loop3A_281 = arith.select %parallel_loop3A_278, %parallel_loop3A_280, %parallel_loop3A_259 : i32
      %parallel_loop3A_282 = arith.constant 2 : i32
      %parallel_loop3A_283 = arith.constant 0 : i32
      %parallel_loop3A_284 = arith.cmpi eq, %parallel_loop3A_282, %parallel_loop3A_283 : i32
      %parallel_loop3A_285 = arith.constant 1 : i32
      %parallel_loop3A_286 = arith.select %parallel_loop3A_284, %parallel_loop3A_285, %parallel_loop3A_282 : i32
      %parallel_loop3A_287 = arith.remsi %parallel_loop3A_248, %parallel_loop3A_286 : i32
      %parallel_loop3A_288 = arith.constant 0 : i32
      %parallel_loop3A_289 = arith.cmpi ne, %parallel_loop3A_287, %parallel_loop3A_288 : i32
      %parallel_loop3A_290 = arith.constant 0 : i32
      %parallel_loop3A_291 = arith.cmpi slt, %parallel_loop3A_287, %parallel_loop3A_290 : i32
      %parallel_loop3A_292 = arith.constant 0 : i32
      %parallel_loop3A_293 = arith.cmpi slt, %parallel_loop3A_286, %parallel_loop3A_292 : i32
      %parallel_loop3A_294 = arith.xori %parallel_loop3A_291, %parallel_loop3A_293 : i1
      %parallel_loop3A_295 = arith.andi %parallel_loop3A_294, %parallel_loop3A_289 : i1
      %parallel_loop3A_296 = arith.addi %parallel_loop3A_287, %parallel_loop3A_286 : i32
      %parallel_loop3A_297 = arith.select %parallel_loop3A_295, %parallel_loop3A_296, %parallel_loop3A_287 : i32
      %parallel_loop3A_298 = arith.constant 64 : i32
      %parallel_loop3A_299 = arith.muli %parallel_loop3A_297, %parallel_loop3A_298 : i32
      %parallel_loop3A_300 = arith.constant 0 : i32
      %parallel_loop3A_301 = arith.addi %parallel_loop3A_299, %parallel_loop3A_300 : i32
      %parallel_loop3A_302 = arith.constant 1 : i32
      %parallel_loop3A_303 = arith.index_cast %parallel_loop3A_302 : i32 to index
      %parallel_loop3A_304 = arith.index_cast %parallel_loop3A_281 : i32 to index
      %parallel_loop3A_305 = arith.index_cast %parallel_loop3A_301 : i32 to index
      %parallel_loop3A_306 = tpu.vector_load %arg7[%parallel_loop3A_303, %parallel_loop3A_304, %parallel_loop3A_305] {strides = array<i32>} : memref<2x64x128xf32, #tpu.memory_space<vmem>>, vector<1x1x16xf32>,
      %parallel_loop3A_307 = vector.shape_cast %parallel_loop3A_306 : vector<1x1x16xf32> to vector<16xf32>
      %parallel_loop3A_308 = vector.shape_cast %parallel_loop3A_257 : vector<16xf32> to vector<1x1x16xf32>
      tpu.vector_store %arg7[%parallel_loop3A_303, %parallel_loop3A_304, %parallel_loop3A_305], %parallel_loop3A_308 {strides = array<i32>} : memref<2x64x128xf32, #tpu.memory_space<vmem>>, vector<1x1x16xf32>,
      %parallel_loop3A_309 = arith.constant 1 : i32
      %parallel_loop3A_310 = arith.index_cast %parallel_loop3A_309 : i32 to index
      %parallel_loop3A_311 = arith.index_cast %parallel_loop3A_248 : i32 to index
      %parallel_loop3A_312 = arith.constant 16 : index
      %parallel_loop3A_313 = tpu.vector_load %arg6[%parallel_loop3A_310, %parallel_loop3A_311, %parallel_loop3A_312] {strides = array<i32>} : memref<2x128x128xf32, #tpu.memory_space<vmem>>, vector<1x1x16xf32>,
      %parallel_loop3A_314 = vector.shape_cast %parallel_loop3A_313 : vector<1x1x16xf32> to vector<16xf32>
      %parallel_loop3A_315 = arith.constant 8.000000e+00 : f32
      %parallel_loop3A_316 = vector.broadcast %parallel_loop3A_315 : f32 to vector<16xf32>
      %parallel_loop3A_317 = arith.mulf %parallel_loop3A_314, %parallel_loop3A_316 : vector<16xf32>
      %parallel_loop3A_318 = arith.constant 2 : i32
      %parallel_loop3A_319 = arith.divsi %parallel_loop3A_248, %parallel_loop3A_318 : i32
      %parallel_loop3A_320 = arith.constant 0 : i32
      %parallel_loop3A_321 = arith.cmpi sgt, %parallel_loop3A_248, %parallel_loop3A_320 : i32
      %parallel_loop3A_322 = arith.extui %parallel_loop3A_321 : i1 to i32
      %parallel_loop3A_323 = arith.constant 0 : i32
      %parallel_loop3A_324 = arith.cmpi slt, %parallel_loop3A_248, %parallel_loop3A_323 : i32
      %parallel_loop3A_325 = arith.extui %parallel_loop3A_324 : i1 to i32
      %parallel_loop3A_326 = arith.subi %parallel_loop3A_322, %parallel_loop3A_325 : i32
      %parallel_loop3A_327 = arith.constant 0 : i32
      %parallel_loop3A_328 = arith.cmpi sgt, %parallel_loop3A_318, %parallel_loop3A_327 : i32
      %parallel_loop3A_329 = arith.extui %parallel_loop3A_328 : i1 to i32
      %parallel_loop3A_330 = arith.constant 0 : i32
      %parallel_loop3A_331 = arith.cmpi slt, %parallel_loop3A_318, %parallel_loop3A_330 : i32
      %parallel_loop3A_332 = arith.extui %parallel_loop3A_331 : i1 to i32
      %parallel_loop3A_333 = arith.subi %parallel_loop3A_329, %parallel_loop3A_332 : i32
      %parallel_loop3A_334 = arith.cmpi ne, %parallel_loop3A_326, %parallel_loop3A_333 : i32
      %parallel_loop3A_335 = arith.remsi %parallel_loop3A_248, %parallel_loop3A_318 : i32
      %parallel_loop3A_336 = arith.constant 0 : i32
      %parallel_loop3A_337 = arith.cmpi ne, %parallel_loop3A_335, %parallel_loop3A_336 : i32
      %parallel_loop3A_338 = arith.andi %parallel_loop3A_334, %parallel_loop3A_337 : i1
      %parallel_loop3A_339 = arith.constant 1 : i32
      %parallel_loop3A_340 = arith.subi %parallel_loop3A_319, %parallel_loop3A_339 : i32
      %parallel_loop3A_341 = arith.select %parallel_loop3A_338, %parallel_loop3A_340, %parallel_loop3A_319 : i32
      %parallel_loop3A_342 = arith.constant 2 : i32
      %parallel_loop3A_343 = arith.constant 0 : i32
      %parallel_loop3A_344 = arith.cmpi eq, %parallel_loop3A_342, %parallel_loop3A_343 : i32
      %parallel_loop3A_345 = arith.constant 1 : i32
      %parallel_loop3A_346 = arith.select %parallel_loop3A_344, %parallel_loop3A_345, %parallel_loop3A_342 : i32
      %parallel_loop3A_347 = arith.remsi %parallel_loop3A_248, %parallel_loop3A_346 : i32
      %parallel_loop3A_348 = arith.constant 0 : i32
      %parallel_loop3A_349 = arith.cmpi ne, %parallel_loop3A_347, %parallel_loop3A_348 : i32
      %parallel_loop3A_350 = arith.constant 0 : i32
      %parallel_loop3A_351 = arith.cmpi slt, %parallel_loop3A_347, %parallel_loop3A_350 : i32
      %parallel_loop3A_352 = arith.constant 0 : i32
      %parallel_loop3A_353 = arith.cmpi slt, %parallel_loop3A_346, %parallel_loop3A_352 : i32
      %parallel_loop3A_354 = arith.xori %parallel_loop3A_351, %parallel_loop3A_353 : i1
      %parallel_loop3A_355 = arith.andi %parallel_loop3A_354, %parallel_loop3A_349 : i1
      %parallel_loop3A_356 = arith.addi %parallel_loop3A_347, %parallel_loop3A_346 : i32
      %parallel_loop3A_357 = arith.select %parallel_loop3A_355, %parallel_loop3A_356, %parallel_loop3A_347 : i32
      %parallel_loop3A_358 = arith.constant 64 : i32
      %parallel_loop3A_359 = arith.muli %parallel_loop3A_357, %parallel_loop3A_358 : i32
      %parallel_loop3A_360 = arith.constant 16 : i32
      %parallel_loop3A_361 = arith.addi %parallel_loop3A_359, %parallel_loop3A_360 : i32
      %parallel_loop3A_362 = arith.constant 1 : i32
      %parallel_loop3A_363 = arith.index_cast %parallel_loop3A_362 : i32 to index
      %parallel_loop3A_364 = arith.index_cast %parallel_loop3A_341 : i32 to index
      %parallel_loop3A_365 = arith.index_cast %parallel_loop3A_361 : i32 to index
      %parallel_loop3A_366 = tpu.vector_load %arg7[%parallel_loop3A_363, %parallel_loop3A_364, %parallel_loop3A_365] {strides = array<i32>} : memref<2x64x128xf32, #tpu.memory_space<vmem>>, vector<1x1x16xf32>,
      %parallel_loop3A_367 = vector.shape_cast %parallel_loop3A_366 : vector<1x1x16xf32> to vector<16xf32>
      %parallel_loop3A_368 = vector.shape_cast %parallel_loop3A_317 : vector<16xf32> to vector<1x1x16xf32>
      tpu.vector_store %arg7[%parallel_loop3A_363, %parallel_loop3A_364, %parallel_loop3A_365], %parallel_loop3A_368 {strides = array<i32>} : memref<2x64x128xf32, #tpu.memory_space<vmem>>, vector<1x1x16xf32>,
      %parallel_loop3A_369 = arith.constant 1 : i32
      %parallel_loop3A_370 = arith.index_cast %parallel_loop3A_369 : i32 to index
      %parallel_loop3A_371 = arith.index_cast %parallel_loop3A_248 : i32 to index
      %parallel_loop3A_372 = arith.constant 32 : index
      %parallel_loop3A_373 = tpu.vector_load %arg6[%parallel_loop3A_370, %parallel_loop3A_371, %parallel_loop3A_372] {strides = array<i32>} : memref<2x128x128xf32, #tpu.memory_space<vmem>>, vector<1x1x16xf32>,
      %parallel_loop3A_374 = vector.shape_cast %parallel_loop3A_373 : vector<1x1x16xf32> to vector<16xf32>
      %parallel_loop3A_375 = arith.constant 8.000000e+00 : f32
      %parallel_loop3A_376 = vector.broadcast %parallel_loop3A_375 : f32 to vector<16xf32>
      %parallel_loop3A_377 = arith.mulf %parallel_loop3A_374, %parallel_loop3A_376 : vector<16xf32>
      %parallel_loop3A_378 = arith.constant 2 : i32
      %parallel_loop3A_379 = arith.divsi %parallel_loop3A_248, %parallel_loop3A_378 : i32
      %parallel_loop3A_380 = arith.constant 0 : i32
      %parallel_loop3A_381 = arith.cmpi sgt, %parallel_loop3A_248, %parallel_loop3A_380 : i32
      %parallel_loop3A_382 = arith.extui %parallel_loop3A_381 : i1 to i32
      %parallel_loop3A_383 = arith.constant 0 : i32
      %parallel_loop3A_384 = arith.cmpi slt, %parallel_loop3A_248, %parallel_loop3A_383 : i32
      %parallel_loop3A_385 = arith.extui %parallel_loop3A_384 : i1 to i32
      %parallel_loop3A_386 = arith.subi %parallel_loop3A_382, %parallel_loop3A_385 : i32
      %parallel_loop3A_387 = arith.constant 0 : i32
      %parallel_loop3A_388 = arith.cmpi sgt, %parallel_loop3A_378, %parallel_loop3A_387 : i32
      %parallel_loop3A_389 = arith.extui %parallel_loop3A_388 : i1 to i32
      %parallel_loop3A_390 = arith.constant 0 : i32
      %parallel_loop3A_391 = arith.cmpi slt, %parallel_loop3A_378, %parallel_loop3A_390 : i32
      %parallel_loop3A_392 = arith.extui %parallel_loop3A_391 : i1 to i32
      %parallel_loop3A_393 = arith.subi %parallel_loop3A_389, %parallel_loop3A_392 : i32
      %parallel_loop3A_394 = arith.cmpi ne, %parallel_loop3A_386, %parallel_loop3A_393 : i32
      %parallel_loop3A_395 = arith.remsi %parallel_loop3A_248, %parallel_loop3A_378 : i32
      %parallel_loop3A_396 = arith.constant 0 : i32
      %parallel_loop3A_397 = arith.cmpi ne, %parallel_loop3A_395, %parallel_loop3A_396 : i32
      %parallel_loop3A_398 = arith.andi %parallel_loop3A_394, %parallel_loop3A_397 : i1
      %parallel_loop3A_399 = arith.constant 1 : i32
      %parallel_loop3A_400 = arith.subi %parallel_loop3A_379, %parallel_loop3A_399 : i32
      %parallel_loop3A_401 = arith.select %parallel_loop3A_398, %parallel_loop3A_400, %parallel_loop3A_379 : i32
      %parallel_loop3A_402 = arith.constant 2 : i32
      %parallel_loop3A_403 = arith.constant 0 : i32
      %parallel_loop3A_404 = arith.cmpi eq, %parallel_loop3A_402, %parallel_loop3A_403 : i32
      %parallel_loop3A_405 = arith.constant 1 : i32
      %parallel_loop3A_406 = arith.select %parallel_loop3A_404, %parallel_loop3A_405, %parallel_loop3A_402 : i32
      %parallel_loop3A_407 = arith.remsi %parallel_loop3A_248, %parallel_loop3A_406 : i32
      %parallel_loop3A_408 = arith.constant 0 : i32
      %parallel_loop3A_409 = arith.cmpi ne, %parallel_loop3A_407, %parallel_loop3A_408 : i32
      %parallel_loop3A_410 = arith.constant 0 : i32
      %parallel_loop3A_411 = arith.cmpi slt, %parallel_loop3A_407, %parallel_loop3A_410 : i32
      %parallel_loop3A_412 = arith.constant 0 : i32
      %parallel_loop3A_413 = arith.cmpi slt, %parallel_loop3A_406, %parallel_loop3A_412 : i32
      %parallel_loop3A_414 = arith.xori %parallel_loop3A_411, %parallel_loop3A_413 : i1
      %parallel_loop3A_415 = arith.andi %parallel_loop3A_414, %parallel_loop3A_409 : i1
      %parallel_loop3A_416 = arith.addi %parallel_loop3A_407, %parallel_loop3A_406 : i32
      %parallel_loop3A_417 = arith.select %parallel_loop3A_415, %parallel_loop3A_416, %parallel_loop3A_407 : i32
      %parallel_loop3A_418 = arith.constant 64 : i32
      %parallel_loop3A_419 = arith.muli %parallel_loop3A_417, %parallel_loop3A_418 : i32
      %parallel_loop3A_420 = arith.constant 32 : i32
      %parallel_loop3A_421 = arith.addi %parallel_loop3A_419, %parallel_loop3A_420 : i32
      %parallel_loop3A_422 = arith.constant 1 : i32
      %parallel_loop3A_423 = arith.index_cast %parallel_loop3A_422 : i32 to index
      %parallel_loop3A_424 = arith.index_cast %parallel_loop3A_401 : i32 to index
      %parallel_loop3A_425 = arith.index_cast %parallel_loop3A_421 : i32 to index
      %parallel_loop3A_426 = tpu.vector_load %arg7[%parallel_loop3A_423, %parallel_loop3A_424, %parallel_loop3A_425] {strides = array<i32>} : memref<2x64x128xf32, #tpu.memory_space<vmem>>, vector<1x1x16xf32>,
      %parallel_loop3A_427 = vector.shape_cast %parallel_loop3A_426 : vector<1x1x16xf32> to vector<16xf32>
      %parallel_loop3A_428 = vector.shape_cast %parallel_loop3A_377 : vector<16xf32> to vector<1x1x16xf32>
      tpu.vector_store %arg7[%parallel_loop3A_423, %parallel_loop3A_424, %parallel_loop3A_425], %parallel_loop3A_428 {strides = array<i32>} : memref<2x64x128xf32, #tpu.memory_space<vmem>>, vector<1x1x16xf32>,
      %parallel_loop3A_429 = arith.constant 1 : i32
      %parallel_loop3A_430 = arith.index_cast %parallel_loop3A_429 : i32 to index
      %parallel_loop3A_431 = arith.index_cast %parallel_loop3A_248 : i32 to index
      %parallel_loop3A_432 = arith.constant 48 : index
      %parallel_loop3A_433 = tpu.vector_load %arg6[%parallel_loop3A_430, %parallel_loop3A_431, %parallel_loop3A_432] {strides = array<i32>} : memref<2x128x128xf32, #tpu.memory_space<vmem>>, vector<1x1x16xf32>,
      %parallel_loop3A_434 = vector.shape_cast %parallel_loop3A_433 : vector<1x1x16xf32> to vector<16xf32>
      %parallel_loop3A_435 = arith.constant 8.000000e+00 : f32
      %parallel_loop3A_436 = vector.broadcast %parallel_loop3A_435 : f32 to vector<16xf32>
      %parallel_loop3A_437 = arith.mulf %parallel_loop3A_434, %parallel_loop3A_436 : vector<16xf32>
      %parallel_loop3A_438 = arith.constant 2 : i32
      %parallel_loop3A_439 = arith.divsi %parallel_loop3A_248, %parallel_loop3A_438 : i32
      %parallel_loop3A_440 = arith.constant 0 : i32
      %parallel_loop3A_441 = arith.cmpi sgt, %parallel_loop3A_248, %parallel_loop3A_440 : i32
      %parallel_loop3A_442 = arith.extui %parallel_loop3A_441 : i1 to i32
      %parallel_loop3A_443 = arith.constant 0 : i32
      %parallel_loop3A_444 = arith.cmpi slt, %parallel_loop3A_248, %parallel_loop3A_443 : i32
      %parallel_loop3A_445 = arith.extui %parallel_loop3A_444 : i1 to i32
      %parallel_loop3A_446 = arith.subi %parallel_loop3A_442, %parallel_loop3A_445 : i32
      %parallel_loop3A_447 = arith.constant 0 : i32
      %parallel_loop3A_448 = arith.cmpi sgt, %parallel_loop3A_438, %parallel_loop3A_447 : i32
      %parallel_loop3A_449 = arith.extui %parallel_loop3A_448 : i1 to i32
      %parallel_loop3A_450 = arith.constant 0 : i32
      %parallel_loop3A_451 = arith.cmpi slt, %parallel_loop3A_438, %parallel_loop3A_450 : i32
      %parallel_loop3A_452 = arith.extui %parallel_loop3A_451 : i1 to i32
      %parallel_loop3A_453 = arith.subi %parallel_loop3A_449, %parallel_loop3A_452 : i32
      %parallel_loop3A_454 = arith.cmpi ne, %parallel_loop3A_446, %parallel_loop3A_453 : i32
      %parallel_loop3A_455 = arith.remsi %parallel_loop3A_248, %parallel_loop3A_438 : i32
      %parallel_loop3A_456 = arith.constant 0 : i32
      %parallel_loop3A_457 = arith.cmpi ne, %parallel_loop3A_455, %parallel_loop3A_456 : i32
      %parallel_loop3A_458 = arith.andi %parallel_loop3A_454, %parallel_loop3A_457 : i1
      %parallel_loop3A_459 = arith.constant 1 : i32
      %parallel_loop3A_460 = arith.subi %parallel_loop3A_439, %parallel_loop3A_459 : i32
      %parallel_loop3A_461 = arith.select %parallel_loop3A_458, %parallel_loop3A_460, %parallel_loop3A_439 : i32
      %parallel_loop3A_462 = arith.constant 2 : i32
      %parallel_loop3A_463 = arith.constant 0 : i32
      %parallel_loop3A_464 = arith.cmpi eq, %parallel_loop3A_462, %parallel_loop3A_463 : i32
      %parallel_loop3A_465 = arith.constant 1 : i32
      %parallel_loop3A_466 = arith.select %parallel_loop3A_464, %parallel_loop3A_465, %parallel_loop3A_462 : i32
      %parallel_loop3A_467 = arith.remsi %parallel_loop3A_248, %parallel_loop3A_466 : i32
      %parallel_loop3A_468 = arith.constant 0 : i32
      %parallel_loop3A_469 = arith.cmpi ne, %parallel_loop3A_467, %parallel_loop3A_468 : i32
      %parallel_loop3A_470 = arith.constant 0 : i32
      %parallel_loop3A_471 = arith.cmpi slt, %parallel_loop3A_467, %parallel_loop3A_470 : i32
      %parallel_loop3A_472 = arith.constant 0 : i32
      %parallel_loop3A_473 = arith.cmpi slt, %parallel_loop3A_466, %parallel_loop3A_472 : i32
      %parallel_loop3A_474 = arith.xori %parallel_loop3A_471, %parallel_loop3A_473 : i1
      %parallel_loop3A_475 = arith.andi %parallel_loop3A_474, %parallel_loop3A_469 : i1
      %parallel_loop3A_476 = arith.addi %parallel_loop3A_467, %parallel_loop3A_466 : i32
      %parallel_loop3A_477 = arith.select %parallel_loop3A_475, %parallel_loop3A_476, %parallel_loop3A_467 : i32
      %parallel_loop3A_478 = arith.constant 64 : i32
      %parallel_loop3A_479 = arith.muli %parallel_loop3A_477, %parallel_loop3A_478 : i32
      %parallel_loop3A_480 = arith.constant 48 : i32
      %parallel_loop3A_481 = arith.addi %parallel_loop3A_479, %parallel_loop3A_480 : i32
      %parallel_loop3A_482 = arith.constant 1 : i32
      %parallel_loop3A_483 = arith.index_cast %parallel_loop3A_482 : i32 to index
      %parallel_loop3A_484 = arith.index_cast %parallel_loop3A_461 : i32 to index
      %parallel_loop3A_485 = arith.index_cast %parallel_loop3A_481 : i32 to index
      %parallel_loop3A_486 = tpu.vector_load %arg7[%parallel_loop3A_483, %parallel_loop3A_484, %parallel_loop3A_485] {strides = array<i32>} : memref<2x64x128xf32, #tpu.memory_space<vmem>>, vector<1x1x16xf32>,
      %parallel_loop3A_487 = vector.shape_cast %parallel_loop3A_486 : vector<1x1x16xf32> to vector<16xf32>
      %parallel_loop3A_488 = vector.shape_cast %parallel_loop3A_437 : vector<16xf32> to vector<1x1x16xf32>
      tpu.vector_store %arg7[%parallel_loop3A_483, %parallel_loop3A_484, %parallel_loop3A_485], %parallel_loop3A_488 {strides = array<i32>} : memref<2x64x128xf32, #tpu.memory_space<vmem>>, vector<1x1x16xf32>,
    } {sc.loop_unroll_factor = 4 : i64, sc.parallel_access}
    %dma_start3A_83 = arith.constant 3 : i32
    %dma_start3A_84 = arith.constant 1 : i32
    %dma_start3A_85 = arith.constant 0 : i32
    %dma_start3A_86 = arith.constant 0 : i32
    %dma_start3A_87 = tpu.memref_slice %arg6[%dma_start3A_84, %dma_start3A_85, %dma_start3A_86] : memref<2x128x128xf32, #tpu.memory_space<vmem>> -> memref<1x128x128xf32, #tpu.memory_space<vmem>>
    %dma_start3A_88 = tpu.memref_squeeze %dma_start3A_87 : memref<1x128x128xf32, #tpu.memory_space<vmem>> -> memref<128x128xf32, #tpu.memory_space<vmem>>
    %dma_start3A_89 = arith.constant 0 : i32
    %dma_start3A_90 = tpu.memref_slice %arg5[%dma_start3A_83, %dma_start3A_89] : memref<200x128xi32, #tpu.memory_space<vmem>> -> memref<1x128xi32, #tpu.memory_space<vmem>>
    %dma_start3A_91 = tpu.memref_squeeze %dma_start3A_90 : memref<1x128xi32, #tpu.memory_space<vmem>> -> memref<128xi32, #tpu.memory_space<vmem>>
    %dma_start3A_92 = arith.constant 0 : i32
    %dma_start3A_93 = arith.constant 0 : i32
    %dma_start3A_94 = tpu.memref_slice %arg3[%dma_start3A_92, %dma_start3A_93] : memref<1000000x128xf32, #tpu.memory_space<hbm>> -> memref<1000000x128xf32, #tpu.memory_space<hbm>>
    tpu.enqueue_indirect_dma source(%dma_start3A_94 : memref<1000000x128xf32, #tpu.memory_space<hbm>>) target(%dma_start3A_88 : memref<128x128xf32, #tpu.memory_space<vmem>>) offsets(%dma_start3A_91 : memref<128xi32, #tpu.memory_space<vmem>>) semaphore(%arg9 : memref<!tpu.dma_semaphore, #tpu.memory_space<semaphore_mem>>)
    %add3A_95 = arith.constant 1 : i32
    %add3A_96 = arith.addi %mul3A_2, %add3A_95 : i32
    %mul3A_97 = arith.constant 64 : i32
    %mul3A_98 = arith.muli %add3A_96, %mul3A_97 : i32
    %dma_start3A_99 = arith.constant 1 : i32
    %dma_start3A_100 = arith.constant 0 : i32
    %dma_start3A_101 = arith.constant 0 : i32
    %dma_start3A_102 = tpu.memref_slice %arg7[%dma_start3A_99, %dma_start3A_100, %dma_start3A_101] : memref<2x64x128xf32, #tpu.memory_space<vmem>> -> memref<1x64x128xf32, #tpu.memory_space<vmem>>
    %dma_start3A_103 = tpu.memref_squeeze %dma_start3A_102 : memref<1x64x128xf32, #tpu.memory_space<vmem>> -> memref<64x128xf32, #tpu.memory_space<vmem>>
    %dma_start3A_104 = arith.constant 0 : i32
    %dma_start3A_105 = tpu.memref_slice %arg4[%mul3A_98, %dma_start3A_104] : memref<409600x128xf32, #tpu.memory_space<hbm>> -> memref<64x128xf32, #tpu.memory_space<hbm>>
    %dma_start3A_106 = arith.constant 0 : i32
    %dma_start3A_107 = tpu.memref_slice %arg4[%mul3A_98, %dma_start3A_106] : memref<409600x128xf32, #tpu.memory_space<hbm>> -> memref<64x128xf32, #tpu.memory_space<hbm>>
    %dma_start3A_108 = arith.constant 0 : i32
    %dma_start3A_109 = arith.constant 0 : i32
    %dma_start3A_110 = tpu.memref_slice %arg7[%dma_start3A_99, %dma_start3A_108, %dma_start3A_109] : memref<2x64x128xf32, #tpu.memory_space<vmem>> -> memref<1x64x128xf32, #tpu.memory_space<vmem>>
    %dma_start3A_111 = tpu.memref_squeeze %dma_start3A_110 : memref<1x64x128xf32, #tpu.memory_space<vmem>> -> memref<64x128xf32, #tpu.memory_space<vmem>>
    tpu.enqueue_dma source(%dma_start3A_111 : memref<64x128xf32, #tpu.memory_space<vmem>>) target(%dma_start3A_107 : memref<64x128xf32, #tpu.memory_space<hbm>>) target_semaphore(%arg11 : memref<!tpu.dma_semaphore, #tpu.memory_space<semaphore_mem>>)
    %scan3A = arith.constant 0 : i32
    %scan3A_112 = arith.constant 98 : i32
    %scan3A_113 = arith.addi %scan3A, %scan3A_112 : i32
    %scan3A_114 = arith.constant 1 : i32
    scf.for %scan3A_248 = %scan3A to %scan3A_113 step %scan3A_114  : i32 {
      %mul3A_249 = arith.constant 2 : i32
      %mul3A_250 = arith.muli %scan3A_248, %mul3A_249 : i32
      %add3A_251 = arith.constant 2 : i32
      %add3A_252 = arith.addi %add3A_251, %mul3A_250 : i32
      %dma_wait3A_253 = arith.constant 0 : i32
      %dma_wait3A_254 = arith.constant 0 : i32
      %dma_wait3A_255 = arith.constant 0 : i32
      %dma_wait3A_256 = tpu.memref_slice %arg6[%dma_wait3A_253, %dma_wait3A_254, %dma_wait3A_255] : memref<2x128x128xf32, #tpu.memory_space<vmem>> -> memref<1x128x128xf32, #tpu.memory_space<vmem>>
      %dma_wait3A_257 = tpu.memref_squeeze %dma_wait3A_256 : memref<1x128x128xf32, #tpu.memory_space<vmem>> -> memref<128x128xf32, #tpu.memory_space<vmem>>
      %dma_wait3A_258 = arith.constant 0 : i32
      %dma_wait3A_259 = tpu.memref_slice %arg5[%add3A_252, %dma_wait3A_258] : memref<200x128xi32, #tpu.memory_space<vmem>> -> memref<1x128xi32, #tpu.memory_space<vmem>>
      %dma_wait3A_260 = tpu.memref_squeeze %dma_wait3A_259 : memref<1x128xi32, #tpu.memory_space<vmem>> -> memref<128xi32, #tpu.memory_space<vmem>>
      %dma_wait3A_261 = arith.constant 0 : i32
      %dma_wait3A_262 = arith.constant 0 : i32
      %dma_wait3A_263 = tpu.memref_slice %arg3[%dma_wait3A_261, %dma_wait3A_262] : memref<1000000x128xf32, #tpu.memory_space<hbm>> -> memref<1000000x128xf32, #tpu.memory_space<hbm>>
      tpu.wait_indirect_dma semaphore(%arg8 : memref<!tpu.dma_semaphore, #tpu.memory_space<semaphore_mem>>) src(%dma_wait3A_263 : memref<1000000x128xf32, #tpu.memory_space<hbm>>) dst(%dma_wait3A_257 : memref<128x128xf32, #tpu.memory_space<vmem>>)
      %sub3A = arith.constant 2 : i32
      %sub3A_264 = arith.subi %add3A_252, %sub3A : i32
      %add3A_265 = arith.addi %mul3A_2, %sub3A_264 : i32
      %mul3A_266 = arith.constant 64 : i32
      %mul3A_267 = arith.muli %add3A_265, %mul3A_266 : i32
      %dma_wait3A_268 = arith.constant 0 : i32
      %dma_wait3A_269 = arith.constant 0 : i32
      %dma_wait3A_270 = arith.constant 0 : i32
      %dma_wait3A_271 = tpu.memref_slice %arg7[%dma_wait3A_268, %dma_wait3A_269, %dma_wait3A_270] : memref<2x64x128xf32, #tpu.memory_space<vmem>> -> memref<1x64x128xf32, #tpu.memory_space<vmem>>
      %dma_wait3A_272 = tpu.memref_squeeze %dma_wait3A_271 : memref<1x64x128xf32, #tpu.memory_space<vmem>> -> memref<64x128xf32, #tpu.memory_space<vmem>>
      %dma_wait3A_273 = arith.constant 0 : i32
      %dma_wait3A_274 = tpu.memref_slice %arg4[%mul3A_267, %dma_wait3A_273] : memref<409600x128xf32, #tpu.memory_space<hbm>> -> memref<64x128xf32, #tpu.memory_space<hbm>>
      %dma_wait3A_275 = arith.constant 0 : i32
      %dma_wait3A_276 = tpu.memref_slice %arg4[%mul3A_267, %dma_wait3A_275] : memref<409600x128xf32, #tpu.memory_space<hbm>> -> memref<64x128xf32, #tpu.memory_space<hbm>>
      %dma_wait3A_277 = arith.constant 0 : i32
      %dma_wait3A_278 = arith.constant 0 : i32
      %dma_wait3A_279 = tpu.memref_slice %arg7[%dma_wait3A_268, %dma_wait3A_277, %dma_wait3A_278] : memref<2x64x128xf32, #tpu.memory_space<vmem>> -> memref<1x64x128xf32, #tpu.memory_space<vmem>>
      %dma_wait3A_280 = tpu.memref_squeeze %dma_wait3A_279 : memref<1x64x128xf32, #tpu.memory_space<vmem>> -> memref<64x128xf32, #tpu.memory_space<vmem>>
      tpu.wait_dma2 semaphore(%arg10 : memref<!tpu.dma_semaphore, #tpu.memory_space<semaphore_mem>>) src(%dma_wait3A_280 : memref<64x128xf32, #tpu.memory_space<vmem>>) dst(%dma_wait3A_276 : memref<64x128xf32, #tpu.memory_space<hbm>>)
      %parallel_loop3A_281 = arith.constant 0 : i32
      %parallel_loop3A_282 = arith.constant 128 : i32
      %parallel_loop3A_283 = arith.constant 1 : i32
      scf.for %parallel_loop3A_376 = %parallel_loop3A_281 to %parallel_loop3A_282 step %parallel_loop3A_283  : i32 {
        %parallel_loop3A_377 = arith.constant 0 : i32
        %parallel_loop3A_378 = arith.index_cast %parallel_loop3A_377 : i32 to index
        %parallel_loop3A_379 = arith.index_cast %parallel_loop3A_376 : i32 to index
        %parallel_loop3A_380 = arith.constant 0 : index
        %parallel_loop3A_381 = tpu.vector_load %arg6[%parallel_loop3A_378, %parallel_loop3A_379, %parallel_loop3A_380] {strides = array<i32>} : memref<2x128x128xf32, #tpu.memory_space<vmem>>, vector<1x1x16xf32>,
        %parallel_loop3A_382 = vector.shape_cast %parallel_loop3A_381 : vector<1x1x16xf32> to vector<16xf32>
        %parallel_loop3A_383 = arith.constant 8.000000e+00 : f32
        %parallel_loop3A_384 = vector.broadcast %parallel_loop3A_383 : f32 to vector<16xf32>
        %parallel_loop3A_385 = arith.mulf %parallel_loop3A_382, %parallel_loop3A_384 : vector<16xf32>
        %parallel_loop3A_386 = arith.constant 2 : i32
        %parallel_loop3A_387 = arith.divsi %parallel_loop3A_376, %parallel_loop3A_386 : i32
        %parallel_loop3A_388 = arith.constant 0 : i32
        %parallel_loop3A_389 = arith.cmpi sgt, %parallel_loop3A_376, %parallel_loop3A_388 : i32
        %parallel_loop3A_390 = arith.extui %parallel_loop3A_389 : i1 to i32
        %parallel_loop3A_391 = arith.constant 0 : i32
        %parallel_loop3A_392 = arith.cmpi slt, %parallel_loop3A_376, %parallel_loop3A_391 : i32
        %parallel_loop3A_393 = arith.extui %parallel_loop3A_392 : i1 to i32
        %parallel_loop3A_394 = arith.subi %parallel_loop3A_390, %parallel_loop3A_393 : i32
        %parallel_loop3A_395 = arith.constant 0 : i32
        %parallel_loop3A_396 = arith.cmpi sgt, %parallel_loop3A_386, %parallel_loop3A_395 : i32
        %parallel_loop3A_397 = arith.extui %parallel_loop3A_396 : i1 to i32
        %parallel_loop3A_398 = arith.constant 0 : i32
        %parallel_loop3A_399 = arith.cmpi slt, %parallel_loop3A_386, %parallel_loop3A_398 : i32
        %parallel_loop3A_400 = arith.extui %parallel_loop3A_399 : i1 to i32
        %parallel_loop3A_401 = arith.subi %parallel_loop3A_397, %parallel_loop3A_400 : i32
        %parallel_loop3A_402 = arith.cmpi ne, %parallel_loop3A_394, %parallel_loop3A_401 : i32
        %parallel_loop3A_403 = arith.remsi %parallel_loop3A_376, %parallel_loop3A_386 : i32
        %parallel_loop3A_404 = arith.constant 0 : i32
        %parallel_loop3A_405 = arith.cmpi ne, %parallel_loop3A_403, %parallel_loop3A_404 : i32
        %parallel_loop3A_406 = arith.andi %parallel_loop3A_402, %parallel_loop3A_405 : i1
        %parallel_loop3A_407 = arith.constant 1 : i32
        %parallel_loop3A_408 = arith.subi %parallel_loop3A_387, %parallel_loop3A_407 : i32
        %parallel_loop3A_409 = arith.select %parallel_loop3A_406, %parallel_loop3A_408, %parallel_loop3A_387 : i32
        %parallel_loop3A_410 = arith.constant 2 : i32
        %parallel_loop3A_411 = arith.constant 0 : i32
        %parallel_loop3A_412 = arith.cmpi eq, %parallel_loop3A_410, %parallel_loop3A_411 : i32
        %parallel_loop3A_413 = arith.constant 1 : i32
        %parallel_loop3A_414 = arith.select %parallel_loop3A_412, %parallel_loop3A_413, %parallel_loop3A_410 : i32
        %parallel_loop3A_415 = arith.remsi %parallel_loop3A_376, %parallel_loop3A_414 : i32
        %parallel_loop3A_416 = arith.constant 0 : i32
        %parallel_loop3A_417 = arith.cmpi ne, %parallel_loop3A_415, %parallel_loop3A_416 : i32
        %parallel_loop3A_418 = arith.constant 0 : i32
        %parallel_loop3A_419 = arith.cmpi slt, %parallel_loop3A_415, %parallel_loop3A_418 : i32
        %parallel_loop3A_420 = arith.constant 0 : i32
        %parallel_loop3A_421 = arith.cmpi slt, %parallel_loop3A_414, %parallel_loop3A_420 : i32
        %parallel_loop3A_422 = arith.xori %parallel_loop3A_419, %parallel_loop3A_421 : i1
        %parallel_loop3A_423 = arith.andi %parallel_loop3A_422, %parallel_loop3A_417 : i1
        %parallel_loop3A_424 = arith.addi %parallel_loop3A_415, %parallel_loop3A_414 : i32
        %parallel_loop3A_425 = arith.select %parallel_loop3A_423, %parallel_loop3A_424, %parallel_loop3A_415 : i32
        %parallel_loop3A_426 = arith.constant 64 : i32
        %parallel_loop3A_427 = arith.muli %parallel_loop3A_425, %parallel_loop3A_426 : i32
        %parallel_loop3A_428 = arith.constant 0 : i32
        %parallel_loop3A_429 = arith.addi %parallel_loop3A_427, %parallel_loop3A_428 : i32
        %parallel_loop3A_430 = arith.constant 0 : i32
        %parallel_loop3A_431 = arith.index_cast %parallel_loop3A_430 : i32 to index
        %parallel_loop3A_432 = arith.index_cast %parallel_loop3A_409 : i32 to index
        %parallel_loop3A_433 = arith.index_cast %parallel_loop3A_429 : i32 to index
        %parallel_loop3A_434 = tpu.vector_load %arg7[%parallel_loop3A_431, %parallel_loop3A_432, %parallel_loop3A_433] {strides = array<i32>} : memref<2x64x128xf32, #tpu.memory_space<vmem>>, vector<1x1x16xf32>,
        %parallel_loop3A_435 = vector.shape_cast %parallel_loop3A_434 : vector<1x1x16xf32> to vector<16xf32>
        %parallel_loop3A_436 = vector.shape_cast %parallel_loop3A_385 : vector<16xf32> to vector<1x1x16xf32>
        tpu.vector_store %arg7[%parallel_loop3A_431, %parallel_loop3A_432, %parallel_loop3A_433], %parallel_loop3A_436 {strides = array<i32>} : memref<2x64x128xf32, #tpu.memory_space<vmem>>, vector<1x1x16xf32>,
        %parallel_loop3A_437 = arith.constant 0 : i32
        %parallel_loop3A_438 = arith.index_cast %parallel_loop3A_437 : i32 to index
        %parallel_loop3A_439 = arith.index_cast %parallel_loop3A_376 : i32 to index
        %parallel_loop3A_440 = arith.constant 16 : index
        %parallel_loop3A_441 = tpu.vector_load %arg6[%parallel_loop3A_438, %parallel_loop3A_439, %parallel_loop3A_440] {strides = array<i32>} : memref<2x128x128xf32, #tpu.memory_space<vmem>>, vector<1x1x16xf32>,
        %parallel_loop3A_442 = vector.shape_cast %parallel_loop3A_441 : vector<1x1x16xf32> to vector<16xf32>
        %parallel_loop3A_443 = arith.constant 8.000000e+00 : f32
        %parallel_loop3A_444 = vector.broadcast %parallel_loop3A_443 : f32 to vector<16xf32>
        %parallel_loop3A_445 = arith.mulf %parallel_loop3A_442, %parallel_loop3A_444 : vector<16xf32>
        %parallel_loop3A_446 = arith.constant 2 : i32
        %parallel_loop3A_447 = arith.divsi %parallel_loop3A_376, %parallel_loop3A_446 : i32
        %parallel_loop3A_448 = arith.constant 0 : i32
        %parallel_loop3A_449 = arith.cmpi sgt, %parallel_loop3A_376, %parallel_loop3A_448 : i32
        %parallel_loop3A_450 = arith.extui %parallel_loop3A_449 : i1 to i32
        %parallel_loop3A_451 = arith.constant 0 : i32
        %parallel_loop3A_452 = arith.cmpi slt, %parallel_loop3A_376, %parallel_loop3A_451 : i32
        %parallel_loop3A_453 = arith.extui %parallel_loop3A_452 : i1 to i32
        %parallel_loop3A_454 = arith.subi %parallel_loop3A_450, %parallel_loop3A_453 : i32
        %parallel_loop3A_455 = arith.constant 0 : i32
        %parallel_loop3A_456 = arith.cmpi sgt, %parallel_loop3A_446, %parallel_loop3A_455 : i32
        %parallel_loop3A_457 = arith.extui %parallel_loop3A_456 : i1 to i32
        %parallel_loop3A_458 = arith.constant 0 : i32
        %parallel_loop3A_459 = arith.cmpi slt, %parallel_loop3A_446, %parallel_loop3A_458 : i32
        %parallel_loop3A_460 = arith.extui %parallel_loop3A_459 : i1 to i32
        %parallel_loop3A_461 = arith.subi %parallel_loop3A_457, %parallel_loop3A_460 : i32
        %parallel_loop3A_462 = arith.cmpi ne, %parallel_loop3A_454, %parallel_loop3A_461 : i32
        %parallel_loop3A_463 = arith.remsi %parallel_loop3A_376, %parallel_loop3A_446 : i32
        %parallel_loop3A_464 = arith.constant 0 : i32
        %parallel_loop3A_465 = arith.cmpi ne, %parallel_loop3A_463, %parallel_loop3A_464 : i32
        %parallel_loop3A_466 = arith.andi %parallel_loop3A_462, %parallel_loop3A_465 : i1
        %parallel_loop3A_467 = arith.constant 1 : i32
        %parallel_loop3A_468 = arith.subi %parallel_loop3A_447, %parallel_loop3A_467 : i32
        %parallel_loop3A_469 = arith.select %parallel_loop3A_466, %parallel_loop3A_468, %parallel_loop3A_447 : i32
        %parallel_loop3A_470 = arith.constant 2 : i32
        %parallel_loop3A_471 = arith.constant 0 : i32
        %parallel_loop3A_472 = arith.cmpi eq, %parallel_loop3A_470, %parallel_loop3A_471 : i32
        %parallel_loop3A_473 = arith.constant 1 : i32
        %parallel_loop3A_474 = arith.select %parallel_loop3A_472, %parallel_loop3A_473, %parallel_loop3A_470 : i32
        %parallel_loop3A_475 = arith.remsi %parallel_loop3A_376, %parallel_loop3A_474 : i32
        %parallel_loop3A_476 = arith.constant 0 : i32
        %parallel_loop3A_477 = arith.cmpi ne, %parallel_loop3A_475, %parallel_loop3A_476 : i32
        %parallel_loop3A_478 = arith.constant 0 : i32
        %parallel_loop3A_479 = arith.cmpi slt, %parallel_loop3A_475, %parallel_loop3A_478 : i32
        %parallel_loop3A_480 = arith.constant 0 : i32
        %parallel_loop3A_481 = arith.cmpi slt, %parallel_loop3A_474, %parallel_loop3A_480 : i32
        %parallel_loop3A_482 = arith.xori %parallel_loop3A_479, %parallel_loop3A_481 : i1
        %parallel_loop3A_483 = arith.andi %parallel_loop3A_482, %parallel_loop3A_477 : i1
        %parallel_loop3A_484 = arith.addi %parallel_loop3A_475, %parallel_loop3A_474 : i32
        %parallel_loop3A_485 = arith.select %parallel_loop3A_483, %parallel_loop3A_484, %parallel_loop3A_475 : i32
        %parallel_loop3A_486 = arith.constant 64 : i32
        %parallel_loop3A_487 = arith.muli %parallel_loop3A_485, %parallel_loop3A_486 : i32
        %parallel_loop3A_488 = arith.constant 16 : i32
        %parallel_loop3A_489 = arith.addi %parallel_loop3A_487, %parallel_loop3A_488 : i32
        %parallel_loop3A_490 = arith.constant 0 : i32
        %parallel_loop3A_491 = arith.index_cast %parallel_loop3A_490 : i32 to index
        %parallel_loop3A_492 = arith.index_cast %parallel_loop3A_469 : i32 to index
        %parallel_loop3A_493 = arith.index_cast %parallel_loop3A_489 : i32 to index
        %parallel_loop3A_494 = tpu.vector_load %arg7[%parallel_loop3A_491, %parallel_loop3A_492, %parallel_loop3A_493] {strides = array<i32>} : memref<2x64x128xf32, #tpu.memory_space<vmem>>, vector<1x1x16xf32>,
        %parallel_loop3A_495 = vector.shape_cast %parallel_loop3A_494 : vector<1x1x16xf32> to vector<16xf32>
        %parallel_loop3A_496 = vector.shape_cast %parallel_loop3A_445 : vector<16xf32> to vector<1x1x16xf32>
        tpu.vector_store %arg7[%parallel_loop3A_491, %parallel_loop3A_492, %parallel_loop3A_493], %parallel_loop3A_496 {strides = array<i32>} : memref<2x64x128xf32, #tpu.memory_space<vmem>>, vector<1x1x16xf32>,
        %parallel_loop3A_497 = arith.constant 0 : i32
        %parallel_loop3A_498 = arith.index_cast %parallel_loop3A_497 : i32 to index
        %parallel_loop3A_499 = arith.index_cast %parallel_loop3A_376 : i32 to index
        %parallel_loop3A_500 = arith.constant 32 : index
        %parallel_loop3A_501 = tpu.vector_load %arg6[%parallel_loop3A_498, %parallel_loop3A_499, %parallel_loop3A_500] {strides = array<i32>} : memref<2x128x128xf32, #tpu.memory_space<vmem>>, vector<1x1x16xf32>,
        %parallel_loop3A_502 = vector.shape_cast %parallel_loop3A_501 : vector<1x1x16xf32> to vector<16xf32>
        %parallel_loop3A_503 = arith.constant 8.000000e+00 : f32
        %parallel_loop3A_504 = vector.broadcast %parallel_loop3A_503 : f32 to vector<16xf32>
        %parallel_loop3A_505 = arith.mulf %parallel_loop3A_502, %parallel_loop3A_504 : vector<16xf32>
        %parallel_loop3A_506 = arith.constant 2 : i32
        %parallel_loop3A_507 = arith.divsi %parallel_loop3A_376, %parallel_loop3A_506 : i32
        %parallel_loop3A_508 = arith.constant 0 : i32
        %parallel_loop3A_509 = arith.cmpi sgt, %parallel_loop3A_376, %parallel_loop3A_508 : i32
        %parallel_loop3A_510 = arith.extui %parallel_loop3A_509 : i1 to i32
        %parallel_loop3A_511 = arith.constant 0 : i32
        %parallel_loop3A_512 = arith.cmpi slt, %parallel_loop3A_376, %parallel_loop3A_511 : i32
        %parallel_loop3A_513 = arith.extui %parallel_loop3A_512 : i1 to i32
        %parallel_loop3A_514 = arith.subi %parallel_loop3A_510, %parallel_loop3A_513 : i32
        %parallel_loop3A_515 = arith.constant 0 : i32
        %parallel_loop3A_516 = arith.cmpi sgt, %parallel_loop3A_506, %parallel_loop3A_515 : i32
        %parallel_loop3A_517 = arith.extui %parallel_loop3A_516 : i1 to i32
        %parallel_loop3A_518 = arith.constant 0 : i32
        %parallel_loop3A_519 = arith.cmpi slt, %parallel_loop3A_506, %parallel_loop3A_518 : i32
        %parallel_loop3A_520 = arith.extui %parallel_loop3A_519 : i1 to i32
        %parallel_loop3A_521 = arith.subi %parallel_loop3A_517, %parallel_loop3A_520 : i32
        %parallel_loop3A_522 = arith.cmpi ne, %parallel_loop3A_514, %parallel_loop3A_521 : i32
        %parallel_loop3A_523 = arith.remsi %parallel_loop3A_376, %parallel_loop3A_506 : i32
        %parallel_loop3A_524 = arith.constant 0 : i32
        %parallel_loop3A_525 = arith.cmpi ne, %parallel_loop3A_523, %parallel_loop3A_524 : i32
        %parallel_loop3A_526 = arith.andi %parallel_loop3A_522, %parallel_loop3A_525 : i1
        %parallel_loop3A_527 = arith.constant 1 : i32
        %parallel_loop3A_528 = arith.subi %parallel_loop3A_507, %parallel_loop3A_527 : i32
        %parallel_loop3A_529 = arith.select %parallel_loop3A_526, %parallel_loop3A_528, %parallel_loop3A_507 : i32
        %parallel_loop3A_530 = arith.constant 2 : i32
        %parallel_loop3A_531 = arith.constant 0 : i32
        %parallel_loop3A_532 = arith.cmpi eq, %parallel_loop3A_530, %parallel_loop3A_531 : i32
        %parallel_loop3A_533 = arith.constant 1 : i32
        %parallel_loop3A_534 = arith.select %parallel_loop3A_532, %parallel_loop3A_533, %parallel_loop3A_530 : i32
        %parallel_loop3A_535 = arith.remsi %parallel_loop3A_376, %parallel_loop3A_534 : i32
        %parallel_loop3A_536 = arith.constant 0 : i32
        %parallel_loop3A_537 = arith.cmpi ne, %parallel_loop3A_535, %parallel_loop3A_536 : i32
        %parallel_loop3A_538 = arith.constant 0 : i32
        %parallel_loop3A_539 = arith.cmpi slt, %parallel_loop3A_535, %parallel_loop3A_538 : i32
        %parallel_loop3A_540 = arith.constant 0 : i32
        %parallel_loop3A_541 = arith.cmpi slt, %parallel_loop3A_534, %parallel_loop3A_540 : i32
        %parallel_loop3A_542 = arith.xori %parallel_loop3A_539, %parallel_loop3A_541 : i1
        %parallel_loop3A_543 = arith.andi %parallel_loop3A_542, %parallel_loop3A_537 : i1
        %parallel_loop3A_544 = arith.addi %parallel_loop3A_535, %parallel_loop3A_534 : i32
        %parallel_loop3A_545 = arith.select %parallel_loop3A_543, %parallel_loop3A_544, %parallel_loop3A_535 : i32
        %parallel_loop3A_546 = arith.constant 64 : i32
        %parallel_loop3A_547 = arith.muli %parallel_loop3A_545, %parallel_loop3A_546 : i32
        %parallel_loop3A_548 = arith.constant 32 : i32
        %parallel_loop3A_549 = arith.addi %parallel_loop3A_547, %parallel_loop3A_548 : i32
        %parallel_loop3A_550 = arith.constant 0 : i32
        %parallel_loop3A_551 = arith.index_cast %parallel_loop3A_550 : i32 to index
        %parallel_loop3A_552 = arith.index_cast %parallel_loop3A_529 : i32 to index
        %parallel_loop3A_553 = arith.index_cast %parallel_loop3A_549 : i32 to index
        %parallel_loop3A_554 = tpu.vector_load %arg7[%parallel_loop3A_551, %parallel_loop3A_552, %parallel_loop3A_553] {strides = array<i32>} : memref<2x64x128xf32, #tpu.memory_space<vmem>>, vector<1x1x16xf32>,
        %parallel_loop3A_555 = vector.shape_cast %parallel_loop3A_554 : vector<1x1x16xf32> to vector<16xf32>
        %parallel_loop3A_556 = vector.shape_cast %parallel_loop3A_505 : vector<16xf32> to vector<1x1x16xf32>
        tpu.vector_store %arg7[%parallel_loop3A_551, %parallel_loop3A_552, %parallel_loop3A_553], %parallel_loop3A_556 {strides = array<i32>} : memref<2x64x128xf32, #tpu.memory_space<vmem>>, vector<1x1x16xf32>,
        %parallel_loop3A_557 = arith.constant 0 : i32
        %parallel_loop3A_558 = arith.index_cast %parallel_loop3A_557 : i32 to index
        %parallel_loop3A_559 = arith.index_cast %parallel_loop3A_376 : i32 to index
        %parallel_loop3A_560 = arith.constant 48 : index
        %parallel_loop3A_561 = tpu.vector_load %arg6[%parallel_loop3A_558, %parallel_loop3A_559, %parallel_loop3A_560] {strides = array<i32>} : memref<2x128x128xf32, #tpu.memory_space<vmem>>, vector<1x1x16xf32>,
        %parallel_loop3A_562 = vector.shape_cast %parallel_loop3A_561 : vector<1x1x16xf32> to vector<16xf32>
        %parallel_loop3A_563 = arith.constant 8.000000e+00 : f32
        %parallel_loop3A_564 = vector.broadcast %parallel_loop3A_563 : f32 to vector<16xf32>
        %parallel_loop3A_565 = arith.mulf %parallel_loop3A_562, %parallel_loop3A_564 : vector<16xf32>
        %parallel_loop3A_566 = arith.constant 2 : i32
        %parallel_loop3A_567 = arith.divsi %parallel_loop3A_376, %parallel_loop3A_566 : i32
        %parallel_loop3A_568 = arith.constant 0 : i32
        %parallel_loop3A_569 = arith.cmpi sgt, %parallel_loop3A_376, %parallel_loop3A_568 : i32
        %parallel_loop3A_570 = arith.extui %parallel_loop3A_569 : i1 to i32
        %parallel_loop3A_571 = arith.constant 0 : i32
        %parallel_loop3A_572 = arith.cmpi slt, %parallel_loop3A_376, %parallel_loop3A_571 : i32
        %parallel_loop3A_573 = arith.extui %parallel_loop3A_572 : i1 to i32
        %parallel_loop3A_574 = arith.subi %parallel_loop3A_570, %parallel_loop3A_573 : i32
        %parallel_loop3A_575 = arith.constant 0 : i32
        %parallel_loop3A_576 = arith.cmpi sgt, %parallel_loop3A_566, %parallel_loop3A_575 : i32
        %parallel_loop3A_577 = arith.extui %parallel_loop3A_576 : i1 to i32
        %parallel_loop3A_578 = arith.constant 0 : i32
        %parallel_loop3A_579 = arith.cmpi slt, %parallel_loop3A_566, %parallel_loop3A_578 : i32
        %parallel_loop3A_580 = arith.extui %parallel_loop3A_579 : i1 to i32
        %parallel_loop3A_581 = arith.subi %parallel_loop3A_577, %parallel_loop3A_580 : i32
        %parallel_loop3A_582 = arith.cmpi ne, %parallel_loop3A_574, %parallel_loop3A_581 : i32
        %parallel_loop3A_583 = arith.remsi %parallel_loop3A_376, %parallel_loop3A_566 : i32
        %parallel_loop3A_584 = arith.constant 0 : i32
        %parallel_loop3A_585 = arith.cmpi ne, %parallel_loop3A_583, %parallel_loop3A_584 : i32
        %parallel_loop3A_586 = arith.andi %parallel_loop3A_582, %parallel_loop3A_585 : i1
        %parallel_loop3A_587 = arith.constant 1 : i32
        %parallel_loop3A_588 = arith.subi %parallel_loop3A_567, %parallel_loop3A_587 : i32
        %parallel_loop3A_589 = arith.select %parallel_loop3A_586, %parallel_loop3A_588, %parallel_loop3A_567 : i32
        %parallel_loop3A_590 = arith.constant 2 : i32
        %parallel_loop3A_591 = arith.constant 0 : i32
        %parallel_loop3A_592 = arith.cmpi eq, %parallel_loop3A_590, %parallel_loop3A_591 : i32
        %parallel_loop3A_593 = arith.constant 1 : i32
        %parallel_loop3A_594 = arith.select %parallel_loop3A_592, %parallel_loop3A_593, %parallel_loop3A_590 : i32
        %parallel_loop3A_595 = arith.remsi %parallel_loop3A_376, %parallel_loop3A_594 : i32
        %parallel_loop3A_596 = arith.constant 0 : i32
        %parallel_loop3A_597 = arith.cmpi ne, %parallel_loop3A_595, %parallel_loop3A_596 : i32
        %parallel_loop3A_598 = arith.constant 0 : i32
        %parallel_loop3A_599 = arith.cmpi slt, %parallel_loop3A_595, %parallel_loop3A_598 : i32
        %parallel_loop3A_600 = arith.constant 0 : i32
        %parallel_loop3A_601 = arith.cmpi slt, %parallel_loop3A_594, %parallel_loop3A_600 : i32
        %parallel_loop3A_602 = arith.xori %parallel_loop3A_599, %parallel_loop3A_601 : i1
        %parallel_loop3A_603 = arith.andi %parallel_loop3A_602, %parallel_loop3A_597 : i1
        %parallel_loop3A_604 = arith.addi %parallel_loop3A_595, %parallel_loop3A_594 : i32
        %parallel_loop3A_605 = arith.select %parallel_loop3A_603, %parallel_loop3A_604, %parallel_loop3A_595 : i32
        %parallel_loop3A_606 = arith.constant 64 : i32
        %parallel_loop3A_607 = arith.muli %parallel_loop3A_605, %parallel_loop3A_606 : i32
        %parallel_loop3A_608 = arith.constant 48 : i32
        %parallel_loop3A_609 = arith.addi %parallel_loop3A_607, %parallel_loop3A_608 : i32
        %parallel_loop3A_610 = arith.constant 0 : i32
        %parallel_loop3A_611 = arith.index_cast %parallel_loop3A_610 : i32 to index
        %parallel_loop3A_612 = arith.index_cast %parallel_loop3A_589 : i32 to index
        %parallel_loop3A_613 = arith.index_cast %parallel_loop3A_609 : i32 to index
        %parallel_loop3A_614 = tpu.vector_load %arg7[%parallel_loop3A_611, %parallel_loop3A_612, %parallel_loop3A_613] {strides = array<i32>} : memref<2x64x128xf32, #tpu.memory_space<vmem>>, vector<1x1x16xf32>,
        %parallel_loop3A_615 = vector.shape_cast %parallel_loop3A_614 : vector<1x1x16xf32> to vector<16xf32>
        %parallel_loop3A_616 = vector.shape_cast %parallel_loop3A_565 : vector<16xf32> to vector<1x1x16xf32>
        tpu.vector_store %arg7[%parallel_loop3A_611, %parallel_loop3A_612, %parallel_loop3A_613], %parallel_loop3A_616 {strides = array<i32>} : memref<2x64x128xf32, #tpu.memory_space<vmem>>, vector<1x1x16xf32>,
      } {sc.loop_unroll_factor = 4 : i64, sc.parallel_access}
      %add3A_284 = arith.constant 2 : i32
      %add3A_285 = arith.addi %add3A_252, %add3A_284 : i32
      %dma_start3A_286 = arith.constant 0 : i32
      %dma_start3A_287 = arith.constant 0 : i32
      %dma_start3A_288 = arith.constant 0 : i32
      %dma_start3A_289 = tpu.memref_slice %arg6[%dma_start3A_286, %dma_start3A_287, %dma_start3A_288] : memref<2x128x128xf32, #tpu.memory_space<vmem>> -> memref<1x128x128xf32, #tpu.memory_space<vmem>>
      %dma_start3A_290 = tpu.memref_squeeze %dma_start3A_289 : memref<1x128x128xf32, #tpu.memory_space<vmem>> -> memref<128x128xf32, #tpu.memory_space<vmem>>
      %dma_start3A_291 = arith.constant 0 : i32
      %dma_start3A_292 = tpu.memref_slice %arg5[%add3A_285, %dma_start3A_291] : memref<200x128xi32, #tpu.memory_space<vmem>> -> memref<1x128xi32, #tpu.memory_space<vmem>>
      %dma_start3A_293 = tpu.memref_squeeze %dma_start3A_292 : memref<1x128xi32, #tpu.memory_space<vmem>> -> memref<128xi32, #tpu.memory_space<vmem>>
      %dma_start3A_294 = arith.constant 0 : i32
      %dma_start3A_295 = arith.constant 0 : i32
      %dma_start3A_296 = tpu.memref_slice %arg3[%dma_start3A_294, %dma_start3A_295] : memref<1000000x128xf32, #tpu.memory_space<hbm>> -> memref<1000000x128xf32, #tpu.memory_space<hbm>>
      tpu.enqueue_indirect_dma source(%dma_start3A_296 : memref<1000000x128xf32, #tpu.memory_space<hbm>>) target(%dma_start3A_290 : memref<128x128xf32, #tpu.memory_space<vmem>>) offsets(%dma_start3A_293 : memref<128xi32, #tpu.memory_space<vmem>>) semaphore(%arg8 : memref<!tpu.dma_semaphore, #tpu.memory_space<semaphore_mem>>)
      %add3A_297 = arith.addi %mul3A_2, %add3A_252 : i32
      %mul3A_298 = arith.constant 64 : i32
      %mul3A_299 = arith.muli %add3A_297, %mul3A_298 : i32
      %dma_start3A_300 = arith.constant 0 : i32
      %dma_start3A_301 = arith.constant 0 : i32
      %dma_start3A_302 = arith.constant 0 : i32
      %dma_start3A_303 = tpu.memref_slice %arg7[%dma_start3A_300, %dma_start3A_301, %dma_start3A_302] : memref<2x64x128xf32, #tpu.memory_space<vmem>> -> memref<1x64x128xf32, #tpu.memory_space<vmem>>
      %dma_start3A_304 = tpu.memref_squeeze %dma_start3A_303 : memref<1x64x128xf32, #tpu.memory_space<vmem>> -> memref<64x128xf32, #tpu.memory_space<vmem>>
      %dma_start3A_305 = arith.constant 0 : i32
      %dma_start3A_306 = tpu.memref_slice %arg4[%mul3A_299, %dma_start3A_305] : memref<409600x128xf32, #tpu.memory_space<hbm>> -> memref<64x128xf32, #tpu.memory_space<hbm>>
      %dma_start3A_307 = arith.constant 0 : i32
      %dma_start3A_308 = tpu.memref_slice %arg4[%mul3A_299, %dma_start3A_307] : memref<409600x128xf32, #tpu.memory_space<hbm>> -> memref<64x128xf32, #tpu.memory_space<hbm>>
      %dma_start3A_309 = arith.constant 0 : i32
      %dma_start3A_310 = arith.constant 0 : i32
      %dma_start3A_311 = tpu.memref_slice %arg7[%dma_start3A_300, %dma_start3A_309, %dma_start3A_310] : memref<2x64x128xf32, #tpu.memory_space<vmem>> -> memref<1x64x128xf32, #tpu.memory_space<vmem>>
      %dma_start3A_312 = tpu.memref_squeeze %dma_start3A_311 : memref<1x64x128xf32, #tpu.memory_space<vmem>> -> memref<64x128xf32, #tpu.memory_space<vmem>>
      tpu.enqueue_dma source(%dma_start3A_312 : memref<64x128xf32, #tpu.memory_space<vmem>>) target(%dma_start3A_308 : memref<64x128xf32, #tpu.memory_space<hbm>>) target_semaphore(%arg10 : memref<!tpu.dma_semaphore, #tpu.memory_space<semaphore_mem>>)
      %add3A_313 = arith.constant 1 : i32
      %add3A_314 = arith.addi %add3A_252, %add3A_313 : i32
      %dma_wait3A_315 = arith.constant 1 : i32
      %dma_wait3A_316 = arith.constant 0 : i32
      %dma_wait3A_317 = arith.constant 0 : i32
      %dma_wait3A_318 = tpu.memref_slice %arg6[%dma_wait3A_315, %dma_wait3A_316, %dma_wait3A_317] : memref<2x128x128xf32, #tpu.memory_space<vmem>> -> memref<1x128x128xf32, #tpu.memory_space<vmem>>
      %dma_wait3A_319 = tpu.memref_squeeze %dma_wait3A_318 : memref<1x128x128xf32, #tpu.memory_space<vmem>> -> memref<128x128xf32, #tpu.memory_space<vmem>>
      %dma_wait3A_320 = arith.constant 0 : i32
      %dma_wait3A_321 = tpu.memref_slice %arg5[%add3A_314, %dma_wait3A_320] : memref<200x128xi32, #tpu.memory_space<vmem>> -> memref<1x128xi32, #tpu.memory_space<vmem>>
      %dma_wait3A_322 = tpu.memref_squeeze %dma_wait3A_321 : memref<1x128xi32, #tpu.memory_space<vmem>> -> memref<128xi32, #tpu.memory_space<vmem>>
      %dma_wait3A_323 = arith.constant 0 : i32
      %dma_wait3A_324 = arith.constant 0 : i32
      %dma_wait3A_325 = tpu.memref_slice %arg3[%dma_wait3A_323, %dma_wait3A_324] : memref<1000000x128xf32, #tpu.memory_space<hbm>> -> memref<1000000x128xf32, #tpu.memory_space<hbm>>
      tpu.wait_indirect_dma semaphore(%arg9 : memref<!tpu.dma_semaphore, #tpu.memory_space<semaphore_mem>>) src(%dma_wait3A_325 : memref<1000000x128xf32, #tpu.memory_space<hbm>>) dst(%dma_wait3A_319 : memref<128x128xf32, #tpu.memory_space<vmem>>)
      %sub3A_326 = arith.constant 2 : i32
      %sub3A_327 = arith.subi %add3A_314, %sub3A_326 : i32
      %add3A_328 = arith.addi %mul3A_2, %sub3A_327 : i32
      %mul3A_329 = arith.constant 64 : i32
      %mul3A_330 = arith.muli %add3A_328, %mul3A_329 : i32
      %dma_wait3A_331 = arith.constant 1 : i32
      %dma_wait3A_332 = arith.constant 0 : i32
      %dma_wait3A_333 = arith.constant 0 : i32
      %dma_wait3A_334 = tpu.memref_slice %arg7[%dma_wait3A_331, %dma_wait3A_332, %dma_wait3A_333] : memref<2x64x128xf32, #tpu.memory_space<vmem>> -> memref<1x64x128xf32, #tpu.memory_space<vmem>>
      %dma_wait3A_335 = tpu.memref_squeeze %dma_wait3A_334 : memref<1x64x128xf32, #tpu.memory_space<vmem>> -> memref<64x128xf32, #tpu.memory_space<vmem>>
      %dma_wait3A_336 = arith.constant 0 : i32
      %dma_wait3A_337 = tpu.memref_slice %arg4[%mul3A_330, %dma_wait3A_336] : memref<409600x128xf32, #tpu.memory_space<hbm>> -> memref<64x128xf32, #tpu.memory_space<hbm>>
      %dma_wait3A_338 = arith.constant 0 : i32
      %dma_wait3A_339 = tpu.memref_slice %arg4[%mul3A_330, %dma_wait3A_338] : memref<409600x128xf32, #tpu.memory_space<hbm>> -> memref<64x128xf32, #tpu.memory_space<hbm>>
      %dma_wait3A_340 = arith.constant 0 : i32
      %dma_wait3A_341 = arith.constant 0 : i32
      %dma_wait3A_342 = tpu.memref_slice %arg7[%dma_wait3A_331, %dma_wait3A_340, %dma_wait3A_341] : memref<2x64x128xf32, #tpu.memory_space<vmem>> -> memref<1x64x128xf32, #tpu.memory_space<vmem>>
      %dma_wait3A_343 = tpu.memref_squeeze %dma_wait3A_342 : memref<1x64x128xf32, #tpu.memory_space<vmem>> -> memref<64x128xf32, #tpu.memory_space<vmem>>
      tpu.wait_dma2 semaphore(%arg11 : memref<!tpu.dma_semaphore, #tpu.memory_space<semaphore_mem>>) src(%dma_wait3A_343 : memref<64x128xf32, #tpu.memory_space<vmem>>) dst(%dma_wait3A_339 : memref<64x128xf32, #tpu.memory_space<hbm>>)
      %parallel_loop3A_344 = arith.constant 0 : i32
      %parallel_loop3A_345 = arith.constant 128 : i32
      %parallel_loop3A_346 = arith.constant 1 : i32
      scf.for %parallel_loop3A_376 = %parallel_loop3A_344 to %parallel_loop3A_345 step %parallel_loop3A_346  : i32 {
        %parallel_loop3A_377 = arith.constant 1 : i32
        %parallel_loop3A_378 = arith.index_cast %parallel_loop3A_377 : i32 to index
        %parallel_loop3A_379 = arith.index_cast %parallel_loop3A_376 : i32 to index
        %parallel_loop3A_380 = arith.constant 0 : index
        %parallel_loop3A_381 = tpu.vector_load %arg6[%parallel_loop3A_378, %parallel_loop3A_379, %parallel_loop3A_380] {strides = array<i32>} : memref<2x128x128xf32, #tpu.memory_space<vmem>>, vector<1x1x16xf32>,
        %parallel_loop3A_382 = vector.shape_cast %parallel_loop3A_381 : vector<1x1x16xf32> to vector<16xf32>
        %parallel_loop3A_383 = arith.constant 8.000000e+00 : f32
        %parallel_loop3A_384 = vector.broadcast %parallel_loop3A_383 : f32 to vector<16xf32>
        %parallel_loop3A_385 = arith.mulf %parallel_loop3A_382, %parallel_loop3A_384 : vector<16xf32>
        %parallel_loop3A_386 = arith.constant 2 : i32
        %parallel_loop3A_387 = arith.divsi %parallel_loop3A_376, %parallel_loop3A_386 : i32
        %parallel_loop3A_388 = arith.constant 0 : i32
        %parallel_loop3A_389 = arith.cmpi sgt, %parallel_loop3A_376, %parallel_loop3A_388 : i32
        %parallel_loop3A_390 = arith.extui %parallel_loop3A_389 : i1 to i32
        %parallel_loop3A_391 = arith.constant 0 : i32
        %parallel_loop3A_392 = arith.cmpi slt, %parallel_loop3A_376, %parallel_loop3A_391 : i32
        %parallel_loop3A_393 = arith.extui %parallel_loop3A_392 : i1 to i32
        %parallel_loop3A_394 = arith.subi %parallel_loop3A_390, %parallel_loop3A_393 : i32
        %parallel_loop3A_395 = arith.constant 0 : i32
        %parallel_loop3A_396 = arith.cmpi sgt, %parallel_loop3A_386, %parallel_loop3A_395 : i32
        %parallel_loop3A_397 = arith.extui %parallel_loop3A_396 : i1 to i32
        %parallel_loop3A_398 = arith.constant 0 : i32
        %parallel_loop3A_399 = arith.cmpi slt, %parallel_loop3A_386, %parallel_loop3A_398 : i32
        %parallel_loop3A_400 = arith.extui %parallel_loop3A_399 : i1 to i32
        %parallel_loop3A_401 = arith.subi %parallel_loop3A_397, %parallel_loop3A_400 : i32
        %parallel_loop3A_402 = arith.cmpi ne, %parallel_loop3A_394, %parallel_loop3A_401 : i32
        %parallel_loop3A_403 = arith.remsi %parallel_loop3A_376, %parallel_loop3A_386 : i32
        %parallel_loop3A_404 = arith.constant 0 : i32
        %parallel_loop3A_405 = arith.cmpi ne, %parallel_loop3A_403, %parallel_loop3A_404 : i32
        %parallel_loop3A_406 = arith.andi %parallel_loop3A_402, %parallel_loop3A_405 : i1
        %parallel_loop3A_407 = arith.constant 1 : i32
        %parallel_loop3A_408 = arith.subi %parallel_loop3A_387, %parallel_loop3A_407 : i32
        %parallel_loop3A_409 = arith.select %parallel_loop3A_406, %parallel_loop3A_408, %parallel_loop3A_387 : i32
        %parallel_loop3A_410 = arith.constant 2 : i32
        %parallel_loop3A_411 = arith.constant 0 : i32
        %parallel_loop3A_412 = arith.cmpi eq, %parallel_loop3A_410, %parallel_loop3A_411 : i32
        %parallel_loop3A_413 = arith.constant 1 : i32
        %parallel_loop3A_414 = arith.select %parallel_loop3A_412, %parallel_loop3A_413, %parallel_loop3A_410 : i32
        %parallel_loop3A_415 = arith.remsi %parallel_loop3A_376, %parallel_loop3A_414 : i32
        %parallel_loop3A_416 = arith.constant 0 : i32
        %parallel_loop3A_417 = arith.cmpi ne, %parallel_loop3A_415, %parallel_loop3A_416 : i32
        %parallel_loop3A_418 = arith.constant 0 : i32
        %parallel_loop3A_419 = arith.cmpi slt, %parallel_loop3A_415, %parallel_loop3A_418 : i32
        %parallel_loop3A_420 = arith.constant 0 : i32
        %parallel_loop3A_421 = arith.cmpi slt, %parallel_loop3A_414, %parallel_loop3A_420 : i32
        %parallel_loop3A_422 = arith.xori %parallel_loop3A_419, %parallel_loop3A_421 : i1
        %parallel_loop3A_423 = arith.andi %parallel_loop3A_422, %parallel_loop3A_417 : i1
        %parallel_loop3A_424 = arith.addi %parallel_loop3A_415, %parallel_loop3A_414 : i32
        %parallel_loop3A_425 = arith.select %parallel_loop3A_423, %parallel_loop3A_424, %parallel_loop3A_415 : i32
        %parallel_loop3A_426 = arith.constant 64 : i32
        %parallel_loop3A_427 = arith.muli %parallel_loop3A_425, %parallel_loop3A_426 : i32
        %parallel_loop3A_428 = arith.constant 0 : i32
        %parallel_loop3A_429 = arith.addi %parallel_loop3A_427, %parallel_loop3A_428 : i32
        %parallel_loop3A_430 = arith.constant 1 : i32
        %parallel_loop3A_431 = arith.index_cast %parallel_loop3A_430 : i32 to index
        %parallel_loop3A_432 = arith.index_cast %parallel_loop3A_409 : i32 to index
        %parallel_loop3A_433 = arith.index_cast %parallel_loop3A_429 : i32 to index
        %parallel_loop3A_434 = tpu.vector_load %arg7[%parallel_loop3A_431, %parallel_loop3A_432, %parallel_loop3A_433] {strides = array<i32>} : memref<2x64x128xf32, #tpu.memory_space<vmem>>, vector<1x1x16xf32>,
        %parallel_loop3A_435 = vector.shape_cast %parallel_loop3A_434 : vector<1x1x16xf32> to vector<16xf32>
        %parallel_loop3A_436 = vector.shape_cast %parallel_loop3A_385 : vector<16xf32> to vector<1x1x16xf32>
        tpu.vector_store %arg7[%parallel_loop3A_431, %parallel_loop3A_432, %parallel_loop3A_433], %parallel_loop3A_436 {strides = array<i32>} : memref<2x64x128xf32, #tpu.memory_space<vmem>>, vector<1x1x16xf32>,
        %parallel_loop3A_437 = arith.constant 1 : i32
        %parallel_loop3A_438 = arith.index_cast %parallel_loop3A_437 : i32 to index
        %parallel_loop3A_439 = arith.index_cast %parallel_loop3A_376 : i32 to index
        %parallel_loop3A_440 = arith.constant 16 : index
        %parallel_loop3A_441 = tpu.vector_load %arg6[%parallel_loop3A_438, %parallel_loop3A_439, %parallel_loop3A_440] {strides = array<i32>} : memref<2x128x128xf32, #tpu.memory_space<vmem>>, vector<1x1x16xf32>,
        %parallel_loop3A_442 = vector.shape_cast %parallel_loop3A_441 : vector<1x1x16xf32> to vector<16xf32>
        %parallel_loop3A_443 = arith.constant 8.000000e+00 : f32
        %parallel_loop3A_444 = vector.broadcast %parallel_loop3A_443 : f32 to vector<16xf32>
        %parallel_loop3A_445 = arith.mulf %parallel_loop3A_442, %parallel_loop3A_444 : vector<16xf32>
        %parallel_loop3A_446 = arith.constant 2 : i32
        %parallel_loop3A_447 = arith.divsi %parallel_loop3A_376, %parallel_loop3A_446 : i32
        %parallel_loop3A_448 = arith.constant 0 : i32
        %parallel_loop3A_449 = arith.cmpi sgt, %parallel_loop3A_376, %parallel_loop3A_448 : i32
        %parallel_loop3A_450 = arith.extui %parallel_loop3A_449 : i1 to i32
        %parallel_loop3A_451 = arith.constant 0 : i32
        %parallel_loop3A_452 = arith.cmpi slt, %parallel_loop3A_376, %parallel_loop3A_451 : i32
        %parallel_loop3A_453 = arith.extui %parallel_loop3A_452 : i1 to i32
        %parallel_loop3A_454 = arith.subi %parallel_loop3A_450, %parallel_loop3A_453 : i32
        %parallel_loop3A_455 = arith.constant 0 : i32
        %parallel_loop3A_456 = arith.cmpi sgt, %parallel_loop3A_446, %parallel_loop3A_455 : i32
        %parallel_loop3A_457 = arith.extui %parallel_loop3A_456 : i1 to i32
        %parallel_loop3A_458 = arith.constant 0 : i32
        %parallel_loop3A_459 = arith.cmpi slt, %parallel_loop3A_446, %parallel_loop3A_458 : i32
        %parallel_loop3A_460 = arith.extui %parallel_loop3A_459 : i1 to i32
        %parallel_loop3A_461 = arith.subi %parallel_loop3A_457, %parallel_loop3A_460 : i32
        %parallel_loop3A_462 = arith.cmpi ne, %parallel_loop3A_454, %parallel_loop3A_461 : i32
        %parallel_loop3A_463 = arith.remsi %parallel_loop3A_376, %parallel_loop3A_446 : i32
        %parallel_loop3A_464 = arith.constant 0 : i32
        %parallel_loop3A_465 = arith.cmpi ne, %parallel_loop3A_463, %parallel_loop3A_464 : i32
        %parallel_loop3A_466 = arith.andi %parallel_loop3A_462, %parallel_loop3A_465 : i1
        %parallel_loop3A_467 = arith.constant 1 : i32
        %parallel_loop3A_468 = arith.subi %parallel_loop3A_447, %parallel_loop3A_467 : i32
        %parallel_loop3A_469 = arith.select %parallel_loop3A_466, %parallel_loop3A_468, %parallel_loop3A_447 : i32
        %parallel_loop3A_470 = arith.constant 2 : i32
        %parallel_loop3A_471 = arith.constant 0 : i32
        %parallel_loop3A_472 = arith.cmpi eq, %parallel_loop3A_470, %parallel_loop3A_471 : i32
        %parallel_loop3A_473 = arith.constant 1 : i32
        %parallel_loop3A_474 = arith.select %parallel_loop3A_472, %parallel_loop3A_473, %parallel_loop3A_470 : i32
        %parallel_loop3A_475 = arith.remsi %parallel_loop3A_376, %parallel_loop3A_474 : i32
        %parallel_loop3A_476 = arith.constant 0 : i32
        %parallel_loop3A_477 = arith.cmpi ne, %parallel_loop3A_475, %parallel_loop3A_476 : i32
        %parallel_loop3A_478 = arith.constant 0 : i32
        %parallel_loop3A_479 = arith.cmpi slt, %parallel_loop3A_475, %parallel_loop3A_478 : i32
        %parallel_loop3A_480 = arith.constant 0 : i32
        %parallel_loop3A_481 = arith.cmpi slt, %parallel_loop3A_474, %parallel_loop3A_480 : i32
        %parallel_loop3A_482 = arith.xori %parallel_loop3A_479, %parallel_loop3A_481 : i1
        %parallel_loop3A_483 = arith.andi %parallel_loop3A_482, %parallel_loop3A_477 : i1
        %parallel_loop3A_484 = arith.addi %parallel_loop3A_475, %parallel_loop3A_474 : i32
        %parallel_loop3A_485 = arith.select %parallel_loop3A_483, %parallel_loop3A_484, %parallel_loop3A_475 : i32
        %parallel_loop3A_486 = arith.constant 64 : i32
        %parallel_loop3A_487 = arith.muli %parallel_loop3A_485, %parallel_loop3A_486 : i32
        %parallel_loop3A_488 = arith.constant 16 : i32
        %parallel_loop3A_489 = arith.addi %parallel_loop3A_487, %parallel_loop3A_488 : i32
        %parallel_loop3A_490 = arith.constant 1 : i32
        %parallel_loop3A_491 = arith.index_cast %parallel_loop3A_490 : i32 to index
        %parallel_loop3A_492 = arith.index_cast %parallel_loop3A_469 : i32 to index
        %parallel_loop3A_493 = arith.index_cast %parallel_loop3A_489 : i32 to index
        %parallel_loop3A_494 = tpu.vector_load %arg7[%parallel_loop3A_491, %parallel_loop3A_492, %parallel_loop3A_493] {strides = array<i32>} : memref<2x64x128xf32, #tpu.memory_space<vmem>>, vector<1x1x16xf32>,
        %parallel_loop3A_495 = vector.shape_cast %parallel_loop3A_494 : vector<1x1x16xf32> to vector<16xf32>
        %parallel_loop3A_496 = vector.shape_cast %parallel_loop3A_445 : vector<16xf32> to vector<1x1x16xf32>
        tpu.vector_store %arg7[%parallel_loop3A_491, %parallel_loop3A_492, %parallel_loop3A_493], %parallel_loop3A_496 {strides = array<i32>} : memref<2x64x128xf32, #tpu.memory_space<vmem>>, vector<1x1x16xf32>,
        %parallel_loop3A_497 = arith.constant 1 : i32
        %parallel_loop3A_498 = arith.index_cast %parallel_loop3A_497 : i32 to index
        %parallel_loop3A_499 = arith.index_cast %parallel_loop3A_376 : i32 to index
        %parallel_loop3A_500 = arith.constant 32 : index
        %parallel_loop3A_501 = tpu.vector_load %arg6[%parallel_loop3A_498, %parallel_loop3A_499, %parallel_loop3A_500] {strides = array<i32>} : memref<2x128x128xf32, #tpu.memory_space<vmem>>, vector<1x1x16xf32>,
        %parallel_loop3A_502 = vector.shape_cast %parallel_loop3A_501 : vector<1x1x16xf32> to vector<16xf32>
        %parallel_loop3A_503 = arith.constant 8.000000e+00 : f32
        %parallel_loop3A_504 = vector.broadcast %parallel_loop3A_503 : f32 to vector<16xf32>
        %parallel_loop3A_505 = arith.mulf %parallel_loop3A_502, %parallel_loop3A_504 : vector<16xf32>
        %parallel_loop3A_506 = arith.constant 2 : i32
        %parallel_loop3A_507 = arith.divsi %parallel_loop3A_376, %parallel_loop3A_506 : i32
        %parallel_loop3A_508 = arith.constant 0 : i32
        %parallel_loop3A_509 = arith.cmpi sgt, %parallel_loop3A_376, %parallel_loop3A_508 : i32
        %parallel_loop3A_510 = arith.extui %parallel_loop3A_509 : i1 to i32
        %parallel_loop3A_511 = arith.constant 0 : i32
        %parallel_loop3A_512 = arith.cmpi slt, %parallel_loop3A_376, %parallel_loop3A_511 : i32
        %parallel_loop3A_513 = arith.extui %parallel_loop3A_512 : i1 to i32
        %parallel_loop3A_514 = arith.subi %parallel_loop3A_510, %parallel_loop3A_513 : i32
        %parallel_loop3A_515 = arith.constant 0 : i32
        %parallel_loop3A_516 = arith.cmpi sgt, %parallel_loop3A_506, %parallel_loop3A_515 : i32
        %parallel_loop3A_517 = arith.extui %parallel_loop3A_516 : i1 to i32
        %parallel_loop3A_518 = arith.constant 0 : i32
        %parallel_loop3A_519 = arith.cmpi slt, %parallel_loop3A_506, %parallel_loop3A_518 : i32
        %parallel_loop3A_520 = arith.extui %parallel_loop3A_519 : i1 to i32
        %parallel_loop3A_521 = arith.subi %parallel_loop3A_517, %parallel_loop3A_520 : i32
        %parallel_loop3A_522 = arith.cmpi ne, %parallel_loop3A_514, %parallel_loop3A_521 : i32
        %parallel_loop3A_523 = arith.remsi %parallel_loop3A_376, %parallel_loop3A_506 : i32
        %parallel_loop3A_524 = arith.constant 0 : i32
        %parallel_loop3A_525 = arith.cmpi ne, %parallel_loop3A_523, %parallel_loop3A_524 : i32
        %parallel_loop3A_526 = arith.andi %parallel_loop3A_522, %parallel_loop3A_525 : i1
        %parallel_loop3A_527 = arith.constant 1 : i32
        %parallel_loop3A_528 = arith.subi %parallel_loop3A_507, %parallel_loop3A_527 : i32
        %parallel_loop3A_529 = arith.select %parallel_loop3A_526, %parallel_loop3A_528, %parallel_loop3A_507 : i32
        %parallel_loop3A_530 = arith.constant 2 : i32
        %parallel_loop3A_531 = arith.constant 0 : i32
        %parallel_loop3A_532 = arith.cmpi eq, %parallel_loop3A_530, %parallel_loop3A_531 : i32
        %parallel_loop3A_533 = arith.constant 1 : i32
        %parallel_loop3A_534 = arith.select %parallel_loop3A_532, %parallel_loop3A_533, %parallel_loop3A_530 : i32
        %parallel_loop3A_535 = arith.remsi %parallel_loop3A_376, %parallel_loop3A_534 : i32
        %parallel_loop3A_536 = arith.constant 0 : i32
        %parallel_loop3A_537 = arith.cmpi ne, %parallel_loop3A_535, %parallel_loop3A_536 : i32
        %parallel_loop3A_538 = arith.constant 0 : i32
        %parallel_loop3A_539 = arith.cmpi slt, %parallel_loop3A_535, %parallel_loop3A_538 : i32
        %parallel_loop3A_540 = arith.constant 0 : i32
        %parallel_loop3A_541 = arith.cmpi slt, %parallel_loop3A_534, %parallel_loop3A_540 : i32
        %parallel_loop3A_542 = arith.xori %parallel_loop3A_539, %parallel_loop3A_541 : i1
        %parallel_loop3A_543 = arith.andi %parallel_loop3A_542, %parallel_loop3A_537 : i1
        %parallel_loop3A_544 = arith.addi %parallel_loop3A_535, %parallel_loop3A_534 : i32
        %parallel_loop3A_545 = arith.select %parallel_loop3A_543, %parallel_loop3A_544, %parallel_loop3A_535 : i32
        %parallel_loop3A_546 = arith.constant 64 : i32
        %parallel_loop3A_547 = arith.muli %parallel_loop3A_545, %parallel_loop3A_546 : i32
        %parallel_loop3A_548 = arith.constant 32 : i32
        %parallel_loop3A_549 = arith.addi %parallel_loop3A_547, %parallel_loop3A_548 : i32
        %parallel_loop3A_550 = arith.constant 1 : i32
        %parallel_loop3A_551 = arith.index_cast %parallel_loop3A_550 : i32 to index
        %parallel_loop3A_552 = arith.index_cast %parallel_loop3A_529 : i32 to index
        %parallel_loop3A_553 = arith.index_cast %parallel_loop3A_549 : i32 to index
        %parallel_loop3A_554 = tpu.vector_load %arg7[%parallel_loop3A_551, %parallel_loop3A_552, %parallel_loop3A_553] {strides = array<i32>} : memref<2x64x128xf32, #tpu.memory_space<vmem>>, vector<1x1x16xf32>,
        %parallel_loop3A_555 = vector.shape_cast %parallel_loop3A_554 : vector<1x1x16xf32> to vector<16xf32>
        %parallel_loop3A_556 = vector.shape_cast %parallel_loop3A_505 : vector<16xf32> to vector<1x1x16xf32>
        tpu.vector_store %arg7[%parallel_loop3A_551, %parallel_loop3A_552, %parallel_loop3A_553], %parallel_loop3A_556 {strides = array<i32>} : memref<2x64x128xf32, #tpu.memory_space<vmem>>, vector<1x1x16xf32>,
        %parallel_loop3A_557 = arith.constant 1 : i32
        %parallel_loop3A_558 = arith.index_cast %parallel_loop3A_557 : i32 to index
        %parallel_loop3A_559 = arith.index_cast %parallel_loop3A_376 : i32 to index
        %parallel_loop3A_560 = arith.constant 48 : index
        %parallel_loop3A_561 = tpu.vector_load %arg6[%parallel_loop3A_558, %parallel_loop3A_559, %parallel_loop3A_560] {strides = array<i32>} : memref<2x128x128xf32, #tpu.memory_space<vmem>>, vector<1x1x16xf32>,
        %parallel_loop3A_562 = vector.shape_cast %parallel_loop3A_561 : vector<1x1x16xf32> to vector<16xf32>
        %parallel_loop3A_563 = arith.constant 8.000000e+00 : f32
        %parallel_loop3A_564 = vector.broadcast %parallel_loop3A_563 : f32 to vector<16xf32>
        %parallel_loop3A_565 = arith.mulf %parallel_loop3A_562, %parallel_loop3A_564 : vector<16xf32>
        %parallel_loop3A_566 = arith.constant 2 : i32
        %parallel_loop3A_567 = arith.divsi %parallel_loop3A_376, %parallel_loop3A_566 : i32
        %parallel_loop3A_568 = arith.constant 0 : i32
        %parallel_loop3A_569 = arith.cmpi sgt, %parallel_loop3A_376, %parallel_loop3A_568 : i32
        %parallel_loop3A_570 = arith.extui %parallel_loop3A_569 : i1 to i32
        %parallel_loop3A_571 = arith.constant 0 : i32
        %parallel_loop3A_572 = arith.cmpi slt, %parallel_loop3A_376, %parallel_loop3A_571 : i32
        %parallel_loop3A_573 = arith.extui %parallel_loop3A_572 : i1 to i32
        %parallel_loop3A_574 = arith.subi %parallel_loop3A_570, %parallel_loop3A_573 : i32
        %parallel_loop3A_575 = arith.constant 0 : i32
        %parallel_loop3A_576 = arith.cmpi sgt, %parallel_loop3A_566, %parallel_loop3A_575 : i32
        %parallel_loop3A_577 = arith.extui %parallel_loop3A_576 : i1 to i32
        %parallel_loop3A_578 = arith.constant 0 : i32
        %parallel_loop3A_579 = arith.cmpi slt, %parallel_loop3A_566, %parallel_loop3A_578 : i32
        %parallel_loop3A_580 = arith.extui %parallel_loop3A_579 : i1 to i32
        %parallel_loop3A_581 = arith.subi %parallel_loop3A_577, %parallel_loop3A_580 : i32
        %parallel_loop3A_582 = arith.cmpi ne, %parallel_loop3A_574, %parallel_loop3A_581 : i32
        %parallel_loop3A_583 = arith.remsi %parallel_loop3A_376, %parallel_loop3A_566 : i32
        %parallel_loop3A_584 = arith.constant 0 : i32
        %parallel_loop3A_585 = arith.cmpi ne, %parallel_loop3A_583, %parallel_loop3A_584 : i32
        %parallel_loop3A_586 = arith.andi %parallel_loop3A_582, %parallel_loop3A_585 : i1
        %parallel_loop3A_587 = arith.constant 1 : i32
        %parallel_loop3A_588 = arith.subi %parallel_loop3A_567, %parallel_loop3A_587 : i32
        %parallel_loop3A_589 = arith.select %parallel_loop3A_586, %parallel_loop3A_588, %parallel_loop3A_567 : i32
        %parallel_loop3A_590 = arith.constant 2 : i32
        %parallel_loop3A_591 = arith.constant 0 : i32
        %parallel_loop3A_592 = arith.cmpi eq, %parallel_loop3A_590, %parallel_loop3A_591 : i32
        %parallel_loop3A_593 = arith.constant 1 : i32
        %parallel_loop3A_594 = arith.select %parallel_loop3A_592, %parallel_loop3A_593, %parallel_loop3A_590 : i32
        %parallel_loop3A_595 = arith.remsi %parallel_loop3A_376, %parallel_loop3A_594 : i32
        %parallel_loop3A_596 = arith.constant 0 : i32
        %parallel_loop3A_597 = arith.cmpi ne, %parallel_loop3A_595, %parallel_loop3A_596 : i32
        %parallel_loop3A_598 = arith.constant 0 : i32
        %parallel_loop3A_599 = arith.cmpi slt, %parallel_loop3A_595, %parallel_loop3A_598 : i32
        %parallel_loop3A_600 = arith.constant 0 : i32
        %parallel_loop3A_601 = arith.cmpi slt, %parallel_loop3A_594, %parallel_loop3A_600 : i32
        %parallel_loop3A_602 = arith.xori %parallel_loop3A_599, %parallel_loop3A_601 : i1
        %parallel_loop3A_603 = arith.andi %parallel_loop3A_602, %parallel_loop3A_597 : i1
        %parallel_loop3A_604 = arith.addi %parallel_loop3A_595, %parallel_loop3A_594 : i32
        %parallel_loop3A_605 = arith.select %parallel_loop3A_603, %parallel_loop3A_604, %parallel_loop3A_595 : i32
        %parallel_loop3A_606 = arith.constant 64 : i32
        %parallel_loop3A_607 = arith.muli %parallel_loop3A_605, %parallel_loop3A_606 : i32
        %parallel_loop3A_608 = arith.constant 48 : i32
        %parallel_loop3A_609 = arith.addi %parallel_loop3A_607, %parallel_loop3A_608 : i32
        %parallel_loop3A_610 = arith.constant 1 : i32
        %parallel_loop3A_611 = arith.index_cast %parallel_loop3A_610 : i32 to index
        %parallel_loop3A_612 = arith.index_cast %parallel_loop3A_589 : i32 to index
        %parallel_loop3A_613 = arith.index_cast %parallel_loop3A_609 : i32 to index
        %parallel_loop3A_614 = tpu.vector_load %arg7[%parallel_loop3A_611, %parallel_loop3A_612, %parallel_loop3A_613] {strides = array<i32>} : memref<2x64x128xf32, #tpu.memory_space<vmem>>, vector<1x1x16xf32>,
        %parallel_loop3A_615 = vector.shape_cast %parallel_loop3A_614 : vector<1x1x16xf32> to vector<16xf32>
        %parallel_loop3A_616 = vector.shape_cast %parallel_loop3A_565 : vector<16xf32> to vector<1x1x16xf32>
        tpu.vector_store %arg7[%parallel_loop3A_611, %parallel_loop3A_612, %parallel_loop3A_613], %parallel_loop3A_616 {strides = array<i32>} : memref<2x64x128xf32, #tpu.memory_space<vmem>>, vector<1x1x16xf32>,
      } {sc.loop_unroll_factor = 4 : i64, sc.parallel_access}
      %add3A_347 = arith.constant 2 : i32
      %add3A_348 = arith.addi %add3A_314, %add3A_347 : i32
      %dma_start3A_349 = arith.constant 1 : i32
      %dma_start3A_350 = arith.constant 0 : i32
      %dma_start3A_351 = arith.constant 0 : i32
      %dma_start3A_352 = tpu.memref_slice %arg6[%dma_start3A_349, %dma_start3A_350, %dma_start3A_351] : memref<2x128x128xf32, #tpu.memory_space<vmem>> -> memref<1x128x128xf32, #tpu.memory_space<vmem>>
      %dma_start3A_353 = tpu.memref_squeeze %dma_start3A_352 : memref<1x128x128xf32, #tpu.memory_space<vmem>> -> memref<128x128xf32, #tpu.memory_space<vmem>>
      %dma_start3A_354 = arith.constant 0 : i32
      %dma_start3A_355 = tpu.memref_slice %arg5[%add3A_348, %dma_start3A_354] : memref<200x128xi32, #tpu.memory_space<vmem>> -> memref<1x128xi32, #tpu.memory_space<vmem>>
      %dma_start3A_356 = tpu.memref_squeeze %dma_start3A_355 : memref<1x128xi32, #tpu.memory_space<vmem>> -> memref<128xi32, #tpu.memory_space<vmem>>
      %dma_start3A_357 = arith.constant 0 : i32
      %dma_start3A_358 = arith.constant 0 : i32
      %dma_start3A_359 = tpu.memref_slice %arg3[%dma_start3A_357, %dma_start3A_358] : memref<1000000x128xf32, #tpu.memory_space<hbm>> -> memref<1000000x128xf32, #tpu.memory_space<hbm>>
      tpu.enqueue_indirect_dma source(%dma_start3A_359 : memref<1000000x128xf32, #tpu.memory_space<hbm>>) target(%dma_start3A_353 : memref<128x128xf32, #tpu.memory_space<vmem>>) offsets(%dma_start3A_356 : memref<128xi32, #tpu.memory_space<vmem>>) semaphore(%arg9 : memref<!tpu.dma_semaphore, #tpu.memory_space<semaphore_mem>>)
      %add3A_360 = arith.addi %mul3A_2, %add3A_314 : i32
      %mul3A_361 = arith.constant 64 : i32
      %mul3A_362 = arith.muli %add3A_360, %mul3A_361 : i32
      %dma_start3A_363 = arith.constant 1 : i32
      %dma_start3A_364 = arith.constant 0 : i32
      %dma_start3A_365 = arith.constant 0 : i32
      %dma_start3A_366 = tpu.memref_slice %arg7[%dma_start3A_363, %dma_start3A_364, %dma_start3A_365] : memref<2x64x128xf32, #tpu.memory_space<vmem>> -> memref<1x64x128xf32, #tpu.memory_space<vmem>>
      %dma_start3A_367 = tpu.memref_squeeze %dma_start3A_366 : memref<1x64x128xf32, #tpu.memory_space<vmem>> -> memref<64x128xf32, #tpu.memory_space<vmem>>
      %dma_start3A_368 = arith.constant 0 : i32
      %dma_start3A_369 = tpu.memref_slice %arg4[%mul3A_362, %dma_start3A_368] : memref<409600x128xf32, #tpu.memory_space<hbm>> -> memref<64x128xf32, #tpu.memory_space<hbm>>
      %dma_start3A_370 = arith.constant 0 : i32
      %dma_start3A_371 = tpu.memref_slice %arg4[%mul3A_362, %dma_start3A_370] : memref<409600x128xf32, #tpu.memory_space<hbm>> -> memref<64x128xf32, #tpu.memory_space<hbm>>
      %dma_start3A_372 = arith.constant 0 : i32
      %dma_start3A_373 = arith.constant 0 : i32
      %dma_start3A_374 = tpu.memref_slice %arg7[%dma_start3A_363, %dma_start3A_372, %dma_start3A_373] : memref<2x64x128xf32, #tpu.memory_space<vmem>> -> memref<1x64x128xf32, #tpu.memory_space<vmem>>
      %dma_start3A_375 = tpu.memref_squeeze %dma_start3A_374 : memref<1x64x128xf32, #tpu.memory_space<vmem>> -> memref<64x128xf32, #tpu.memory_space<vmem>>
      tpu.enqueue_dma source(%dma_start3A_375 : memref<64x128xf32, #tpu.memory_space<vmem>>) target(%dma_start3A_371 : memref<64x128xf32, #tpu.memory_space<hbm>>) target_semaphore(%arg11 : memref<!tpu.dma_semaphore, #tpu.memory_space<semaphore_mem>>)
    }
    %scan3A_115 = arith.constant 98 : i32
    %dma_wait3A_116 = arith.constant 198 : i32
    %dma_wait3A_117 = arith.constant 0 : i32
    %dma_wait3A_118 = arith.constant 0 : i32
    %dma_wait3A_119 = arith.constant 0 : i32
    %dma_wait3A_120 = tpu.memref_slice %arg6[%dma_wait3A_117, %dma_wait3A_118, %dma_wait3A_119] : memref<2x128x128xf32, #tpu.memory_space<vmem>> -> memref<1x128x128xf32, #tpu.memory_space<vmem>>
    %dma_wait3A_121 = tpu.memref_squeeze %dma_wait3A_120 : memref<1x128x128xf32, #tpu.memory_space<vmem>> -> memref<128x128xf32, #tpu.memory_space<vmem>>
    %dma_wait3A_122 = arith.constant 0 : i32
    %dma_wait3A_123 = tpu.memref_slice %arg5[%dma_wait3A_116, %dma_wait3A_122] : memref<200x128xi32, #tpu.memory_space<vmem>> -> memref<1x128xi32, #tpu.memory_space<vmem>>
    %dma_wait3A_124 = tpu.memref_squeeze %dma_wait3A_123 : memref<1x128xi32, #tpu.memory_space<vmem>> -> memref<128xi32, #tpu.memory_space<vmem>>
    %dma_wait3A_125 = arith.constant 0 : i32
    %dma_wait3A_126 = arith.constant 0 : i32
    %dma_wait3A_127 = tpu.memref_slice %arg3[%dma_wait3A_125, %dma_wait3A_126] : memref<1000000x128xf32, #tpu.memory_space<hbm>> -> memref<1000000x128xf32, #tpu.memory_space<hbm>>
    tpu.wait_indirect_dma semaphore(%arg8 : memref<!tpu.dma_semaphore, #tpu.memory_space<semaphore_mem>>) src(%dma_wait3A_127 : memref<1000000x128xf32, #tpu.memory_space<hbm>>) dst(%dma_wait3A_121 : memref<128x128xf32, #tpu.memory_space<vmem>>)
    %add3A_128 = arith.constant 196 : i32
    %add3A_129 = arith.addi %mul3A_2, %add3A_128 : i32
    %mul3A_130 = arith.constant 64 : i32
    %mul3A_131 = arith.muli %add3A_129, %mul3A_130 : i32
    %dma_wait3A_132 = arith.constant 0 : i32
    %dma_wait3A_133 = arith.constant 0 : i32
    %dma_wait3A_134 = arith.constant 0 : i32
    %dma_wait3A_135 = tpu.memref_slice %arg7[%dma_wait3A_132, %dma_wait3A_133, %dma_wait3A_134] : memref<2x64x128xf32, #tpu.memory_space<vmem>> -> memref<1x64x128xf32, #tpu.memory_space<vmem>>
    %dma_wait3A_136 = tpu.memref_squeeze %dma_wait3A_135 : memref<1x64x128xf32, #tpu.memory_space<vmem>> -> memref<64x128xf32, #tpu.memory_space<vmem>>
    %dma_wait3A_137 = arith.constant 0 : i32
    %dma_wait3A_138 = tpu.memref_slice %arg4[%mul3A_131, %dma_wait3A_137] : memref<409600x128xf32, #tpu.memory_space<hbm>> -> memref<64x128xf32, #tpu.memory_space<hbm>>
    %dma_wait3A_139 = arith.constant 0 : i32
    %dma_wait3A_140 = tpu.memref_slice %arg4[%mul3A_131, %dma_wait3A_139] : memref<409600x128xf32, #tpu.memory_space<hbm>> -> memref<64x128xf32, #tpu.memory_space<hbm>>
    %dma_wait3A_141 = arith.constant 0 : i32
    %dma_wait3A_142 = arith.constant 0 : i32
    %dma_wait3A_143 = tpu.memref_slice %arg7[%dma_wait3A_132, %dma_wait3A_141, %dma_wait3A_142] : memref<2x64x128xf32, #tpu.memory_space<vmem>> -> memref<1x64x128xf32, #tpu.memory_space<vmem>>
    %dma_wait3A_144 = tpu.memref_squeeze %dma_wait3A_143 : memref<1x64x128xf32, #tpu.memory_space<vmem>> -> memref<64x128xf32, #tpu.memory_space<vmem>>
    tpu.wait_dma2 semaphore(%arg10 : memref<!tpu.dma_semaphore, #tpu.memory_space<semaphore_mem>>) src(%dma_wait3A_144 : memref<64x128xf32, #tpu.memory_space<vmem>>) dst(%dma_wait3A_140 : memref<64x128xf32, #tpu.memory_space<hbm>>)
    %parallel_loop3A_145 = arith.constant 0 : i32
    %parallel_loop3A_146 = arith.constant 128 : i32
    %parallel_loop3A_147 = arith.constant 1 : i32
    scf.for %parallel_loop3A_248 = %parallel_loop3A_145 to %parallel_loop3A_146 step %parallel_loop3A_147  : i32 {
      %parallel_loop3A_249 = arith.constant 0 : i32
      %parallel_loop3A_250 = arith.index_cast %parallel_loop3A_249 : i32 to index
      %parallel_loop3A_251 = arith.index_cast %parallel_loop3A_248 : i32 to index
      %parallel_loop3A_252 = arith.constant 0 : index
      %parallel_loop3A_253 = tpu.vector_load %arg6[%parallel_loop3A_250, %parallel_loop3A_251, %parallel_loop3A_252] {strides = array<i32>} : memref<2x128x128xf32, #tpu.memory_space<vmem>>, vector<1x1x16xf32>,
      %parallel_loop3A_254 = vector.shape_cast %parallel_loop3A_253 : vector<1x1x16xf32> to vector<16xf32>
      %parallel_loop3A_255 = arith.constant 8.000000e+00 : f32
      %parallel_loop3A_256 = vector.broadcast %parallel_loop3A_255 : f32 to vector<16xf32>
      %parallel_loop3A_257 = arith.mulf %parallel_loop3A_254, %parallel_loop3A_256 : vector<16xf32>
      %parallel_loop3A_258 = arith.constant 2 : i32
      %parallel_loop3A_259 = arith.divsi %parallel_loop3A_248, %parallel_loop3A_258 : i32
      %parallel_loop3A_260 = arith.constant 0 : i32
      %parallel_loop3A_261 = arith.cmpi sgt, %parallel_loop3A_248, %parallel_loop3A_260 : i32
      %parallel_loop3A_262 = arith.extui %parallel_loop3A_261 : i1 to i32
      %parallel_loop3A_263 = arith.constant 0 : i32
      %parallel_loop3A_264 = arith.cmpi slt, %parallel_loop3A_248, %parallel_loop3A_263 : i32
      %parallel_loop3A_265 = arith.extui %parallel_loop3A_264 : i1 to i32
      %parallel_loop3A_266 = arith.subi %parallel_loop3A_262, %parallel_loop3A_265 : i32
      %parallel_loop3A_267 = arith.constant 0 : i32
      %parallel_loop3A_268 = arith.cmpi sgt, %parallel_loop3A_258, %parallel_loop3A_267 : i32
      %parallel_loop3A_269 = arith.extui %parallel_loop3A_268 : i1 to i32
      %parallel_loop3A_270 = arith.constant 0 : i32
      %parallel_loop3A_271 = arith.cmpi slt, %parallel_loop3A_258, %parallel_loop3A_270 : i32
      %parallel_loop3A_272 = arith.extui %parallel_loop3A_271 : i1 to i32
      %parallel_loop3A_273 = arith.subi %parallel_loop3A_269, %parallel_loop3A_272 : i32
      %parallel_loop3A_274 = arith.cmpi ne, %parallel_loop3A_266, %parallel_loop3A_273 : i32
      %parallel_loop3A_275 = arith.remsi %parallel_loop3A_248, %parallel_loop3A_258 : i32
      %parallel_loop3A_276 = arith.constant 0 : i32
      %parallel_loop3A_277 = arith.cmpi ne, %parallel_loop3A_275, %parallel_loop3A_276 : i32
      %parallel_loop3A_278 = arith.andi %parallel_loop3A_274, %parallel_loop3A_277 : i1
      %parallel_loop3A_279 = arith.constant 1 : i32
      %parallel_loop3A_280 = arith.subi %parallel_loop3A_259, %parallel_loop3A_279 : i32
      %parallel_loop3A_281 = arith.select %parallel_loop3A_278, %parallel_loop3A_280, %parallel_loop3A_259 : i32
      %parallel_loop3A_282 = arith.constant 2 : i32
      %parallel_loop3A_283 = arith.constant 0 : i32
      %parallel_loop3A_284 = arith.cmpi eq, %parallel_loop3A_282, %parallel_loop3A_283 : i32
      %parallel_loop3A_285 = arith.constant 1 : i32
      %parallel_loop3A_286 = arith.select %parallel_loop3A_284, %parallel_loop3A_285, %parallel_loop3A_282 : i32
      %parallel_loop3A_287 = arith.remsi %parallel_loop3A_248, %parallel_loop3A_286 : i32
      %parallel_loop3A_288 = arith.constant 0 : i32
      %parallel_loop3A_289 = arith.cmpi ne, %parallel_loop3A_287, %parallel_loop3A_288 : i32
      %parallel_loop3A_290 = arith.constant 0 : i32
      %parallel_loop3A_291 = arith.cmpi slt, %parallel_loop3A_287, %parallel_loop3A_290 : i32
      %parallel_loop3A_292 = arith.constant 0 : i32
      %parallel_loop3A_293 = arith.cmpi slt, %parallel_loop3A_286, %parallel_loop3A_292 : i32
      %parallel_loop3A_294 = arith.xori %parallel_loop3A_291, %parallel_loop3A_293 : i1
      %parallel_loop3A_295 = arith.andi %parallel_loop3A_294, %parallel_loop3A_289 : i1
      %parallel_loop3A_296 = arith.addi %parallel_loop3A_287, %parallel_loop3A_286 : i32
      %parallel_loop3A_297 = arith.select %parallel_loop3A_295, %parallel_loop3A_296, %parallel_loop3A_287 : i32
      %parallel_loop3A_298 = arith.constant 64 : i32
      %parallel_loop3A_299 = arith.muli %parallel_loop3A_297, %parallel_loop3A_298 : i32
      %parallel_loop3A_300 = arith.constant 0 : i32
      %parallel_loop3A_301 = arith.addi %parallel_loop3A_299, %parallel_loop3A_300 : i32
      %parallel_loop3A_302 = arith.constant 0 : i32
      %parallel_loop3A_303 = arith.index_cast %parallel_loop3A_302 : i32 to index
      %parallel_loop3A_304 = arith.index_cast %parallel_loop3A_281 : i32 to index
      %parallel_loop3A_305 = arith.index_cast %parallel_loop3A_301 : i32 to index
      %parallel_loop3A_306 = tpu.vector_load %arg7[%parallel_loop3A_303, %parallel_loop3A_304, %parallel_loop3A_305] {strides = array<i32>} : memref<2x64x128xf32, #tpu.memory_space<vmem>>, vector<1x1x16xf32>,
      %parallel_loop3A_307 = vector.shape_cast %parallel_loop3A_306 : vector<1x1x16xf32> to vector<16xf32>
      %parallel_loop3A_308 = vector.shape_cast %parallel_loop3A_257 : vector<16xf32> to vector<1x1x16xf32>
      tpu.vector_store %arg7[%parallel_loop3A_303, %parallel_loop3A_304, %parallel_loop3A_305], %parallel_loop3A_308 {strides = array<i32>} : memref<2x64x128xf32, #tpu.memory_space<vmem>>, vector<1x1x16xf32>,
      %parallel_loop3A_309 = arith.constant 0 : i32
      %parallel_loop3A_310 = arith.index_cast %parallel_loop3A_309 : i32 to index
      %parallel_loop3A_311 = arith.index_cast %parallel_loop3A_248 : i32 to index
      %parallel_loop3A_312 = arith.constant 16 : index
      %parallel_loop3A_313 = tpu.vector_load %arg6[%parallel_loop3A_310, %parallel_loop3A_311, %parallel_loop3A_312] {strides = array<i32>} : memref<2x128x128xf32, #tpu.memory_space<vmem>>, vector<1x1x16xf32>,
      %parallel_loop3A_314 = vector.shape_cast %parallel_loop3A_313 : vector<1x1x16xf32> to vector<16xf32>
      %parallel_loop3A_315 = arith.constant 8.000000e+00 : f32
      %parallel_loop3A_316 = vector.broadcast %parallel_loop3A_315 : f32 to vector<16xf32>
      %parallel_loop3A_317 = arith.mulf %parallel_loop3A_314, %parallel_loop3A_316 : vector<16xf32>
      %parallel_loop3A_318 = arith.constant 2 : i32
      %parallel_loop3A_319 = arith.divsi %parallel_loop3A_248, %parallel_loop3A_318 : i32
      %parallel_loop3A_320 = arith.constant 0 : i32
      %parallel_loop3A_321 = arith.cmpi sgt, %parallel_loop3A_248, %parallel_loop3A_320 : i32
      %parallel_loop3A_322 = arith.extui %parallel_loop3A_321 : i1 to i32
      %parallel_loop3A_323 = arith.constant 0 : i32
      %parallel_loop3A_324 = arith.cmpi slt, %parallel_loop3A_248, %parallel_loop3A_323 : i32
      %parallel_loop3A_325 = arith.extui %parallel_loop3A_324 : i1 to i32
      %parallel_loop3A_326 = arith.subi %parallel_loop3A_322, %parallel_loop3A_325 : i32
      %parallel_loop3A_327 = arith.constant 0 : i32
      %parallel_loop3A_328 = arith.cmpi sgt, %parallel_loop3A_318, %parallel_loop3A_327 : i32
      %parallel_loop3A_329 = arith.extui %parallel_loop3A_328 : i1 to i32
      %parallel_loop3A_330 = arith.constant 0 : i32
      %parallel_loop3A_331 = arith.cmpi slt, %parallel_loop3A_318, %parallel_loop3A_330 : i32
      %parallel_loop3A_332 = arith.extui %parallel_loop3A_331 : i1 to i32
      %parallel_loop3A_333 = arith.subi %parallel_loop3A_329, %parallel_loop3A_332 : i32
      %parallel_loop3A_334 = arith.cmpi ne, %parallel_loop3A_326, %parallel_loop3A_333 : i32
      %parallel_loop3A_335 = arith.remsi %parallel_loop3A_248, %parallel_loop3A_318 : i32
      %parallel_loop3A_336 = arith.constant 0 : i32
      %parallel_loop3A_337 = arith.cmpi ne, %parallel_loop3A_335, %parallel_loop3A_336 : i32
      %parallel_loop3A_338 = arith.andi %parallel_loop3A_334, %parallel_loop3A_337 : i1
      %parallel_loop3A_339 = arith.constant 1 : i32
      %parallel_loop3A_340 = arith.subi %parallel_loop3A_319, %parallel_loop3A_339 : i32
      %parallel_loop3A_341 = arith.select %parallel_loop3A_338, %parallel_loop3A_340, %parallel_loop3A_319 : i32
      %parallel_loop3A_342 = arith.constant 2 : i32
      %parallel_loop3A_343 = arith.constant 0 : i32
      %parallel_loop3A_344 = arith.cmpi eq, %parallel_loop3A_342, %parallel_loop3A_343 : i32
      %parallel_loop3A_345 = arith.constant 1 : i32
      %parallel_loop3A_346 = arith.select %parallel_loop3A_344, %parallel_loop3A_345, %parallel_loop3A_342 : i32
      %parallel_loop3A_347 = arith.remsi %parallel_loop3A_248, %parallel_loop3A_346 : i32
      %parallel_loop3A_348 = arith.constant 0 : i32
      %parallel_loop3A_349 = arith.cmpi ne, %parallel_loop3A_347, %parallel_loop3A_348 : i32
      %parallel_loop3A_350 = arith.constant 0 : i32
      %parallel_loop3A_351 = arith.cmpi slt, %parallel_loop3A_347, %parallel_loop3A_350 : i32
      %parallel_loop3A_352 = arith.constant 0 : i32
      %parallel_loop3A_353 = arith.cmpi slt, %parallel_loop3A_346, %parallel_loop3A_352 : i32
      %parallel_loop3A_354 = arith.xori %parallel_loop3A_351, %parallel_loop3A_353 : i1
      %parallel_loop3A_355 = arith.andi %parallel_loop3A_354, %parallel_loop3A_349 : i1
      %parallel_loop3A_356 = arith.addi %parallel_loop3A_347, %parallel_loop3A_346 : i32
      %parallel_loop3A_357 = arith.select %parallel_loop3A_355, %parallel_loop3A_356, %parallel_loop3A_347 : i32
      %parallel_loop3A_358 = arith.constant 64 : i32
      %parallel_loop3A_359 = arith.muli %parallel_loop3A_357, %parallel_loop3A_358 : i32
      %parallel_loop3A_360 = arith.constant 16 : i32
      %parallel_loop3A_361 = arith.addi %parallel_loop3A_359, %parallel_loop3A_360 : i32
      %parallel_loop3A_362 = arith.constant 0 : i32
      %parallel_loop3A_363 = arith.index_cast %parallel_loop3A_362 : i32 to index
      %parallel_loop3A_364 = arith.index_cast %parallel_loop3A_341 : i32 to index
      %parallel_loop3A_365 = arith.index_cast %parallel_loop3A_361 : i32 to index
      %parallel_loop3A_366 = tpu.vector_load %arg7[%parallel_loop3A_363, %parallel_loop3A_364, %parallel_loop3A_365] {strides = array<i32>} : memref<2x64x128xf32, #tpu.memory_space<vmem>>, vector<1x1x16xf32>,
      %parallel_loop3A_367 = vector.shape_cast %parallel_loop3A_366 : vector<1x1x16xf32> to vector<16xf32>
      %parallel_loop3A_368 = vector.shape_cast %parallel_loop3A_317 : vector<16xf32> to vector<1x1x16xf32>
      tpu.vector_store %arg7[%parallel_loop3A_363, %parallel_loop3A_364, %parallel_loop3A_365], %parallel_loop3A_368 {strides = array<i32>} : memref<2x64x128xf32, #tpu.memory_space<vmem>>, vector<1x1x16xf32>,
      %parallel_loop3A_369 = arith.constant 0 : i32
      %parallel_loop3A_370 = arith.index_cast %parallel_loop3A_369 : i32 to index
      %parallel_loop3A_371 = arith.index_cast %parallel_loop3A_248 : i32 to index
      %parallel_loop3A_372 = arith.constant 32 : index
      %parallel_loop3A_373 = tpu.vector_load %arg6[%parallel_loop3A_370, %parallel_loop3A_371, %parallel_loop3A_372] {strides = array<i32>} : memref<2x128x128xf32, #tpu.memory_space<vmem>>, vector<1x1x16xf32>,
      %parallel_loop3A_374 = vector.shape_cast %parallel_loop3A_373 : vector<1x1x16xf32> to vector<16xf32>
      %parallel_loop3A_375 = arith.constant 8.000000e+00 : f32
      %parallel_loop3A_376 = vector.broadcast %parallel_loop3A_375 : f32 to vector<16xf32>
      %parallel_loop3A_377 = arith.mulf %parallel_loop3A_374, %parallel_loop3A_376 : vector<16xf32>
      %parallel_loop3A_378 = arith.constant 2 : i32
      %parallel_loop3A_379 = arith.divsi %parallel_loop3A_248, %parallel_loop3A_378 : i32
      %parallel_loop3A_380 = arith.constant 0 : i32
      %parallel_loop3A_381 = arith.cmpi sgt, %parallel_loop3A_248, %parallel_loop3A_380 : i32
      %parallel_loop3A_382 = arith.extui %parallel_loop3A_381 : i1 to i32
      %parallel_loop3A_383 = arith.constant 0 : i32
      %parallel_loop3A_384 = arith.cmpi slt, %parallel_loop3A_248, %parallel_loop3A_383 : i32
      %parallel_loop3A_385 = arith.extui %parallel_loop3A_384 : i1 to i32
      %parallel_loop3A_386 = arith.subi %parallel_loop3A_382, %parallel_loop3A_385 : i32
      %parallel_loop3A_387 = arith.constant 0 : i32
      %parallel_loop3A_388 = arith.cmpi sgt, %parallel_loop3A_378, %parallel_loop3A_387 : i32
      %parallel_loop3A_389 = arith.extui %parallel_loop3A_388 : i1 to i32
      %parallel_loop3A_390 = arith.constant 0 : i32
      %parallel_loop3A_391 = arith.cmpi slt, %parallel_loop3A_378, %parallel_loop3A_390 : i32
      %parallel_loop3A_392 = arith.extui %parallel_loop3A_391 : i1 to i32
      %parallel_loop3A_393 = arith.subi %parallel_loop3A_389, %parallel_loop3A_392 : i32
      %parallel_loop3A_394 = arith.cmpi ne, %parallel_loop3A_386, %parallel_loop3A_393 : i32
      %parallel_loop3A_395 = arith.remsi %parallel_loop3A_248, %parallel_loop3A_378 : i32
      %parallel_loop3A_396 = arith.constant 0 : i32
      %parallel_loop3A_397 = arith.cmpi ne, %parallel_loop3A_395, %parallel_loop3A_396 : i32
      %parallel_loop3A_398 = arith.andi %parallel_loop3A_394, %parallel_loop3A_397 : i1
      %parallel_loop3A_399 = arith.constant 1 : i32
      %parallel_loop3A_400 = arith.subi %parallel_loop3A_379, %parallel_loop3A_399 : i32
      %parallel_loop3A_401 = arith.select %parallel_loop3A_398, %parallel_loop3A_400, %parallel_loop3A_379 : i32
      %parallel_loop3A_402 = arith.constant 2 : i32
      %parallel_loop3A_403 = arith.constant 0 : i32
      %parallel_loop3A_404 = arith.cmpi eq, %parallel_loop3A_402, %parallel_loop3A_403 : i32
      %parallel_loop3A_405 = arith.constant 1 : i32
      %parallel_loop3A_406 = arith.select %parallel_loop3A_404, %parallel_loop3A_405, %parallel_loop3A_402 : i32
      %parallel_loop3A_407 = arith.remsi %parallel_loop3A_248, %parallel_loop3A_406 : i32
      %parallel_loop3A_408 = arith.constant 0 : i32
      %parallel_loop3A_409 = arith.cmpi ne, %parallel_loop3A_407, %parallel_loop3A_408 : i32
      %parallel_loop3A_410 = arith.constant 0 : i32
      %parallel_loop3A_411 = arith.cmpi slt, %parallel_loop3A_407, %parallel_loop3A_410 : i32
      %parallel_loop3A_412 = arith.constant 0 : i32
      %parallel_loop3A_413 = arith.cmpi slt, %parallel_loop3A_406, %parallel_loop3A_412 : i32
      %parallel_loop3A_414 = arith.xori %parallel_loop3A_411, %parallel_loop3A_413 : i1
      %parallel_loop3A_415 = arith.andi %parallel_loop3A_414, %parallel_loop3A_409 : i1
      %parallel_loop3A_416 = arith.addi %parallel_loop3A_407, %parallel_loop3A_406 : i32
      %parallel_loop3A_417 = arith.select %parallel_loop3A_415, %parallel_loop3A_416, %parallel_loop3A_407 : i32
      %parallel_loop3A_418 = arith.constant 64 : i32
      %parallel_loop3A_419 = arith.muli %parallel_loop3A_417, %parallel_loop3A_418 : i32
      %parallel_loop3A_420 = arith.constant 32 : i32
      %parallel_loop3A_421 = arith.addi %parallel_loop3A_419, %parallel_loop3A_420 : i32
      %parallel_loop3A_422 = arith.constant 0 : i32
      %parallel_loop3A_423 = arith.index_cast %parallel_loop3A_422 : i32 to index
      %parallel_loop3A_424 = arith.index_cast %parallel_loop3A_401 : i32 to index
      %parallel_loop3A_425 = arith.index_cast %parallel_loop3A_421 : i32 to index
      %parallel_loop3A_426 = tpu.vector_load %arg7[%parallel_loop3A_423, %parallel_loop3A_424, %parallel_loop3A_425] {strides = array<i32>} : memref<2x64x128xf32, #tpu.memory_space<vmem>>, vector<1x1x16xf32>,
      %parallel_loop3A_427 = vector.shape_cast %parallel_loop3A_426 : vector<1x1x16xf32> to vector<16xf32>
      %parallel_loop3A_428 = vector.shape_cast %parallel_loop3A_377 : vector<16xf32> to vector<1x1x16xf32>
      tpu.vector_store %arg7[%parallel_loop3A_423, %parallel_loop3A_424, %parallel_loop3A_425], %parallel_loop3A_428 {strides = array<i32>} : memref<2x64x128xf32, #tpu.memory_space<vmem>>, vector<1x1x16xf32>,
      %parallel_loop3A_429 = arith.constant 0 : i32
      %parallel_loop3A_430 = arith.index_cast %parallel_loop3A_429 : i32 to index
      %parallel_loop3A_431 = arith.index_cast %parallel_loop3A_248 : i32 to index
      %parallel_loop3A_432 = arith.constant 48 : index
      %parallel_loop3A_433 = tpu.vector_load %arg6[%parallel_loop3A_430, %parallel_loop3A_431, %parallel_loop3A_432] {strides = array<i32>} : memref<2x128x128xf32, #tpu.memory_space<vmem>>, vector<1x1x16xf32>,
      %parallel_loop3A_434 = vector.shape_cast %parallel_loop3A_433 : vector<1x1x16xf32> to vector<16xf32>
      %parallel_loop3A_435 = arith.constant 8.000000e+00 : f32
      %parallel_loop3A_436 = vector.broadcast %parallel_loop3A_435 : f32 to vector<16xf32>
      %parallel_loop3A_437 = arith.mulf %parallel_loop3A_434, %parallel_loop3A_436 : vector<16xf32>
      %parallel_loop3A_438 = arith.constant 2 : i32
      %parallel_loop3A_439 = arith.divsi %parallel_loop3A_248, %parallel_loop3A_438 : i32
      %parallel_loop3A_440 = arith.constant 0 : i32
      %parallel_loop3A_441 = arith.cmpi sgt, %parallel_loop3A_248, %parallel_loop3A_440 : i32
      %parallel_loop3A_442 = arith.extui %parallel_loop3A_441 : i1 to i32
      %parallel_loop3A_443 = arith.constant 0 : i32
      %parallel_loop3A_444 = arith.cmpi slt, %parallel_loop3A_248, %parallel_loop3A_443 : i32
      %parallel_loop3A_445 = arith.extui %parallel_loop3A_444 : i1 to i32
      %parallel_loop3A_446 = arith.subi %parallel_loop3A_442, %parallel_loop3A_445 : i32
      %parallel_loop3A_447 = arith.constant 0 : i32
      %parallel_loop3A_448 = arith.cmpi sgt, %parallel_loop3A_438, %parallel_loop3A_447 : i32
      %parallel_loop3A_449 = arith.extui %parallel_loop3A_448 : i1 to i32
      %parallel_loop3A_450 = arith.constant 0 : i32
      %parallel_loop3A_451 = arith.cmpi slt, %parallel_loop3A_438, %parallel_loop3A_450 : i32
      %parallel_loop3A_452 = arith.extui %parallel_loop3A_451 : i1 to i32
      %parallel_loop3A_453 = arith.subi %parallel_loop3A_449, %parallel_loop3A_452 : i32
      %parallel_loop3A_454 = arith.cmpi ne, %parallel_loop3A_446, %parallel_loop3A_453 : i32
      %parallel_loop3A_455 = arith.remsi %parallel_loop3A_248, %parallel_loop3A_438 : i32
      %parallel_loop3A_456 = arith.constant 0 : i32
      %parallel_loop3A_457 = arith.cmpi ne, %parallel_loop3A_455, %parallel_loop3A_456 : i32
      %parallel_loop3A_458 = arith.andi %parallel_loop3A_454, %parallel_loop3A_457 : i1
      %parallel_loop3A_459 = arith.constant 1 : i32
      %parallel_loop3A_460 = arith.subi %parallel_loop3A_439, %parallel_loop3A_459 : i32
      %parallel_loop3A_461 = arith.select %parallel_loop3A_458, %parallel_loop3A_460, %parallel_loop3A_439 : i32
      %parallel_loop3A_462 = arith.constant 2 : i32
      %parallel_loop3A_463 = arith.constant 0 : i32
      %parallel_loop3A_464 = arith.cmpi eq, %parallel_loop3A_462, %parallel_loop3A_463 : i32
      %parallel_loop3A_465 = arith.constant 1 : i32
      %parallel_loop3A_466 = arith.select %parallel_loop3A_464, %parallel_loop3A_465, %parallel_loop3A_462 : i32
      %parallel_loop3A_467 = arith.remsi %parallel_loop3A_248, %parallel_loop3A_466 : i32
      %parallel_loop3A_468 = arith.constant 0 : i32
      %parallel_loop3A_469 = arith.cmpi ne, %parallel_loop3A_467, %parallel_loop3A_468 : i32
      %parallel_loop3A_470 = arith.constant 0 : i32
      %parallel_loop3A_471 = arith.cmpi slt, %parallel_loop3A_467, %parallel_loop3A_470 : i32
      %parallel_loop3A_472 = arith.constant 0 : i32
      %parallel_loop3A_473 = arith.cmpi slt, %parallel_loop3A_466, %parallel_loop3A_472 : i32
      %parallel_loop3A_474 = arith.xori %parallel_loop3A_471, %parallel_loop3A_473 : i1
      %parallel_loop3A_475 = arith.andi %parallel_loop3A_474, %parallel_loop3A_469 : i1
      %parallel_loop3A_476 = arith.addi %parallel_loop3A_467, %parallel_loop3A_466 : i32
      %parallel_loop3A_477 = arith.select %parallel_loop3A_475, %parallel_loop3A_476, %parallel_loop3A_467 : i32
      %parallel_loop3A_478 = arith.constant 64 : i32
      %parallel_loop3A_479 = arith.muli %parallel_loop3A_477, %parallel_loop3A_478 : i32
      %parallel_loop3A_480 = arith.constant 48 : i32
      %parallel_loop3A_481 = arith.addi %parallel_loop3A_479, %parallel_loop3A_480 : i32
      %parallel_loop3A_482 = arith.constant 0 : i32
      %parallel_loop3A_483 = arith.index_cast %parallel_loop3A_482 : i32 to index
      %parallel_loop3A_484 = arith.index_cast %parallel_loop3A_461 : i32 to index
      %parallel_loop3A_485 = arith.index_cast %parallel_loop3A_481 : i32 to index
      %parallel_loop3A_486 = tpu.vector_load %arg7[%parallel_loop3A_483, %parallel_loop3A_484, %parallel_loop3A_485] {strides = array<i32>} : memref<2x64x128xf32, #tpu.memory_space<vmem>>, vector<1x1x16xf32>,
      %parallel_loop3A_487 = vector.shape_cast %parallel_loop3A_486 : vector<1x1x16xf32> to vector<16xf32>
      %parallel_loop3A_488 = vector.shape_cast %parallel_loop3A_437 : vector<16xf32> to vector<1x1x16xf32>
      tpu.vector_store %arg7[%parallel_loop3A_483, %parallel_loop3A_484, %parallel_loop3A_485], %parallel_loop3A_488 {strides = array<i32>} : memref<2x64x128xf32, #tpu.memory_space<vmem>>, vector<1x1x16xf32>,
    } {sc.loop_unroll_factor = 4 : i64, sc.parallel_access}
    %add3A_148 = arith.constant 198 : i32
    %add3A_149 = arith.addi %mul3A_2, %add3A_148 : i32
    %mul3A_150 = arith.constant 64 : i32
    %mul3A_151 = arith.muli %add3A_149, %mul3A_150 : i32
    %dma_start3A_152 = arith.constant 0 : i32
    %dma_start3A_153 = arith.constant 0 : i32
    %dma_start3A_154 = arith.constant 0 : i32
    %dma_start3A_155 = tpu.memref_slice %arg7[%dma_start3A_152, %dma_start3A_153, %dma_start3A_154] : memref<2x64x128xf32, #tpu.memory_space<vmem>> -> memref<1x64x128xf32, #tpu.memory_space<vmem>>
    %dma_start3A_156 = tpu.memref_squeeze %dma_start3A_155 : memref<1x64x128xf32, #tpu.memory_space<vmem>> -> memref<64x128xf32, #tpu.memory_space<vmem>>
    %dma_start3A_157 = arith.constant 0 : i32
    %dma_start3A_158 = tpu.memref_slice %arg4[%mul3A_151, %dma_start3A_157] : memref<409600x128xf32, #tpu.memory_space<hbm>> -> memref<64x128xf32, #tpu.memory_space<hbm>>
    %dma_start3A_159 = arith.constant 0 : i32
    %dma_start3A_160 = tpu.memref_slice %arg4[%mul3A_151, %dma_start3A_159] : memref<409600x128xf32, #tpu.memory_space<hbm>> -> memref<64x128xf32, #tpu.memory_space<hbm>>
    %dma_start3A_161 = arith.constant 0 : i32
    %dma_start3A_162 = arith.constant 0 : i32
    %dma_start3A_163 = tpu.memref_slice %arg7[%dma_start3A_152, %dma_start3A_161, %dma_start3A_162] : memref<2x64x128xf32, #tpu.memory_space<vmem>> -> memref<1x64x128xf32, #tpu.memory_space<vmem>>
    %dma_start3A_164 = tpu.memref_squeeze %dma_start3A_163 : memref<1x64x128xf32, #tpu.memory_space<vmem>> -> memref<64x128xf32, #tpu.memory_space<vmem>>
    tpu.enqueue_dma source(%dma_start3A_164 : memref<64x128xf32, #tpu.memory_space<vmem>>) target(%dma_start3A_160 : memref<64x128xf32, #tpu.memory_space<hbm>>) target_semaphore(%arg10 : memref<!tpu.dma_semaphore, #tpu.memory_space<semaphore_mem>>)
    %dma_wait3A_165 = arith.constant 199 : i32
    %dma_wait3A_166 = arith.constant 1 : i32
    %dma_wait3A_167 = arith.constant 0 : i32
    %dma_wait3A_168 = arith.constant 0 : i32
    %dma_wait3A_169 = tpu.memref_slice %arg6[%dma_wait3A_166, %dma_wait3A_167, %dma_wait3A_168] : memref<2x128x128xf32, #tpu.memory_space<vmem>> -> memref<1x128x128xf32, #tpu.memory_space<vmem>>
    %dma_wait3A_170 = tpu.memref_squeeze %dma_wait3A_169 : memref<1x128x128xf32, #tpu.memory_space<vmem>> -> memref<128x128xf32, #tpu.memory_space<vmem>>
    %dma_wait3A_171 = arith.constant 0 : i32
    %dma_wait3A_172 = tpu.memref_slice %arg5[%dma_wait3A_165, %dma_wait3A_171] : memref<200x128xi32, #tpu.memory_space<vmem>> -> memref<1x128xi32, #tpu.memory_space<vmem>>
    %dma_wait3A_173 = tpu.memref_squeeze %dma_wait3A_172 : memref<1x128xi32, #tpu.memory_space<vmem>> -> memref<128xi32, #tpu.memory_space<vmem>>
    %dma_wait3A_174 = arith.constant 0 : i32
    %dma_wait3A_175 = arith.constant 0 : i32
    %dma_wait3A_176 = tpu.memref_slice %arg3[%dma_wait3A_174, %dma_wait3A_175] : memref<1000000x128xf32, #tpu.memory_space<hbm>> -> memref<1000000x128xf32, #tpu.memory_space<hbm>>
    tpu.wait_indirect_dma semaphore(%arg9 : memref<!tpu.dma_semaphore, #tpu.memory_space<semaphore_mem>>) src(%dma_wait3A_176 : memref<1000000x128xf32, #tpu.memory_space<hbm>>) dst(%dma_wait3A_170 : memref<128x128xf32, #tpu.memory_space<vmem>>)
    %add3A_177 = arith.constant 197 : i32
    %add3A_178 = arith.addi %mul3A_2, %add3A_177 : i32
    %mul3A_179 = arith.constant 64 : i32
    %mul3A_180 = arith.muli %add3A_178, %mul3A_179 : i32
    %dma_wait3A_181 = arith.constant 1 : i32
    %dma_wait3A_182 = arith.constant 0 : i32
    %dma_wait3A_183 = arith.constant 0 : i32
    %dma_wait3A_184 = tpu.memref_slice %arg7[%dma_wait3A_181, %dma_wait3A_182, %dma_wait3A_183] : memref<2x64x128xf32, #tpu.memory_space<vmem>> -> memref<1x64x128xf32, #tpu.memory_space<vmem>>
    %dma_wait3A_185 = tpu.memref_squeeze %dma_wait3A_184 : memref<1x64x128xf32, #tpu.memory_space<vmem>> -> memref<64x128xf32, #tpu.memory_space<vmem>>
    %dma_wait3A_186 = arith.constant 0 : i32
    %dma_wait3A_187 = tpu.memref_slice %arg4[%mul3A_180, %dma_wait3A_186] : memref<409600x128xf32, #tpu.memory_space<hbm>> -> memref<64x128xf32, #tpu.memory_space<hbm>>
    %dma_wait3A_188 = arith.constant 0 : i32
    %dma_wait3A_189 = tpu.memref_slice %arg4[%mul3A_180, %dma_wait3A_188] : memref<409600x128xf32, #tpu.memory_space<hbm>> -> memref<64x128xf32, #tpu.memory_space<hbm>>
    %dma_wait3A_190 = arith.constant 0 : i32
    %dma_wait3A_191 = arith.constant 0 : i32
    %dma_wait3A_192 = tpu.memref_slice %arg7[%dma_wait3A_181, %dma_wait3A_190, %dma_wait3A_191] : memref<2x64x128xf32, #tpu.memory_space<vmem>> -> memref<1x64x128xf32, #tpu.memory_space<vmem>>
    %dma_wait3A_193 = tpu.memref_squeeze %dma_wait3A_192 : memref<1x64x128xf32, #tpu.memory_space<vmem>> -> memref<64x128xf32, #tpu.memory_space<vmem>>
    tpu.wait_dma2 semaphore(%arg11 : memref<!tpu.dma_semaphore, #tpu.memory_space<semaphore_mem>>) src(%dma_wait3A_193 : memref<64x128xf32, #tpu.memory_space<vmem>>) dst(%dma_wait3A_189 : memref<64x128xf32, #tpu.memory_space<hbm>>)
    %parallel_loop3A_194 = arith.constant 0 : i32
    %parallel_loop3A_195 = arith.constant 128 : i32
    %parallel_loop3A_196 = arith.constant 1 : i32
    scf.for %parallel_loop3A_248 = %parallel_loop3A_194 to %parallel_loop3A_195 step %parallel_loop3A_196  : i32 {
      %parallel_loop3A_249 = arith.constant 1 : i32
      %parallel_loop3A_250 = arith.index_cast %parallel_loop3A_249 : i32 to index
      %parallel_loop3A_251 = arith.index_cast %parallel_loop3A_248 : i32 to index
      %parallel_loop3A_252 = arith.constant 0 : index
      %parallel_loop3A_253 = tpu.vector_load %arg6[%parallel_loop3A_250, %parallel_loop3A_251, %parallel_loop3A_252] {strides = array<i32>} : memref<2x128x128xf32, #tpu.memory_space<vmem>>, vector<1x1x16xf32>,
      %parallel_loop3A_254 = vector.shape_cast %parallel_loop3A_253 : vector<1x1x16xf32> to vector<16xf32>
      %parallel_loop3A_255 = arith.constant 8.000000e+00 : f32
      %parallel_loop3A_256 = vector.broadcast %parallel_loop3A_255 : f32 to vector<16xf32>
      %parallel_loop3A_257 = arith.mulf %parallel_loop3A_254, %parallel_loop3A_256 : vector<16xf32>
      %parallel_loop3A_258 = arith.constant 2 : i32
      %parallel_loop3A_259 = arith.divsi %parallel_loop3A_248, %parallel_loop3A_258 : i32
      %parallel_loop3A_260 = arith.constant 0 : i32
      %parallel_loop3A_261 = arith.cmpi sgt, %parallel_loop3A_248, %parallel_loop3A_260 : i32
      %parallel_loop3A_262 = arith.extui %parallel_loop3A_261 : i1 to i32
      %parallel_loop3A_263 = arith.constant 0 : i32
      %parallel_loop3A_264 = arith.cmpi slt, %parallel_loop3A_248, %parallel_loop3A_263 : i32
      %parallel_loop3A_265 = arith.extui %parallel_loop3A_264 : i1 to i32
      %parallel_loop3A_266 = arith.subi %parallel_loop3A_262, %parallel_loop3A_265 : i32
      %parallel_loop3A_267 = arith.constant 0 : i32
      %parallel_loop3A_268 = arith.cmpi sgt, %parallel_loop3A_258, %parallel_loop3A_267 : i32
      %parallel_loop3A_269 = arith.extui %parallel_loop3A_268 : i1 to i32
      %parallel_loop3A_270 = arith.constant 0 : i32
      %parallel_loop3A_271 = arith.cmpi slt, %parallel_loop3A_258, %parallel_loop3A_270 : i32
      %parallel_loop3A_272 = arith.extui %parallel_loop3A_271 : i1 to i32
      %parallel_loop3A_273 = arith.subi %parallel_loop3A_269, %parallel_loop3A_272 : i32
      %parallel_loop3A_274 = arith.cmpi ne, %parallel_loop3A_266, %parallel_loop3A_273 : i32
      %parallel_loop3A_275 = arith.remsi %parallel_loop3A_248, %parallel_loop3A_258 : i32
      %parallel_loop3A_276 = arith.constant 0 : i32
      %parallel_loop3A_277 = arith.cmpi ne, %parallel_loop3A_275, %parallel_loop3A_276 : i32
      %parallel_loop3A_278 = arith.andi %parallel_loop3A_274, %parallel_loop3A_277 : i1
      %parallel_loop3A_279 = arith.constant 1 : i32
      %parallel_loop3A_280 = arith.subi %parallel_loop3A_259, %parallel_loop3A_279 : i32
      %parallel_loop3A_281 = arith.select %parallel_loop3A_278, %parallel_loop3A_280, %parallel_loop3A_259 : i32
      %parallel_loop3A_282 = arith.constant 2 : i32
      %parallel_loop3A_283 = arith.constant 0 : i32
      %parallel_loop3A_284 = arith.cmpi eq, %parallel_loop3A_282, %parallel_loop3A_283 : i32
      %parallel_loop3A_285 = arith.constant 1 : i32
      %parallel_loop3A_286 = arith.select %parallel_loop3A_284, %parallel_loop3A_285, %parallel_loop3A_282 : i32
      %parallel_loop3A_287 = arith.remsi %parallel_loop3A_248, %parallel_loop3A_286 : i32
      %parallel_loop3A_288 = arith.constant 0 : i32
      %parallel_loop3A_289 = arith.cmpi ne, %parallel_loop3A_287, %parallel_loop3A_288 : i32
      %parallel_loop3A_290 = arith.constant 0 : i32
      %parallel_loop3A_291 = arith.cmpi slt, %parallel_loop3A_287, %parallel_loop3A_290 : i32
      %parallel_loop3A_292 = arith.constant 0 : i32
      %parallel_loop3A_293 = arith.cmpi slt, %parallel_loop3A_286, %parallel_loop3A_292 : i32
      %parallel_loop3A_294 = arith.xori %parallel_loop3A_291, %parallel_loop3A_293 : i1
      %parallel_loop3A_295 = arith.andi %parallel_loop3A_294, %parallel_loop3A_289 : i1
      %parallel_loop3A_296 = arith.addi %parallel_loop3A_287, %parallel_loop3A_286 : i32
      %parallel_loop3A_297 = arith.select %parallel_loop3A_295, %parallel_loop3A_296, %parallel_loop3A_287 : i32
      %parallel_loop3A_298 = arith.constant 64 : i32
      %parallel_loop3A_299 = arith.muli %parallel_loop3A_297, %parallel_loop3A_298 : i32
      %parallel_loop3A_300 = arith.constant 0 : i32
      %parallel_loop3A_301 = arith.addi %parallel_loop3A_299, %parallel_loop3A_300 : i32
      %parallel_loop3A_302 = arith.constant 1 : i32
      %parallel_loop3A_303 = arith.index_cast %parallel_loop3A_302 : i32 to index
      %parallel_loop3A_304 = arith.index_cast %parallel_loop3A_281 : i32 to index
      %parallel_loop3A_305 = arith.index_cast %parallel_loop3A_301 : i32 to index
      %parallel_loop3A_306 = tpu.vector_load %arg7[%parallel_loop3A_303, %parallel_loop3A_304, %parallel_loop3A_305] {strides = array<i32>} : memref<2x64x128xf32, #tpu.memory_space<vmem>>, vector<1x1x16xf32>,
      %parallel_loop3A_307 = vector.shape_cast %parallel_loop3A_306 : vector<1x1x16xf32> to vector<16xf32>
      %parallel_loop3A_308 = vector.shape_cast %parallel_loop3A_257 : vector<16xf32> to vector<1x1x16xf32>
      tpu.vector_store %arg7[%parallel_loop3A_303, %parallel_loop3A_304, %parallel_loop3A_305], %parallel_loop3A_308 {strides = array<i32>} : memref<2x64x128xf32, #tpu.memory_space<vmem>>, vector<1x1x16xf32>,
      %parallel_loop3A_309 = arith.constant 1 : i32
      %parallel_loop3A_310 = arith.index_cast %parallel_loop3A_309 : i32 to index
      %parallel_loop3A_311 = arith.index_cast %parallel_loop3A_248 : i32 to index
      %parallel_loop3A_312 = arith.constant 16 : index
      %parallel_loop3A_313 = tpu.vector_load %arg6[%parallel_loop3A_310, %parallel_loop3A_311, %parallel_loop3A_312] {strides = array<i32>} : memref<2x128x128xf32, #tpu.memory_space<vmem>>, vector<1x1x16xf32>,
      %parallel_loop3A_314 = vector.shape_cast %parallel_loop3A_313 : vector<1x1x16xf32> to vector<16xf32>
      %parallel_loop3A_315 = arith.constant 8.000000e+00 : f32
      %parallel_loop3A_316 = vector.broadcast %parallel_loop3A_315 : f32 to vector<16xf32>
      %parallel_loop3A_317 = arith.mulf %parallel_loop3A_314, %parallel_loop3A_316 : vector<16xf32>
      %parallel_loop3A_318 = arith.constant 2 : i32
      %parallel_loop3A_319 = arith.divsi %parallel_loop3A_248, %parallel_loop3A_318 : i32
      %parallel_loop3A_320 = arith.constant 0 : i32
      %parallel_loop3A_321 = arith.cmpi sgt, %parallel_loop3A_248, %parallel_loop3A_320 : i32
      %parallel_loop3A_322 = arith.extui %parallel_loop3A_321 : i1 to i32
      %parallel_loop3A_323 = arith.constant 0 : i32
      %parallel_loop3A_324 = arith.cmpi slt, %parallel_loop3A_248, %parallel_loop3A_323 : i32
      %parallel_loop3A_325 = arith.extui %parallel_loop3A_324 : i1 to i32
      %parallel_loop3A_326 = arith.subi %parallel_loop3A_322, %parallel_loop3A_325 : i32
      %parallel_loop3A_327 = arith.constant 0 : i32
      %parallel_loop3A_328 = arith.cmpi sgt, %parallel_loop3A_318, %parallel_loop3A_327 : i32
      %parallel_loop3A_329 = arith.extui %parallel_loop3A_328 : i1 to i32
      %parallel_loop3A_330 = arith.constant 0 : i32
      %parallel_loop3A_331 = arith.cmpi slt, %parallel_loop3A_318, %parallel_loop3A_330 : i32
      %parallel_loop3A_332 = arith.extui %parallel_loop3A_331 : i1 to i32
      %parallel_loop3A_333 = arith.subi %parallel_loop3A_329, %parallel_loop3A_332 : i32
      %parallel_loop3A_334 = arith.cmpi ne, %parallel_loop3A_326, %parallel_loop3A_333 : i32
      %parallel_loop3A_335 = arith.remsi %parallel_loop3A_248, %parallel_loop3A_318 : i32
      %parallel_loop3A_336 = arith.constant 0 : i32
      %parallel_loop3A_337 = arith.cmpi ne, %parallel_loop3A_335, %parallel_loop3A_336 : i32
      %parallel_loop3A_338 = arith.andi %parallel_loop3A_334, %parallel_loop3A_337 : i1
      %parallel_loop3A_339 = arith.constant 1 : i32
      %parallel_loop3A_340 = arith.subi %parallel_loop3A_319, %parallel_loop3A_339 : i32
      %parallel_loop3A_341 = arith.select %parallel_loop3A_338, %parallel_loop3A_340, %parallel_loop3A_319 : i32
      %parallel_loop3A_342 = arith.constant 2 : i32
      %parallel_loop3A_343 = arith.constant 0 : i32
      %parallel_loop3A_344 = arith.cmpi eq, %parallel_loop3A_342, %parallel_loop3A_343 : i32
      %parallel_loop3A_345 = arith.constant 1 : i32
      %parallel_loop3A_346 = arith.select %parallel_loop3A_344, %parallel_loop3A_345, %parallel_loop3A_342 : i32
      %parallel_loop3A_347 = arith.remsi %parallel_loop3A_248, %parallel_loop3A_346 : i32
      %parallel_loop3A_348 = arith.constant 0 : i32
      %parallel_loop3A_349 = arith.cmpi ne, %parallel_loop3A_347, %parallel_loop3A_348 : i32
      %parallel_loop3A_350 = arith.constant 0 : i32
      %parallel_loop3A_351 = arith.cmpi slt, %parallel_loop3A_347, %parallel_loop3A_350 : i32
      %parallel_loop3A_352 = arith.constant 0 : i32
      %parallel_loop3A_353 = arith.cmpi slt, %parallel_loop3A_346, %parallel_loop3A_352 : i32
      %parallel_loop3A_354 = arith.xori %parallel_loop3A_351, %parallel_loop3A_353 : i1
      %parallel_loop3A_355 = arith.andi %parallel_loop3A_354, %parallel_loop3A_349 : i1
      %parallel_loop3A_356 = arith.addi %parallel_loop3A_347, %parallel_loop3A_346 : i32
      %parallel_loop3A_357 = arith.select %parallel_loop3A_355, %parallel_loop3A_356, %parallel_loop3A_347 : i32
      %parallel_loop3A_358 = arith.constant 64 : i32
      %parallel_loop3A_359 = arith.muli %parallel_loop3A_357, %parallel_loop3A_358 : i32
      %parallel_loop3A_360 = arith.constant 16 : i32
      %parallel_loop3A_361 = arith.addi %parallel_loop3A_359, %parallel_loop3A_360 : i32
      %parallel_loop3A_362 = arith.constant 1 : i32
      %parallel_loop3A_363 = arith.index_cast %parallel_loop3A_362 : i32 to index
      %parallel_loop3A_364 = arith.index_cast %parallel_loop3A_341 : i32 to index
      %parallel_loop3A_365 = arith.index_cast %parallel_loop3A_361 : i32 to index
      %parallel_loop3A_366 = tpu.vector_load %arg7[%parallel_loop3A_363, %parallel_loop3A_364, %parallel_loop3A_365] {strides = array<i32>} : memref<2x64x128xf32, #tpu.memory_space<vmem>>, vector<1x1x16xf32>,
      %parallel_loop3A_367 = vector.shape_cast %parallel_loop3A_366 : vector<1x1x16xf32> to vector<16xf32>
      %parallel_loop3A_368 = vector.shape_cast %parallel_loop3A_317 : vector<16xf32> to vector<1x1x16xf32>
      tpu.vector_store %arg7[%parallel_loop3A_363, %parallel_loop3A_364, %parallel_loop3A_365], %parallel_loop3A_368 {strides = array<i32>} : memref<2x64x128xf32, #tpu.memory_space<vmem>>, vector<1x1x16xf32>,
      %parallel_loop3A_369 = arith.constant 1 : i32
      %parallel_loop3A_370 = arith.index_cast %parallel_loop3A_369 : i32 to index
      %parallel_loop3A_371 = arith.index_cast %parallel_loop3A_248 : i32 to index
      %parallel_loop3A_372 = arith.constant 32 : index
      %parallel_loop3A_373 = tpu.vector_load %arg6[%parallel_loop3A_370, %parallel_loop3A_371, %parallel_loop3A_372] {strides = array<i32>} : memref<2x128x128xf32, #tpu.memory_space<vmem>>, vector<1x1x16xf32>,
      %parallel_loop3A_374 = vector.shape_cast %parallel_loop3A_373 : vector<1x1x16xf32> to vector<16xf32>
      %parallel_loop3A_375 = arith.constant 8.000000e+00 : f32
      %parallel_loop3A_376 = vector.broadcast %parallel_loop3A_375 : f32 to vector<16xf32>
      %parallel_loop3A_377 = arith.mulf %parallel_loop3A_374, %parallel_loop3A_376 : vector<16xf32>
      %parallel_loop3A_378 = arith.constant 2 : i32
      %parallel_loop3A_379 = arith.divsi %parallel_loop3A_248, %parallel_loop3A_378 : i32
      %parallel_loop3A_380 = arith.constant 0 : i32
      %parallel_loop3A_381 = arith.cmpi sgt, %parallel_loop3A_248, %parallel_loop3A_380 : i32
      %parallel_loop3A_382 = arith.extui %parallel_loop3A_381 : i1 to i32
      %parallel_loop3A_383 = arith.constant 0 : i32
      %parallel_loop3A_384 = arith.cmpi slt, %parallel_loop3A_248, %parallel_loop3A_383 : i32
      %parallel_loop3A_385 = arith.extui %parallel_loop3A_384 : i1 to i32
      %parallel_loop3A_386 = arith.subi %parallel_loop3A_382, %parallel_loop3A_385 : i32
      %parallel_loop3A_387 = arith.constant 0 : i32
      %parallel_loop3A_388 = arith.cmpi sgt, %parallel_loop3A_378, %parallel_loop3A_387 : i32
      %parallel_loop3A_389 = arith.extui %parallel_loop3A_388 : i1 to i32
      %parallel_loop3A_390 = arith.constant 0 : i32
      %parallel_loop3A_391 = arith.cmpi slt, %parallel_loop3A_378, %parallel_loop3A_390 : i32
      %parallel_loop3A_392 = arith.extui %parallel_loop3A_391 : i1 to i32
      %parallel_loop3A_393 = arith.subi %parallel_loop3A_389, %parallel_loop3A_392 : i32
      %parallel_loop3A_394 = arith.cmpi ne, %parallel_loop3A_386, %parallel_loop3A_393 : i32
      %parallel_loop3A_395 = arith.remsi %parallel_loop3A_248, %parallel_loop3A_378 : i32
      %parallel_loop3A_396 = arith.constant 0 : i32
      %parallel_loop3A_397 = arith.cmpi ne, %parallel_loop3A_395, %parallel_loop3A_396 : i32
      %parallel_loop3A_398 = arith.andi %parallel_loop3A_394, %parallel_loop3A_397 : i1
      %parallel_loop3A_399 = arith.constant 1 : i32
      %parallel_loop3A_400 = arith.subi %parallel_loop3A_379, %parallel_loop3A_399 : i32
      %parallel_loop3A_401 = arith.select %parallel_loop3A_398, %parallel_loop3A_400, %parallel_loop3A_379 : i32
      %parallel_loop3A_402 = arith.constant 2 : i32
      %parallel_loop3A_403 = arith.constant 0 : i32
      %parallel_loop3A_404 = arith.cmpi eq, %parallel_loop3A_402, %parallel_loop3A_403 : i32
      %parallel_loop3A_405 = arith.constant 1 : i32
      %parallel_loop3A_406 = arith.select %parallel_loop3A_404, %parallel_loop3A_405, %parallel_loop3A_402 : i32
      %parallel_loop3A_407 = arith.remsi %parallel_loop3A_248, %parallel_loop3A_406 : i32
      %parallel_loop3A_408 = arith.constant 0 : i32
      %parallel_loop3A_409 = arith.cmpi ne, %parallel_loop3A_407, %parallel_loop3A_408 : i32
      %parallel_loop3A_410 = arith.constant 0 : i32
      %parallel_loop3A_411 = arith.cmpi slt, %parallel_loop3A_407, %parallel_loop3A_410 : i32
      %parallel_loop3A_412 = arith.constant 0 : i32
      %parallel_loop3A_413 = arith.cmpi slt, %parallel_loop3A_406, %parallel_loop3A_412 : i32
      %parallel_loop3A_414 = arith.xori %parallel_loop3A_411, %parallel_loop3A_413 : i1
      %parallel_loop3A_415 = arith.andi %parallel_loop3A_414, %parallel_loop3A_409 : i1
      %parallel_loop3A_416 = arith.addi %parallel_loop3A_407, %parallel_loop3A_406 : i32
      %parallel_loop3A_417 = arith.select %parallel_loop3A_415, %parallel_loop3A_416, %parallel_loop3A_407 : i32
      %parallel_loop3A_418 = arith.constant 64 : i32
      %parallel_loop3A_419 = arith.muli %parallel_loop3A_417, %parallel_loop3A_418 : i32
      %parallel_loop3A_420 = arith.constant 32 : i32
      %parallel_loop3A_421 = arith.addi %parallel_loop3A_419, %parallel_loop3A_420 : i32
      %parallel_loop3A_422 = arith.constant 1 : i32
      %parallel_loop3A_423 = arith.index_cast %parallel_loop3A_422 : i32 to index
      %parallel_loop3A_424 = arith.index_cast %parallel_loop3A_401 : i32 to index
      %parallel_loop3A_425 = arith.index_cast %parallel_loop3A_421 : i32 to index
      %parallel_loop3A_426 = tpu.vector_load %arg7[%parallel_loop3A_423, %parallel_loop3A_424, %parallel_loop3A_425] {strides = array<i32>} : memref<2x64x128xf32, #tpu.memory_space<vmem>>, vector<1x1x16xf32>,
      %parallel_loop3A_427 = vector.shape_cast %parallel_loop3A_426 : vector<1x1x16xf32> to vector<16xf32>
      %parallel_loop3A_428 = vector.shape_cast %parallel_loop3A_377 : vector<16xf32> to vector<1x1x16xf32>
      tpu.vector_store %arg7[%parallel_loop3A_423, %parallel_loop3A_424, %parallel_loop3A_425], %parallel_loop3A_428 {strides = array<i32>} : memref<2x64x128xf32, #tpu.memory_space<vmem>>, vector<1x1x16xf32>,
      %parallel_loop3A_429 = arith.constant 1 : i32
      %parallel_loop3A_430 = arith.index_cast %parallel_loop3A_429 : i32 to index
      %parallel_loop3A_431 = arith.index_cast %parallel_loop3A_248 : i32 to index
      %parallel_loop3A_432 = arith.constant 48 : index
      %parallel_loop3A_433 = tpu.vector_load %arg6[%parallel_loop3A_430, %parallel_loop3A_431, %parallel_loop3A_432] {strides = array<i32>} : memref<2x128x128xf32, #tpu.memory_space<vmem>>, vector<1x1x16xf32>,
      %parallel_loop3A_434 = vector.shape_cast %parallel_loop3A_433 : vector<1x1x16xf32> to vector<16xf32>
      %parallel_loop3A_435 = arith.constant 8.000000e+00 : f32
      %parallel_loop3A_436 = vector.broadcast %parallel_loop3A_435 : f32 to vector<16xf32>
      %parallel_loop3A_437 = arith.mulf %parallel_loop3A_434, %parallel_loop3A_436 : vector<16xf32>
      %parallel_loop3A_438 = arith.constant 2 : i32
      %parallel_loop3A_439 = arith.divsi %parallel_loop3A_248, %parallel_loop3A_438 : i32
      %parallel_loop3A_440 = arith.constant 0 : i32
      %parallel_loop3A_441 = arith.cmpi sgt, %parallel_loop3A_248, %parallel_loop3A_440 : i32
      %parallel_loop3A_442 = arith.extui %parallel_loop3A_441 : i1 to i32
      %parallel_loop3A_443 = arith.constant 0 : i32
      %parallel_loop3A_444 = arith.cmpi slt, %parallel_loop3A_248, %parallel_loop3A_443 : i32
      %parallel_loop3A_445 = arith.extui %parallel_loop3A_444 : i1 to i32
      %parallel_loop3A_446 = arith.subi %parallel_loop3A_442, %parallel_loop3A_445 : i32
      %parallel_loop3A_447 = arith.constant 0 : i32
      %parallel_loop3A_448 = arith.cmpi sgt, %parallel_loop3A_438, %parallel_loop3A_447 : i32
      %parallel_loop3A_449 = arith.extui %parallel_loop3A_448 : i1 to i32
      %parallel_loop3A_450 = arith.constant 0 : i32
      %parallel_loop3A_451 = arith.cmpi slt, %parallel_loop3A_438, %parallel_loop3A_450 : i32
      %parallel_loop3A_452 = arith.extui %parallel_loop3A_451 : i1 to i32
      %parallel_loop3A_453 = arith.subi %parallel_loop3A_449, %parallel_loop3A_452 : i32
      %parallel_loop3A_454 = arith.cmpi ne, %parallel_loop3A_446, %parallel_loop3A_453 : i32
      %parallel_loop3A_455 = arith.remsi %parallel_loop3A_248, %parallel_loop3A_438 : i32
      %parallel_loop3A_456 = arith.constant 0 : i32
      %parallel_loop3A_457 = arith.cmpi ne, %parallel_loop3A_455, %parallel_loop3A_456 : i32
      %parallel_loop3A_458 = arith.andi %parallel_loop3A_454, %parallel_loop3A_457 : i1
      %parallel_loop3A_459 = arith.constant 1 : i32
      %parallel_loop3A_460 = arith.subi %parallel_loop3A_439, %parallel_loop3A_459 : i32
      %parallel_loop3A_461 = arith.select %parallel_loop3A_458, %parallel_loop3A_460, %parallel_loop3A_439 : i32
      %parallel_loop3A_462 = arith.constant 2 : i32
      %parallel_loop3A_463 = arith.constant 0 : i32
      %parallel_loop3A_464 = arith.cmpi eq, %parallel_loop3A_462, %parallel_loop3A_463 : i32
      %parallel_loop3A_465 = arith.constant 1 : i32
      %parallel_loop3A_466 = arith.select %parallel_loop3A_464, %parallel_loop3A_465, %parallel_loop3A_462 : i32
      %parallel_loop3A_467 = arith.remsi %parallel_loop3A_248, %parallel_loop3A_466 : i32
      %parallel_loop3A_468 = arith.constant 0 : i32
      %parallel_loop3A_469 = arith.cmpi ne, %parallel_loop3A_467, %parallel_loop3A_468 : i32
      %parallel_loop3A_470 = arith.constant 0 : i32
      %parallel_loop3A_471 = arith.cmpi slt, %parallel_loop3A_467, %parallel_loop3A_470 : i32
      %parallel_loop3A_472 = arith.constant 0 : i32
      %parallel_loop3A_473 = arith.cmpi slt, %parallel_loop3A_466, %parallel_loop3A_472 : i32
      %parallel_loop3A_474 = arith.xori %parallel_loop3A_471, %parallel_loop3A_473 : i1
      %parallel_loop3A_475 = arith.andi %parallel_loop3A_474, %parallel_loop3A_469 : i1
      %parallel_loop3A_476 = arith.addi %parallel_loop3A_467, %parallel_loop3A_466 : i32
      %parallel_loop3A_477 = arith.select %parallel_loop3A_475, %parallel_loop3A_476, %parallel_loop3A_467 : i32
      %parallel_loop3A_478 = arith.constant 64 : i32
      %parallel_loop3A_479 = arith.muli %parallel_loop3A_477, %parallel_loop3A_478 : i32
      %parallel_loop3A_480 = arith.constant 48 : i32
      %parallel_loop3A_481 = arith.addi %parallel_loop3A_479, %parallel_loop3A_480 : i32
      %parallel_loop3A_482 = arith.constant 1 : i32
      %parallel_loop3A_483 = arith.index_cast %parallel_loop3A_482 : i32 to index
      %parallel_loop3A_484 = arith.index_cast %parallel_loop3A_461 : i32 to index
      %parallel_loop3A_485 = arith.index_cast %parallel_loop3A_481 : i32 to index
      %parallel_loop3A_486 = tpu.vector_load %arg7[%parallel_loop3A_483, %parallel_loop3A_484, %parallel_loop3A_485] {strides = array<i32>} : memref<2x64x128xf32, #tpu.memory_space<vmem>>, vector<1x1x16xf32>,
      %parallel_loop3A_487 = vector.shape_cast %parallel_loop3A_486 : vector<1x1x16xf32> to vector<16xf32>
      %parallel_loop3A_488 = vector.shape_cast %parallel_loop3A_437 : vector<16xf32> to vector<1x1x16xf32>
      tpu.vector_store %arg7[%parallel_loop3A_483, %parallel_loop3A_484, %parallel_loop3A_485], %parallel_loop3A_488 {strides = array<i32>} : memref<2x64x128xf32, #tpu.memory_space<vmem>>, vector<1x1x16xf32>,
    } {sc.loop_unroll_factor = 4 : i64, sc.parallel_access}
    %add3A_197 = arith.constant 199 : i32
    %add3A_198 = arith.addi %mul3A_2, %add3A_197 : i32
    %mul3A_199 = arith.constant 64 : i32
    %mul3A_200 = arith.muli %add3A_198, %mul3A_199 : i32
    %dma_start3A_201 = arith.constant 1 : i32
    %dma_start3A_202 = arith.constant 0 : i32
    %dma_start3A_203 = arith.constant 0 : i32
    %dma_start3A_204 = tpu.memref_slice %arg7[%dma_start3A_201, %dma_start3A_202, %dma_start3A_203] : memref<2x64x128xf32, #tpu.memory_space<vmem>> -> memref<1x64x128xf32, #tpu.memory_space<vmem>>
    %dma_start3A_205 = tpu.memref_squeeze %dma_start3A_204 : memref<1x64x128xf32, #tpu.memory_space<vmem>> -> memref<64x128xf32, #tpu.memory_space<vmem>>
    %dma_start3A_206 = arith.constant 0 : i32
    %dma_start3A_207 = tpu.memref_slice %arg4[%mul3A_200, %dma_start3A_206] : memref<409600x128xf32, #tpu.memory_space<hbm>> -> memref<64x128xf32, #tpu.memory_space<hbm>>
    %dma_start3A_208 = arith.constant 0 : i32
    %dma_start3A_209 = tpu.memref_slice %arg4[%mul3A_200, %dma_start3A_208] : memref<409600x128xf32, #tpu.memory_space<hbm>> -> memref<64x128xf32, #tpu.memory_space<hbm>>
    %dma_start3A_210 = arith.constant 0 : i32
    %dma_start3A_211 = arith.constant 0 : i32
    %dma_start3A_212 = tpu.memref_slice %arg7[%dma_start3A_201, %dma_start3A_210, %dma_start3A_211] : memref<2x64x128xf32, #tpu.memory_space<vmem>> -> memref<1x64x128xf32, #tpu.memory_space<vmem>>
    %dma_start3A_213 = tpu.memref_squeeze %dma_start3A_212 : memref<1x64x128xf32, #tpu.memory_space<vmem>> -> memref<64x128xf32, #tpu.memory_space<vmem>>
    tpu.enqueue_dma source(%dma_start3A_213 : memref<64x128xf32, #tpu.memory_space<vmem>>) target(%dma_start3A_209 : memref<64x128xf32, #tpu.memory_space<hbm>>) target_semaphore(%arg11 : memref<!tpu.dma_semaphore, #tpu.memory_space<semaphore_mem>>)
    %add3A_214 = arith.constant 198 : i32
    %add3A_215 = arith.addi %mul3A_2, %add3A_214 : i32
    %mul3A_216 = arith.constant 64 : i32
    %mul3A_217 = arith.muli %add3A_215, %mul3A_216 : i32
    %dma_wait3A_218 = arith.constant 0 : i32
    %dma_wait3A_219 = arith.constant 0 : i32
    %dma_wait3A_220 = arith.constant 0 : i32
    %dma_wait3A_221 = tpu.memref_slice %arg7[%dma_wait3A_218, %dma_wait3A_219, %dma_wait3A_220] : memref<2x64x128xf32, #tpu.memory_space<vmem>> -> memref<1x64x128xf32, #tpu.memory_space<vmem>>
    %dma_wait3A_222 = tpu.memref_squeeze %dma_wait3A_221 : memref<1x64x128xf32, #tpu.memory_space<vmem>> -> memref<64x128xf32, #tpu.memory_space<vmem>>
    %dma_wait3A_223 = arith.constant 0 : i32
    %dma_wait3A_224 = tpu.memref_slice %arg4[%mul3A_217, %dma_wait3A_223] : memref<409600x128xf32, #tpu.memory_space<hbm>> -> memref<64x128xf32, #tpu.memory_space<hbm>>
    %dma_wait3A_225 = arith.constant 0 : i32
    %dma_wait3A_226 = tpu.memref_slice %arg4[%mul3A_217, %dma_wait3A_225] : memref<409600x128xf32, #tpu.memory_space<hbm>> -> memref<64x128xf32, #tpu.memory_space<hbm>>
    %dma_wait3A_227 = arith.constant 0 : i32
    %dma_wait3A_228 = arith.constant 0 : i32
    %dma_wait3A_229 = tpu.memref_slice %arg7[%dma_wait3A_218, %dma_wait3A_227, %dma_wait3A_228] : memref<2x64x128xf32, #tpu.memory_space<vmem>> -> memref<1x64x128xf32, #tpu.memory_space<vmem>>
    %dma_wait3A_230 = tpu.memref_squeeze %dma_wait3A_229 : memref<1x64x128xf32, #tpu.memory_space<vmem>> -> memref<64x128xf32, #tpu.memory_space<vmem>>
    tpu.wait_dma2 semaphore(%arg10 : memref<!tpu.dma_semaphore, #tpu.memory_space<semaphore_mem>>) src(%dma_wait3A_230 : memref<64x128xf32, #tpu.memory_space<vmem>>) dst(%dma_wait3A_226 : memref<64x128xf32, #tpu.memory_space<hbm>>)
    %add3A_231 = arith.constant 199 : i32
    %add3A_232 = arith.addi %mul3A_2, %add3A_231 : i32
    %mul3A_233 = arith.constant 64 : i32
    %mul3A_234 = arith.muli %add3A_232, %mul3A_233 : i32
    %dma_wait3A_235 = arith.constant 1 : i32
    %dma_wait3A_236 = arith.constant 0 : i32
    %dma_wait3A_237 = arith.constant 0 : i32
    %dma_wait3A_238 = tpu.memref_slice %arg7[%dma_wait3A_235, %dma_wait3A_236, %dma_wait3A_237] : memref<2x64x128xf32, #tpu.memory_space<vmem>> -> memref<1x64x128xf32, #tpu.memory_space<vmem>>
    %dma_wait3A_239 = tpu.memref_squeeze %dma_wait3A_238 : memref<1x64x128xf32, #tpu.memory_space<vmem>> -> memref<64x128xf32, #tpu.memory_space<vmem>>
    %dma_wait3A_240 = arith.constant 0 : i32
    %dma_wait3A_241 = tpu.memref_slice %arg4[%mul3A_234, %dma_wait3A_240] : memref<409600x128xf32, #tpu.memory_space<hbm>> -> memref<64x128xf32, #tpu.memory_space<hbm>>
    %dma_wait3A_242 = arith.constant 0 : i32
    %dma_wait3A_243 = tpu.memref_slice %arg4[%mul3A_234, %dma_wait3A_242] : memref<409600x128xf32, #tpu.memory_space<hbm>> -> memref<64x128xf32, #tpu.memory_space<hbm>>
    %dma_wait3A_244 = arith.constant 0 : i32
    %dma_wait3A_245 = arith.constant 0 : i32
    %dma_wait3A_246 = tpu.memref_slice %arg7[%dma_wait3A_235, %dma_wait3A_244, %dma_wait3A_245] : memref<2x64x128xf32, #tpu.memory_space<vmem>> -> memref<1x64x128xf32, #tpu.memory_space<vmem>>
    %dma_wait3A_247 = tpu.memref_squeeze %dma_wait3A_246 : memref<1x64x128xf32, #tpu.memory_space<vmem>> -> memref<64x128xf32, #tpu.memory_space<vmem>>
    tpu.wait_dma2 semaphore(%arg11 : memref<!tpu.dma_semaphore, #tpu.memory_space<semaphore_mem>>) src(%dma_wait3A_247 : memref<64x128xf32, #tpu.memory_space<vmem>>) dst(%dma_wait3A_243 : memref<64x128xf32, #tpu.memory_space<hbm>>)
    return
  }
}

</mosaic_0001>

<sc_bundles>
// kernel: kernel.3.cloned.1.call-start
scs
__scs_entry_jumppad:
0x0: {  	(pc) =	sbr.rel $0x88, $3  }
0x1: {  	(tag) =	ssettag $0x0;
	lr =	simm.s32 $0x1  }
0x2: {  	[smem:$0x3F9F] =	sst lr;
	_ =	strace $0xD0000000  }
0x3: {  	_ = 	snop  }
0x4: {  	_ = 	snop  }
0x5: {  	_ = 	snop  }
0x6: {  	_ = 	snop  }
0x7: {  	_ = 	snop  }
__scs_overlays_trampoline_lowered:
0x8: {  	[smem:$0x3FAE] =	sst s0  }
0x9: {  	[smem:$0x3FAF] =	sst s1  }
0xa: {  	[smem:$0x3FB0] =	sst s2  }
0xb: {  	[smem:$0x3FB1] =	sst s3  }
0xc: {  	[smem:$0x3FB2] =	sst s4  }
0xd: {  	[smem:$0x3FB3] =	sst s5  }
0xe: {  	[smem:$0x3FB4] =	sst s6  }
0xf: {  	[smem:$0x3FB5] =	sst s7  }
0x10: {  	[smem:$0x3FB6] =	sst s8  }
0x11: {  	[smem:$0x3FB7] =	sst s9;
	s0 =	simm.s32 @!p0 $0x0  }
0x12: {  	s1 =	sld [smem:$0x3F9D];
	s0 =	simm.s32 @p0 $0x1  }
0x13: {  	[smem:$0x3FB8] =	sst s0;
	s0 =	simm.s32 @!p1 $0x0  }
0x14: {  	s2 =	sld [smem:$0x3F9C];
	s0 =	simm.s32 @p1 $0x1  }
0x15: {  	[smem:$0x3FB9] =	sst s0;
	s0 =	simm.s32 @!p2 $0x0  }
0x16: {  	s3 =	sld [smem:$0x3FDB];
	s0 =	simm.s32 @p2 $0x1  }
0x17: {  	s4 =	simm.s32 $0x1BF5;
	[smem:$0x3FBB] =	sst s0  }
0x18: {  	s0 =	sld [smem:$0x3F9E];
	_ =	swait.ge [sflag:s4], $0x0  }
0x19: {  	s7 =	sld [smem:$0x3F9F]  }
0x1a: {  	s8 =	sadd.s32 $0xFFFFE003, lr  }
0x1b: {  	s9 =	sadd.s32 $0xFFFFFEF7, lr;
	s5 =	simm.s32 $0xFFFFFFFF;
	p2 =	slt.u32 s8, $0xFFFFF086  }
0x1c: {  	p1 =	slt.u32 s9, $0xF7A;
	s5 =	simm.s32 @!p2 $0x0  }
0x1d: {  	s5 =	simm.s32 @p1 $0x1;
	p0 =	seq.s32 s7, s2  }
0x1e: {  	s7 =	smul.u32 @!p0 $0xF7A, s2;
	p2 =	seq.s32 @!p0 s5, $0x0  }
0x1f: {  	s9 =	smul.u32 $0xF7A, s1;
	s8 =	simm.s32 @!p0 $0x1BF5;
	p2 =	por !p2, p0  }
0x20: {  	[sflag:s8] =	ssyncset.s32 @!p0 $0xFFFFF086;
	s6 =	sadd.s32 @!p0 s3, s7;
	s7 =	simm.s32 @!p0 $0x108  }
0x21: {  	s3 =	sadd.s32 s3, s9;
	s6 =	sadd.s32 @!p0 $0x88, s6;
	s7 =	simm.s32 @p2 $0x1082  }
0x22: {  	[simem:s7], [sflag:s8] =	dma.local @!p0 [hbm:s6], $0xF7A  }
0x23: {  	s9 =	sor.u32 $0xD0000000, s2;
	s6 =	simm.s32 $0x108;
	_ =	swait.ge @!p0 [sflag:s8], $0x0  }
0x24: {  	s3 =	sadd.s32 $0x88, s3;
	s6 =	simm.s32 @!p1 $0x1082;
	[sflag:s4] =	ssyncset.s32 $0xFFFFF086  }
0x25: {  	[simem:s6], [sflag:s4] =	dma.local [hbm:s3], $0xF7A  }
0x26: {  	[smem:$0x3F9F] =	sst s1;
	(tag) =	ssettag s2;
	_ =	strace s9  }
0x27: {  	s1 =	sld [smem:$0x3FAF]  }
0x28: {  	s2 =	sld [smem:$0x3FB0]  }
0x29: {  	s4 =	sld [smem:$0x3FB2]  }
0x2a: {  	p0 =	seq.s32 s5, $0x0;
	s5 =	sld [smem:$0x3FB3]  }
0x2b: {  	s6 =	sld [smem:$0x3FB4]  }
0x2c: {  	s7 =	sld [smem:$0x3FB5]  }
0x2d: {  	s3 =	simm.s32 $0x108;
	s8 =	sld [smem:$0x3FB6]  }
0x2e: {  	s3 =	simm.s32 @!p0 $0x1082;
	s9 =	sld [smem:$0x3FB7]  }
0x2f: {  	lr =	sadd.s32 s0, s3;
	s0 =	sld [smem:$0x3FAE]  }
0x30: {  	s3 =	sld [smem:$0x3FB1]  }
0x31: {  	[smem:$0x3FBA] =	sst s10  }
0x32: {  	s10 =	sld [smem:$0x3FB8];
	_ =	sdelay $0x3  }
0x33: {  	p0 =	seq.s32 s10, $0x1;
	s10 =	sld [smem:$0x3FBA];
	_ =	sdelay $0x3  }
0x34: {  	[smem:$0x3FBA] =	sst s10  }
0x35: {  	s10 =	sld [smem:$0x3FB9];
	_ =	sdelay $0x3  }
0x36: {  	p1 =	seq.s32 s10, $0x1;
	s10 =	sld [smem:$0x3FBA];
	_ =	sdelay $0x3  }
0x37: {  	[smem:$0x3FBA] =	sst s10  }
0x38: {  	s10 =	sld [smem:$0x3FBB]  }
0x39: {  	_ = 	snop;
	(pc) =	sbr.ind lr, $3  }
0x3a: {  	_ = 	snop  }
0x3b: {  	_ = 	snop  }
0x3c: {  	p2 =	seq.s32 s10, $0x1;
	s10 =	sld [smem:$0x3FBA]  }
0x3d: {  	_ =	shalt  }
0x3e: {  	_ =	shalt  }
0x3f: {  	_ =	shalt  }
0x40: {  	_ =	shalt  }
0x41: {  	_ =	shalt  }
0x42: {  	_ =	shalt  }
0x43: {  	_ =	shalt  }
0x44: {  	_ =	shalt  }
0x45: {  	_ =	shalt  }
0x46: {  	_ =	shalt  }
0x47: {  	_ =	shalt  }
0x48: {  	_ =	shalt  }
0x49: {  	_ =	shalt  }
0x4a: {  	_ =	shalt  }
0x4b: {  	_ =	shalt  }
0x4c: {  	_ =	shalt  }
0x4d: {  	_ =	shalt  }
0x4e: {  	_ =	shalt  }
0x4f: {  	_ =	shalt  }
0x50: {  	_ =	shalt  }
0x51: {  	_ =	shalt  }
0x52: {  	_ =	shalt  }
0x53: {  	_ =	shalt  }
0x54: {  	_ =	shalt  }
0x55: {  	_ =	shalt  }
0x56: {  	_ =	shalt  }
0x57: {  	_ =	shalt  }
0x58: {  	_ =	shalt  }
0x59: {  	_ =	shalt  }
0x5a: {  	_ =	shalt  }
0x5b: {  	_ =	shalt  }
0x5c: {  	_ =	shalt  }
0x5d: {  	_ =	shalt  }
0x5e: {  	_ =	shalt  }
0x5f: {  	_ =	shalt  }
0x60: {  	_ =	shalt  }
0x61: {  	_ =	shalt  }
0x62: {  	_ =	shalt  }
0x63: {  	_ =	shalt  }
0x64: {  	_ =	shalt  }
0x65: {  	_ =	shalt  }
0x66: {  	_ =	shalt  }
0x67: {  	_ =	shalt  }
0x68: {  	_ =	shalt  }
0x69: {  	_ =	shalt  }
0x6a: {  	_ =	shalt  }
0x6b: {  	_ =	shalt  }
0x6c: {  	_ =	shalt  }
0x6d: {  	_ =	shalt  }
0x6e: {  	_ =	shalt  }
0x6f: {  	_ =	shalt  }
0x70: {  	_ =	shalt  }
0x71: {  	_ =	shalt  }
0x72: {  	_ =	shalt  }
0x73: {  	_ =	shalt  }
0x74: {  	_ =	shalt  }
0x75: {  	_ =	shalt  }
0x76: {  	_ =	shalt  }
0x77: {  	_ =	shalt  }
0x78: {  	_ =	shalt  }
0x79: {  	_ =	shalt  }
0x7a: {  	_ =	shalt  }
0x7b: {  	_ =	shalt  }
0x7c: {  	_ =	shalt  }
0x7d: {  	_ =	shalt  }
0x7e: {  	_ =	shalt  }
0x7f: {  	_ =	shalt  }
0x80: {  	_ =	shalt  }
0x81: {  	_ =	shalt  }
0x82: {  	_ =	shalt  }
0x83: {  	_ =	shalt  }
0x84: {  	_ =	shalt  }
0x85: {  	_ =	shalt  }
0x86: {  	_ =	shalt  }
0x87: {  	_ =	shalt  }
.Lfunc_end0:
.L_simem_size_0:
called_computation.1_lowered:
.L_overlay_start_0:
0x88: {  	s2 =	sld [smem:$0x3FD9]  }
0x89: {  	s3 =	sld [smem:$0x3FFE];
	_ =	sdelay $0x1  }
0x8a: {  	s1 =	srdreg.scid  }
0x8b: {  	s0 =	sand.u32 $0x1, s1  }
0x8c: {  	s17 =	sshll.u32 s0, $0xA;
	s2 =	sadd.s32 s3, s2  }
0x8d: {  	s2 =	sadd.s32 s2, s17  }
0x8e: {  	[smem:$0x3FC6] =	sst s2  }
0x8f: {  	_ = 	snop  }
0x90: {  	s2 =	sld [smem:$0x3FD0];
	(tm) =	ssettm $0x1  }
0x91: {  	s18 =	sld [smem:$0x3FFB];
	_ =	sdelay $0x3  }
0x92: {  	_ =	strace s18  }
0x93: {  	s3 =	sld [smem:$0x3FFC];
	_ =	sdelay $0x3  }
0x94: {  	_ =	strace s3  }
0x95: {  	s3 =	sld [smem:$0x3FFD];
	_ =	sdelay $0x3  }
0x96: {  	_ =	strace s3  }
0x97: {  	_ =	strace $0x8FFFFFFF  }
0x98: {  	s19 =	sld [smem:$0x3FDB];
	_ =	sdelay $0x1  }
0x99: {  	s4 =	simm.s32 $_scs_section_size  }
0x9a: {  	s5 =	simm.s32 $_size__tile_overlayer_lowered;
	s6 =	simm.s32 $_tile_overlayer_lowered  }
0x9b: {  	s22 =	simm.s32 $0x1BFF;
	s21 =	sshll.u32 s6, $0x1;
	s3 =	sadd.s32 s4, s19  }
0x9c: {  	s7 =	simm.s32 $0x0;
	s20 =	sshll.u32 s5, $0x1;
	s5 =	sadd.s32 s21, s3  }
0x9d: {  	[timem:s7], [sflag:s22] =	dma.local [hbm:s5], s20  }
0x9e: {  	_ =	swait.ge [sflag:s22], s20  }
0x9f: {  	s4 =	ssub.s32 $0x0, s20;
	[sflag:s22] =	ssyncset.done $0x0  }
0xa0: {  	[sflag:s22] =	ssyncadd.s32 s4;
	_ =	sdelay $0x1  }
0xa1: {  	s23 =	simm.s32 $0x1B8B  }
0xa2: {  	_ =	swait.ge [sflag:s23], $0x1  }
0xa3: {  	[sflag:s23] =	ssyncset.done $0x0  }
0xa4: {  	s25 =	simm.s32 $0x1B8E;
	s24 =	sld [smem:$0x3FFE];
	[sflag:s23] =	ssyncadd.s32 $0xFFFFFFFF  }
0xa5: {  	s26 =	simm.s32 $execute0_lowered;
	[smem:$0x3FD2] =	sst s25  }
0xa6: {  	s5 =	sshll.u32 s26, $0x1;
	_ =	strace $0x80000046;
	[dreg:$0x1] =	wrdreg $0xFFFFFFFF  }
0xa7: {  	s28 =	simm.s32 $_size_execute0_lowered;
	s3 =	sadd.s32 s3, s5;
	[dreg:$0x0] =	wrdreg $0x0  }
0xa8: {  	s5 =	sshll.u32 s28, $0x1;
	[dreg:$0x2] =	wrdreg s3  }
0xa9: {  	[dreg:$0x3] =	wrdreg s5  }
0xaa: {  	[dreg:$0x4] =	wrdreg $0xC0  }
0xab: {  	_ =	task [dreg:s7], $0x5FFFF  }
0xac: {  	[dreg:$0x1] =	wrdreg $0xFFFFFFFF  }
0xad: {  	[dreg:$0x0] =	wrdreg $0x60  }
0xae: {  	[dreg:$0x2] =	wrdreg s24  }
0xaf: {  	[dreg:$0x3] =	wrdreg s2  }
0xb0: {  	[dreg:$0x4] =	wrdreg $0x9  }
0xb1: {  	_ =	task.clear_ibuf [dreg:s7], $0x5FFFF;
	_ =	strace $0x90000046  }
0xb2: {  	s29 =	simm.s32 $0x9;
	_ =	strace $0x80000048  }
0xb3: {  	_ =	swait.ge [sflag:s29], $0x1  }
0xb4: {  	[sflag:s29] =	ssyncadd.s32 $0xFFFFFFFF  }
0xb5: {  	_ =	strace $0x90000048  }
0xb6: {  	_ =	sfence  }
0xb7: {  	s30 =	sld [smem:$0x0];
	_ =	sdelay $0x2  }
0xb8: {  	s31 =	sshll.u32 s1, $0xD;
	s1 =	sshrl.u32 s1, $0x2  }
0xb9: {  	s3 =	sand.u32 $0x4000, s31;
	s1 =	sadd.s32 s1, s30  }
0xba: {  	s0 =	sor.u32 s3, s0;
	s1 =	sshll.u32 s1, $0x11  }
0xbb: {  	s0 =	sor.u32 s1, s0  }
0xbc: {  	s0 =	sadd.s32 $0x8F2B, s0  }
0xbd: {  	[sflag:s0] =	ssyncadd.remote.s32 $0x1  }
0xbe: {  	_ =	sfence.sel $0xFFFF  }
0xbf: {  	[dreg:$0x0] =	wrdreg $0xFFFFFFFF;
	(pc) =	sbr.abs _section_cstart, $3  }
0xc0: {  	[dreg:$0x1] =	wrdreg $0xFFFFFFFF  }
0xc1: {  	_ =	task.clear_ibuf [dreg:s7], $0x2FFFF;
	_ =	strace $0x9FFFFFFF  }
0xc2: {  	(tm) =	ssettm $0x7FFFFFFF  }
0xc3: {  	_ =	shalt  }
tec
execute0_lowered:
.L_overlay_start_1:
0x0: {  	(tag) =	ssettag $0x1  }
0x1: {  	s0 =	srdreg.scid  }
0x2: {  	s2 =	stileid.u32;
	s1 =	rddreg [dreg:$0x0];
	s13 =	simm.s32 $0x5  }
0x3: {  	s14 =	simm.s32 $0x80;
	s15 =	simm.s32 $0x6400;
	s16 =	simm.s32 $0xA400  }
0x4: {  	s17 =	simm.s32 $0x1;
	s19 =	simm.s32 $0xE400;
	s20 =	simm.s32 $0x2  }
0x5: {  	s22 =	simm.s32 $0x10400;
	s0 =	sand.u32 $0x1, s0;
	s3 =	sshll.u32 s2, $0x1  }
0x6: {  	s23 =	simm.s32 $0x3;
	s24 =	simm.s32 $0x4;
	s5 =	sor.u32 s0, s3  }
0x7: {  	s25 =	simm.s32 $0x0;
	s2 =	rddreg [dreg:$0x1];
	s4 =	smul.u32 $0xC80, s5  }
0x8: {  	s3 =	simm.s32 $0x0;
	s0 =	ssub.s32 $0x2, s0;
	s6 =	smul.u32 $0x32000, s5  }
0x9: {  	[smem:$0x7FF] =	sst s3;
	s7 =	sshrl.u32 s0, $0x1;
	s8 =	smul.u32 $0x190000, s5  }
0xa: {  	s31 =	smul.u32 $0xC8, s5;
	_ =	strace $0x80000047;
	s0 =	ssub.s32 s0, s7  }
0xb: {  	s9 =	sadd.s32 s4, s1;
	s4 =	sadd.s32 $0xF5BE00, s1;
	s5 =	sadd.s32 s2, s6  }
0xc: {  	s8 =	sshrl.u32 s8, $0x3;
	s12 =	smax.u32 s0, $0x1;
	s6 =	sadd.s32 $0xF42E00, s9  }
0xd: {  	s7 =	sadd.s32 $0x400, s5;
	s11 =	sadd.s32 s2, s8;
	s8 =	sor.u32 $0x2, s31  }
0xe: {  	s9 =	sor.u32 $0x3, s31;
	s10 =	sadd.s32 $0x31800, s11;
	s11 =	sadd.s32 $0x31C00, s11  }
.LBB2_1:
0xf: {  	[tilespmem:s3], [sflag:$0x5] =	stream.linear.gather [hbm4b:s6+s3], $0x6400, $0x38;
	[tilespmem:$0x12400] =	vst v63  }
0x10: {  	_ =	swait.ge [sflag:s13], $0x6400  }
0x11: {  	[sflag:s13] =	ssyncset.done $0x0  }
0x12: {  	[sflag:s13] =	ssyncadd.s32 $0xFFFF9C00  }
0x13: {  	[tilespmem:s15], [sflag:$0x1] =	stream.indirect.gather [hbm4b:s4+s14], $0x80, s3, s14, $0xb8;
	[tilespmem:$0x12400] =	vst v63  }
0x14: {  	_ = 	snop  }
0x15: {  	[tilespmem:s16], [sflag:$0x2] =	stream.indirect.gather [hbm4b:s4+s14], $0x80, s14, s14, $0xb8;
	[tilespmem:$0x12400] =	vst v63  }
0x16: {  	_ =	swait.ge [sflag:s17], $0x4000  }
0x17: {  	[sflag:s17] =	ssyncset.done $0x0  }
0x18: {  	s18 =	simm.s32 $0x6500;
	[sflag:s17] =	ssyncadd.s32 $0xFFFFC000  }
0x19: {  	v0 =	vld [tilespmem:s18+$0x80];
	_ =	sdelay $0x3  }
0x1a: {  	v1 =	vld [tilespmem:s18+$0xFFFFFF00]  }
0x1b: {  	v2 =	vld [tilespmem:s18+$0xFFFFFF80];
	v0 =	vmul.f32 $8.000000000e+00, v0  }
0x1c: {  	s26 =	simm.s32 $0xE480;
	v3 =	vld [tilespmem:s18+$0x0]  }
0x1d: {  	[tilespmem:s26+$0x40] =	vst v0  }
0x1e: {  	v0 =	vld [tilespmem:s18+$0x90]  }
0x1f: {  	v1 =	vmul.f32 $8.000000000e+00, v1  }
0x20: {  	v2 =	vmul.f32 $8.000000000e+00, v2  }
0x21: {  	v3 =	vmul.f32 $8.000000000e+00, v3;
	[tilespmem:s26+$0xFFFFFF80] =	vst v1  }
0x22: {  	[tilespmem:s26+$0xFFFFFFC0] =	vst v2;
	v1 =	vld [tilespmem:s18+$0xFFFFFF10]  }
0x23: {  	[tilespmem:s26+$0x0] =	vst v3;
	v2 =	vld [tilespmem:s18+$0xFFFFFF90];
	v0 =	vmul.f32 $8.000000000e+00, v0  }
0x24: {  	s28 =	simm.s32 $0x6700;
	v3 =	vld [tilespmem:s18+$0x10]  }
0x25: {  	[tilespmem:s26+$0x50] =	vst v0;
	v0 =	vld [tilespmem:s28+$0x80]  }
0x26: {  	v4 =	vld [tilespmem:s18+$0xA0]  }
0x27: {  	v5 =	vld [tilespmem:s28+$0xFFFFFF80];
	v1 =	vmul.f32 $8.000000000e+00, v1  }
0x28: {  	v6 =	vld [tilespmem:s28+$0x0];
	v2 =	vmul.f32 $8.000000000e+00, v2  }
0x29: {  	v3 =	vmul.f32 $8.000000000e+00, v3;
	[tilespmem:s26+$0xFFFFFF90] =	vst v1;
	v1 =	vld [tilespmem:s28+$0xFFFFFF00]  }
0x2a: {  	[tilespmem:s26+$0xFFFFFFD0] =	vst v2;
	v2 =	vld [tilespmem:s18+$0xFFFFFF20];
	v0 =	vmul.f32 $8.000000000e+00, v0  }
0x2b: {  	s29 =	simm.s32 $0xE580;
	[tilespmem:s26+$0x10] =	vst v3;
	v7 =	vld [tilespmem:s18+$0xFFFFFFA0];
	v3 =	vmul.f32 $8.000000000e+00, v4  }
0x2c: {  	v4 =	vmul.f32 $8.000000000e+00, v5;
	[tilespmem:s29+$0x40] =	vst v0;
	v0 =	vld [tilespmem:s18+$0x20]  }
0x2d: {  	v5 =	vmul.f32 $8.000000000e+00, v6;
	v6 =	vld [tilespmem:s28+$0x90];
	[tilespmem:s26+$0x60] =	vst v3  }
0x2e: {  	v1 =	vmul.f32 $8.000000000e+00, v1;
	[tilespmem:s29+$0xFFFFFFC0] =	vst v4;
	v8 =	vld [tilespmem:s18+$0xB0]  }
0x2f: {  	v2 =	vmul.f32 $8.000000000e+00, v2;
	[tilespmem:s29+$0x0] =	vst v5;
	v9 =	vld [tilespmem:s28+$0xFFFFFF90]  }
0x30: {  	[tilespmem:s29+$0xFFFFFF80] =	vst v1;
	v5 =	vmul.f32 $8.000000000e+00, v7;
	v3 =	vld [tilespmem:s28+$0x10]  }
0x31: {  	v4 =	vld [tilespmem:s28+$0xFFFFFF10];
	[tilespmem:s26+$0xFFFFFFA0] =	vst v2;
	v2 =	vmul.f32 $8.000000000e+00, v0  }
0x32: {  	v1 =	vld [tilespmem:s18+$0xFFFFFF30];
	[tilespmem:s26+$0xFFFFFFE0] =	vst v5;
	v7 =	vmul.f32 $8.000000000e+00, v6  }
0x33: {  	v0 =	vld [tilespmem:s18+$0xFFFFFFB0];
	[tilespmem:s26+$0x20] =	vst v2;
	v5 =	vmul.f32 $8.000000000e+00, v8  }
0x34: {  	s1 =	simm.s32 $0x4;
	s0 =	simm.s32 $0x6900;
	v6 =	vmul.f32 $8.000000000e+00, v9;
	[tilespmem:s29+$0x50] =	vst v7;
	v2 =	vld [tilespmem:s18+$0x30]  }
.LBB2_2:
0x35: {  	v7 =	vld [tilespmem:s0+$0x80];
	v3 =	vmul.f32 $8.000000000e+00, v3;
	[tilespmem:s26+$0x70] =	vst v5  }
0x36: {  	s1 =	sadd.s32 $0x4, s1;
	v4 =	vmul.f32 $8.000000000e+00, v4;
	[tilespmem:s29+$0xFFFFFFD0] =	vst v6;
	v5 =	vld [tilespmem:s28+$0xA0]  }
0x37: {  	p0 =	slt.u32 s1, $0x7C;
	v6 =	vld [tilespmem:s0+$0xFFFFFF80];
	[tilespmem:s29+$0x10] =	vst v3;
	v1 =	vmul.f32 $8.000000000e+00, v1  }
0x38: {  	v3 =	vld [tilespmem:s0+$0x0];
	[tilespmem:s29+$0xFFFFFF90] =	vst v4;
	v0 =	vmul.f32 $8.000000000e+00, v0  }
0x39: {  	v4 =	vld [tilespmem:s0+$0xFFFFFF00];
	[tilespmem:s26+$0xFFFFFFB0] =	vst v1;
	v1 =	vmul.f32 $8.000000000e+00, v2  }
0x3a: {  	v2 =	vmul.f32 $8.000000000e+00, v7;
	v7 =	vld [tilespmem:s28+$0xFFFFFF20];
	[tilespmem:s26+$0xFFFFFFF0] =	vst v0  }
0x3b: {  	v0 =	vld [tilespmem:s28+$0xFFFFFFA0];
	v5 =	vmul.f32 $8.000000000e+00, v5;
	[tilespmem:s26+$0x30] =	vst v1;
	s26 =	smov.u32 s29;
	s29 =	sadd.s32 $0x100, s29  }
0x3c: {  	v1 =	vmul.f32 $8.000000000e+00, v6;
	[tilespmem:s29+$0x40] =	vst v2;
	v2 =	vld [tilespmem:s28+$0x20]  }
0x3d: {  	v3 =	vmul.f32 $8.000000000e+00, v3;
	v6 =	vld [tilespmem:s0+$0x90];
	[tilespmem:s26+$0x60] =	vst v5  }
0x3e: {  	v4 =	vmul.f32 $8.000000000e+00, v4;
	[tilespmem:s29+$0xFFFFFFC0] =	vst v1;
	v5 =	vld [tilespmem:s28+$0xB0]  }
0x3f: {  	v8 =	vld [tilespmem:s0+$0xFFFFFF90];
	[tilespmem:s29+$0x0] =	vst v3;
	v1 =	vmul.f32 $8.000000000e+00, v7  }
.Ltmp0:
0x40: {  	[tilespmem:s29+$0xFFFFFF80] =	vst v4;
	v3 =	vld [tilespmem:s0+$0x10];
	v0 =	vmul.f32 $8.000000000e+00, v0;
	(pc) =	sbr.rel @p0 .LBB2_2-.Ltmp0, $4  }
0x41: {  	v4 =	vld [tilespmem:s0+$0xFFFFFF10];
	[tilespmem:s26+$0xFFFFFFA0] =	vst v1;
	v2 =	vmul.f32 $8.000000000e+00, v2  }
0x42: {  	v7 =	vmul.f32 $8.000000000e+00, v6;
	v1 =	vld [tilespmem:s28+$0xFFFFFF30];
	[tilespmem:s26+$0xFFFFFFE0] =	vst v0  }
0x43: {  	v0 =	vld [tilespmem:s28+$0xFFFFFFB0];
	[tilespmem:s26+$0x20] =	vst v2;
	v5 =	vmul.f32 $8.000000000e+00, v5  }
0x44: {  	v6 =	vmul.f32 $8.000000000e+00, v8;
	[tilespmem:s29+$0x50] =	vst v7;
	v2 =	vld [tilespmem:s28+$0x30];
	s28 =	smov.u32 s0;
	s0 =	sadd.s32 $0x200, s0  }
0x45: {  	_ = 	snop  }
0x46: {  	v4 =	vmul.f32 $8.000000000e+00, v4;
	_ =	sdelay $0x1  }
0x47: {  	v3 =	vmul.f32 $8.000000000e+00, v3;
	v7 =	vld [tilespmem:s28+$0xA0];
	[tilespmem:s29+$0xFFFFFF90] =	vst v4  }
0x48: {  	[tilespmem:s29+$0xFFFFFFD0] =	vst v6;
	v4 =	vld [tilespmem:s28+$0xFFFFFF20]  }
0x49: {  	[tilespmem:s29+$0x10] =	vst v3;
	v3 =	vld [tilespmem:s28+$0xFFFFFFA0]  }
0x4a: {  	v6 =	vld [tilespmem:s28+$0x20];
	_ =	sdelay $0x1  }
0x4b: {  	v7 =	vmul.f32 $8.000000000e+00, v7  }
0x4c: {  	v4 =	vmul.f32 $8.000000000e+00, v4  }
0x4d: {  	[tilespmem:s29+$0x60] =	vst v7;
	v3 =	vmul.f32 $8.000000000e+00, v3  }
0x4e: {  	v7 =	vld [tilespmem:s28+$0xB0];
	[tilespmem:s29+$0xFFFFFFA0] =	vst v4;
	v4 =	vmul.f32 $8.000000000e+00, v6  }
0x4f: {  	[tilespmem:s29+$0xFFFFFFE0] =	vst v3;
	v6 =	vld [tilespmem:s28+$0xFFFFFF30]  }
0x50: {  	v1 =	vmul.f32 $8.000000000e+00, v1;
	v3 =	vld [tilespmem:s28+$0xFFFFFFB0];
	[tilespmem:s29+$0x20] =	vst v4  }
0x51: {  	[tilespmem:s26+$0x70] =	vst v5;
	v0 =	vmul.f32 $8.000000000e+00, v0;
	v4 =	vld [tilespmem:s28+$0x30]  }
0x52: {  	[tilespmem:s26+$0xFFFFFFB0] =	vst v1;
	v1 =	vmul.f32 $8.000000000e+00, v2  }
0x53: {  	[tilespmem:s26+$0xFFFFFFF0] =	vst v0;
	v0 =	vmul.f32 $8.000000000e+00, v7  }
0x54: {  	[tilespmem:s26+$0x30] =	vst v1;
	v1 =	vmul.f32 $8.000000000e+00, v6  }
0x55: {  	[tilespmem:s29+$0x70] =	vst v0;
	v0 =	vmul.f32 $8.000000000e+00, v3  }
0x56: {  	[tilespmem:s29+$0xFFFFFFB0] =	vst v1;
	v1 =	vmul.f32 $8.000000000e+00, v4  }
0x57: {  	[tilespmem:s29+$0xFFFFFFF0] =	vst v0  }
0x58: {  	s0 =	simm.s32 $0x100;
	[tilespmem:s29+$0x30] =	vst v1  }
0x59: {  	[tilespmem:s15], [sflag:$0x1] =	stream.indirect.gather [hbm4b:s4+s14], $0x80, s0, s14, $0xb8;
	[tilespmem:$0x12400] =	vst v63  }
0x5a: {  	_ = 	snop  }
0x5b: {  	[hbm4b:s5+s3] =	stream.linear.scatter [tilespmem:s19], [sflag:$0x3], $0x2000, $0x38;
	[tilespmem:$0x12400] =	vst v63  }
0x5c: {  	_ =	swait.ge [sflag:s20], $0x4000  }
0x5d: {  	[sflag:s20] =	ssyncset.done $0x0  }
0x5e: {  	s18 =	simm.s32 $0xA400;
	[sflag:s20] =	ssyncadd.s32 $0xFFFFC000  }
0x5f: {  	v0 =	vld [tilespmem:s18+$0x180];
	_ =	sdelay $0x3  }
0x60: {  	v1 =	vld [tilespmem:s18+$0x0]  }
0x61: {  	v2 =	vld [tilespmem:s18+$0x80];
	v0 =	vmul.f32 $8.000000000e+00, v0  }
0x62: {  	s26 =	simm.s32 $0x104F0;
	v3 =	vld [tilespmem:s18+$0x100]  }
0x63: {  	[tilespmem:s26+$0xFFFFFFD0] =	vst v0  }
0x64: {  	v0 =	vld [tilespmem:s18+$0x190]  }
0x65: {  	v1 =	vmul.f32 $8.000000000e+00, v1  }
0x66: {  	v2 =	vmul.f32 $8.000000000e+00, v2  }
0x67: {  	v3 =	vmul.f32 $8.000000000e+00, v3;
	[tilespmem:s26+$0xFFFFFF10] =	vst v1  }
0x68: {  	[tilespmem:s26+$0xFFFFFF50] =	vst v2;
	v1 =	vld [tilespmem:s18+$0x10]  }
0x69: {  	[tilespmem:s26+$0xFFFFFF90] =	vst v3;
	v2 =	vld [tilespmem:s18+$0x90];
	v0 =	vmul.f32 $8.000000000e+00, v0  }
0x6a: {  	s28 =	simm.s32 $0xA600;
	v3 =	vld [tilespmem:s18+$0x110]  }
0x6b: {  	[tilespmem:s26+$0xFFFFFFE0] =	vst v0;
	v0 =	vld [tilespmem:s28+$0x180]  }
0x6c: {  	v4 =	vld [tilespmem:s18+$0x1A0]  }
0x6d: {  	v5 =	vld [tilespmem:s28+$0x80];
	v1 =	vmul.f32 $8.000000000e+00, v1  }
0x6e: {  	v6 =	vld [tilespmem:s28+$0x100];
	v2 =	vmul.f32 $8.000000000e+00, v2  }
0x6f: {  	v3 =	vmul.f32 $8.000000000e+00, v3;
	[tilespmem:s26+$0xFFFFFF20] =	vst v1;
	v1 =	vld [tilespmem:s28+$0x0]  }
0x70: {  	[tilespmem:s26+$0xFFFFFF60] =	vst v2;
	v2 =	vld [tilespmem:s18+$0x20];
	v0 =	vmul.f32 $8.000000000e+00, v0  }
0x71: {  	s29 =	simm.s32 $0x105F0;
	[tilespmem:s26+$0xFFFFFFA0] =	vst v3;
	v7 =	vld [tilespmem:s18+$0xA0];
	v3 =	vmul.f32 $8.000000000e+00, v4  }
0x72: {  	v4 =	vmul.f32 $8.000000000e+00, v5;
	[tilespmem:s29+$0xFFFFFFD0] =	vst v0;
	v0 =	vld [tilespmem:s18+$0x120]  }
0x73: {  	v5 =	vmul.f32 $8.000000000e+00, v6;
	v6 =	vld [tilespmem:s28+$0x190];
	[tilespmem:s26+$0xFFFFFFF0] =	vst v3  }
0x74: {  	v1 =	vmul.f32 $8.000000000e+00, v1;
	[tilespmem:s29+$0xFFFFFF50] =	vst v4;
	v8 =	vld [tilespmem:s18+$0x1B0]  }
0x75: {  	v2 =	vmul.f32 $8.000000000e+00, v2;
	[tilespmem:s29+$0xFFFFFF90] =	vst v5;
	v9 =	vld [tilespmem:s28+$0x90]  }
0x76: {  	[tilespmem:s29+$0xFFFFFF10] =	vst v1;
	v5 =	vmul.f32 $8.000000000e+00, v7;
	v3 =	vld [tilespmem:s28+$0x110]  }
0x77: {  	v4 =	vld [tilespmem:s28+$0x10];
	[tilespmem:s26+$0xFFFFFF30] =	vst v2;
	v2 =	vmul.f32 $8.000000000e+00, v0  }
0x78: {  	v1 =	vld [tilespmem:s18+$0x30];
	[tilespmem:s26+$0xFFFFFF70] =	vst v5;
	v7 =	vmul.f32 $8.000000000e+00, v6  }
0x79: {  	v0 =	vld [tilespmem:s18+$0xB0];
	[tilespmem:s26+$0xFFFFFFB0] =	vst v2;
	v5 =	vmul.f32 $8.000000000e+00, v8  }
0x7a: {  	s1 =	simm.s32 $0x4;
	s0 =	simm.s32 $0xA800;
	v6 =	vmul.f32 $8.000000000e+00, v9;
	[tilespmem:s29+$0xFFFFFFE0] =	vst v7;
	v2 =	vld [tilespmem:s18+$0x130]  }
.LBB2_4:
0x7b: {  	v7 =	vld [tilespmem:s0+$0x180];
	v3 =	vmul.f32 $8.000000000e+00, v3;
	[tilespmem:s26+$0x0] =	vst v5  }
0x7c: {  	s1 =	sadd.s32 $0x4, s1;
	v4 =	vmul.f32 $8.000000000e+00, v4;
	[tilespmem:s29+$0xFFFFFF60] =	vst v6;
	v5 =	vld [tilespmem:s28+$0x1A0]  }
0x7d: {  	p0 =	slt.u32 s1, $0x7C;
	v6 =	vld [tilespmem:s0+$0x80];
	[tilespmem:s29+$0xFFFFFFA0] =	vst v3;
	v1 =	vmul.f32 $8.000000000e+00, v1  }
0x7e: {  	v3 =	vld [tilespmem:s0+$0x100];
	[tilespmem:s29+$0xFFFFFF20] =	vst v4;
	v0 =	vmul.f32 $8.000000000e+00, v0  }
0x7f: {  	v4 =	vld [tilespmem:s0+$0x0];
	[tilespmem:s26+$0xFFFFFF40] =	vst v1;
	v1 =	vmul.f32 $8.000000000e+00, v2  }
0x80: {  	v2 =	vmul.f32 $8.000000000e+00, v7;
	v7 =	vld [tilespmem:s28+$0x20];
	[tilespmem:s26+$0xFFFFFF80] =	vst v0  }
0x81: {  	v0 =	vld [tilespmem:s28+$0xA0];
	v5 =	vmul.f32 $8.000000000e+00, v5;
	[tilespmem:s26+$0xFFFFFFC0] =	vst v1;
	s26 =	smov.u32 s29;
	s29 =	sadd.s32 $0x100, s29  }
0x82: {  	v1 =	vmul.f32 $8.000000000e+00, v6;
	[tilespmem:s29+$0xFFFFFFD0] =	vst v2;
	v2 =	vld [tilespmem:s28+$0x120]  }
0x83: {  	v3 =	vmul.f32 $8.000000000e+00, v3;
	v6 =	vld [tilespmem:s0+$0x190];
	[tilespmem:s26+$0xFFFFFFF0] =	vst v5  }
0x84: {  	v4 =	vmul.f32 $8.000000000e+00, v4;
	[tilespmem:s29+$0xFFFFFF50] =	vst v1;
	v5 =	vld [tilespmem:s28+$0x1B0]  }
0x85: {  	v8 =	vld [tilespmem:s0+$0x90];
	[tilespmem:s29+$0xFFFFFF90] =	vst v3;
	v1 =	vmul.f32 $8.000000000e+00, v7  }
.Ltmp1:
0x86: {  	[tilespmem:s29+$0xFFFFFF10] =	vst v4;
	v3 =	vld [tilespmem:s0+$0x110];
	v0 =	vmul.f32 $8.000000000e+00, v0;
	(pc) =	sbr.rel @p0 .LBB2_4-.Ltmp1, $4  }
0x87: {  	v4 =	vld [tilespmem:s0+$0x10];
	[tilespmem:s26+$0xFFFFFF30] =	vst v1;
	v2 =	vmul.f32 $8.000000000e+00, v2  }
0x88: {  	v7 =	vmul.f32 $8.000000000e+00, v6;
	v1 =	vld [tilespmem:s28+$0x30];
	[tilespmem:s26+$0xFFFFFF70] =	vst v0  }
0x89: {  	v0 =	vld [tilespmem:s28+$0xB0];
	[tilespmem:s26+$0xFFFFFFB0] =	vst v2;
	v5 =	vmul.f32 $8.000000000e+00, v5  }
0x8a: {  	v6 =	vmul.f32 $8.000000000e+00, v8;
	[tilespmem:s29+$0xFFFFFFE0] =	vst v7;
	v2 =	vld [tilespmem:s28+$0x130];
	s28 =	smov.u32 s0;
	s0 =	sadd.s32 $0x200, s0  }
0x8b: {  	v3 =	vmul.f32 $8.000000000e+00, v3  }
0x8c: {  	v7 =	vld [tilespmem:s28+$0x1A0];
	v4 =	vmul.f32 $8.000000000e+00, v4;
	[tilespmem:s29+$0xFFFFFF60] =	vst v6  }
0x8d: {  	[tilespmem:s29+$0xFFFFFFA0] =	vst v3;
	v53 =	vld [tilespmem:s28+$0xA0]  }
0x8e: {  	[tilespmem:s29+$0xFFFFFF20] =	vst v4;
	v54 =	vld [tilespmem:s28+$0x120]  }
0x8f: {  	v4 =	vld [tilespmem:s28+$0x20];
	_ =	sdelay $0x1  }
0x90: {  	v7 =	vmul.f32 $8.000000000e+00, v7  }
0x91: {  	v3 =	vmul.f32 $8.000000000e+00, v53  }
0x92: {  	[tilespmem:s29+$0xFFFFFFF0] =	vst v7;
	v6 =	vmul.f32 $8.000000000e+00, v54  }
0x93: {  	v55 =	vld [tilespmem:s28+$0x1B0];
	v4 =	vmul.f32 $8.000000000e+00, v4;
	[tilespmem:s29+$0xFFFFFF70] =	vst v3  }
0x94: {  	[tilespmem:s29+$0xFFFFFFB0] =	vst v6;
	v57 =	vld [tilespmem:s28+$0xB0]  }
0x95: {  	v1 =	vmul.f32 $8.000000000e+00, v1;
	[tilespmem:s29+$0xFFFFFF30] =	vst v4;
	v58 =	vld [tilespmem:s28+$0x130]  }
0x96: {  	[tilespmem:s26+$0x0] =	vst v5;
	v0 =	vmul.f32 $8.000000000e+00, v0;
	v56 =	vld [tilespmem:s28+$0x30]  }
0x97: {  	[tilespmem:s26+$0xFFFFFF40] =	vst v1;
	v59 =	vmul.f32 $8.000000000e+00, v2  }
0x98: {  	[tilespmem:s26+$0xFFFFFF80] =	vst v0;
	v60 =	vmul.f32 $8.000000000e+00, v55  }
0x99: {  	[tilespmem:s26+$0xFFFFFFC0] =	vst v59;
	v62 =	vmul.f32 $8.000000000e+00, v57  }
0x9a: {  	[tilespmem:s29+$0x0] =	vst v60;
	v63 =	vmul.f32 $8.000000000e+00, v58  }
0x9b: {  	v61 =	vmul.f32 $8.000000000e+00, v56;
	[tilespmem:s29+$0xFFFFFF80] =	vst v62  }
0x9c: {  	[tilespmem:s29+$0xFFFFFFC0] =	vst v63  }
0x9d: {  	s0 =	simm.s32 $0x180;
	[tilespmem:s29+$0xFFFFFF40] =	vst v61  }
0x9e: {  	[tilespmem:s16], [sflag:$0x2] =	stream.indirect.gather [hbm4b:s4+s14], $0x80, s0, s14, $0xb8;
	[tilespmem:$0x12400] =	vst v63  }
0x9f: {  	s26 =	simm.s32 $0x0  }
0xa0: {  	[hbm4b:s7+s26] =	stream.linear.scatter [tilespmem:s22], [sflag:$0x4], $0x2000, $0x38;
	[tilespmem:$0x12400] =	vst v63  }
.LBB2_6:
0xa1: {  	_ =	swait.ge [sflag:s17], $0x4000  }
0xa2: {  	[sflag:s17] =	ssyncset.done $0x0  }
0xa3: {  	[sflag:s17] =	ssyncadd.s32 $0xFFFFC000  }
0xa4: {  	_ =	swait.ge [sflag:s23], $0x2000  }
0xa5: {  	[sflag:s23] =	ssyncset.done $0x0  }
0xa6: {  	s18 =	simm.s32 $0x6500;
	[sflag:s23] =	ssyncadd.s32 $0xFFFFE000  }
0xa7: {  	v0 =	vld [tilespmem:s18+$0x80];
	_ =	sdelay $0x3  }
0xa8: {  	v1 =	vld [tilespmem:s18+$0xFFFFFF00]  }
0xa9: {  	v2 =	vld [tilespmem:s18+$0xFFFFFF80];
	v0 =	vmul.f32 $8.000000000e+00, v0  }
0xaa: {  	s28 =	simm.s32 $0xE480;
	v3 =	vld [tilespmem:s18+$0x0]  }
0xab: {  	[tilespmem:s28+$0x40] =	vst v0  }
0xac: {  	v0 =	vld [tilespmem:s18+$0x90]  }
0xad: {  	v1 =	vmul.f32 $8.000000000e+00, v1  }
0xae: {  	v2 =	vmul.f32 $8.000000000e+00, v2  }
0xaf: {  	v3 =	vmul.f32 $8.000000000e+00, v3;
	[tilespmem:s28+$0xFFFFFF80] =	vst v1  }
0xb0: {  	[tilespmem:s28+$0xFFFFFFC0] =	vst v2;
	v1 =	vld [tilespmem:s18+$0xFFFFFF10]  }
0xb1: {  	[tilespmem:s28+$0x0] =	vst v3;
	v2 =	vld [tilespmem:s18+$0xFFFFFF90];
	v0 =	vmul.f32 $8.000000000e+00, v0  }
0xb2: {  	s29 =	simm.s32 $0x6700;
	v3 =	vld [tilespmem:s18+$0x10]  }
0xb3: {  	[tilespmem:s28+$0x50] =	vst v0;
	v0 =	vld [tilespmem:s29+$0x80]  }
0xb4: {  	v4 =	vld [tilespmem:s18+$0xA0]  }
0xb5: {  	v5 =	vld [tilespmem:s29+$0xFFFFFF80];
	v1 =	vmul.f32 $8.000000000e+00, v1  }
0xb6: {  	v6 =	vld [tilespmem:s29+$0x0];
	v2 =	vmul.f32 $8.000000000e+00, v2  }
0xb7: {  	v3 =	vmul.f32 $8.000000000e+00, v3;
	[tilespmem:s28+$0xFFFFFF90] =	vst v1;
	v1 =	vld [tilespmem:s29+$0xFFFFFF00]  }
0xb8: {  	[tilespmem:s28+$0xFFFFFFD0] =	vst v2;
	v2 =	vld [tilespmem:s18+$0xFFFFFF20];
	v0 =	vmul.f32 $8.000000000e+00, v0  }
0xb9: {  	s30 =	simm.s32 $0xE580;
	[tilespmem:s28+$0x10] =	vst v3;
	v7 =	vld [tilespmem:s18+$0xFFFFFFA0];
	v3 =	vmul.f32 $8.000000000e+00, v4  }
0xba: {  	v4 =	vmul.f32 $8.000000000e+00, v5;
	[tilespmem:s30+$0x40] =	vst v0;
	v0 =	vld [tilespmem:s18+$0x20]  }
0xbb: {  	v5 =	vmul.f32 $8.000000000e+00, v6;
	v6 =	vld [tilespmem:s29+$0x90];
	[tilespmem:s28+$0x60] =	vst v3  }
0xbc: {  	v1 =	vmul.f32 $8.000000000e+00, v1;
	[tilespmem:s30+$0xFFFFFFC0] =	vst v4;
	v8 =	vld [tilespmem:s18+$0xB0]  }
0xbd: {  	v2 =	vmul.f32 $8.000000000e+00, v2;
	[tilespmem:s30+$0x0] =	vst v5;
	v9 =	vld [tilespmem:s29+$0xFFFFFF90]  }
0xbe: {  	[tilespmem:s30+$0xFFFFFF80] =	vst v1;
	v5 =	vmul.f32 $8.000000000e+00, v7;
	v3 =	vld [tilespmem:s29+$0x10]  }
0xbf: {  	v4 =	vld [tilespmem:s29+$0xFFFFFF10];
	[tilespmem:s28+$0xFFFFFFA0] =	vst v2;
	v2 =	vmul.f32 $8.000000000e+00, v0  }
0xc0: {  	v1 =	vld [tilespmem:s18+$0xFFFFFF30];
	[tilespmem:s28+$0xFFFFFFE0] =	vst v5;
	v7 =	vmul.f32 $8.000000000e+00, v6  }
0xc1: {  	v0 =	vld [tilespmem:s18+$0xFFFFFFB0];
	[tilespmem:s28+$0x20] =	vst v2;
	v5 =	vmul.f32 $8.000000000e+00, v8  }
0xc2: {  	s1 =	simm.s32 $0x4;
	s0 =	simm.s32 $0x6900;
	v6 =	vmul.f32 $8.000000000e+00, v9;
	[tilespmem:s30+$0x50] =	vst v7;
	v2 =	vld [tilespmem:s18+$0x30]  }
.LBB2_7:
0xc3: {  	v7 =	vld [tilespmem:s0+$0x80];
	v3 =	vmul.f32 $8.000000000e+00, v3;
	[tilespmem:s28+$0x70] =	vst v5  }
0xc4: {  	s1 =	sadd.s32 $0x4, s1;
	v4 =	vmul.f32 $8.000000000e+00, v4;
	[tilespmem:s30+$0xFFFFFFD0] =	vst v6;
	v5 =	vld [tilespmem:s29+$0xA0]  }
0xc5: {  	p0 =	slt.u32 s1, $0x7C;
	v6 =	vld [tilespmem:s0+$0xFFFFFF80];
	[tilespmem:s30+$0x10] =	vst v3;
	v1 =	vmul.f32 $8.000000000e+00, v1  }
0xc6: {  	v3 =	vld [tilespmem:s0+$0x0];
	[tilespmem:s30+$0xFFFFFF90] =	vst v4;
	v0 =	vmul.f32 $8.000000000e+00, v0  }
0xc7: {  	v4 =	vld [tilespmem:s0+$0xFFFFFF00];
	[tilespmem:s28+$0xFFFFFFB0] =	vst v1;
	v1 =	vmul.f32 $8.000000000e+00, v2  }
0xc8: {  	v2 =	vmul.f32 $8.000000000e+00, v7;
	v7 =	vld [tilespmem:s29+$0xFFFFFF20];
	[tilespmem:s28+$0xFFFFFFF0] =	vst v0  }
0xc9: {  	v0 =	vld [tilespmem:s29+$0xFFFFFFA0];
	v5 =	vmul.f32 $8.000000000e+00, v5;
	[tilespmem:s28+$0x30] =	vst v1;
	s28 =	smov.u32 s30;
	s30 =	sadd.s32 $0x100, s30  }
0xca: {  	v1 =	vmul.f32 $8.000000000e+00, v6;
	[tilespmem:s30+$0x40] =	vst v2;
	v2 =	vld [tilespmem:s29+$0x20]  }
0xcb: {  	v3 =	vmul.f32 $8.000000000e+00, v3;
	v6 =	vld [tilespmem:s0+$0x90];
	[tilespmem:s28+$0x60] =	vst v5  }
0xcc: {  	v4 =	vmul.f32 $8.000000000e+00, v4;
	[tilespmem:s30+$0xFFFFFFC0] =	vst v1;
	v5 =	vld [tilespmem:s29+$0xB0]  }
0xcd: {  	v8 =	vld [tilespmem:s0+$0xFFFFFF90];
	[tilespmem:s30+$0x0] =	vst v3;
	v1 =	vmul.f32 $8.000000000e+00, v7  }
.Ltmp2:
0xce: {  	[tilespmem:s30+$0xFFFFFF80] =	vst v4;
	v3 =	vld [tilespmem:s0+$0x10];
	v0 =	vmul.f32 $8.000000000e+00, v0;
	(pc) =	sbr.rel @p0 .LBB2_7-.Ltmp2, $4  }
0xcf: {  	v4 =	vld [tilespmem:s0+$0xFFFFFF10];
	[tilespmem:s28+$0xFFFFFFA0] =	vst v1;
	v2 =	vmul.f32 $8.000000000e+00, v2  }
0xd0: {  	v7 =	vmul.f32 $8.000000000e+00, v6;
	v1 =	vld [tilespmem:s29+$0xFFFFFF30];
	[tilespmem:s28+$0xFFFFFFE0] =	vst v0  }
0xd1: {  	v0 =	vld [tilespmem:s29+$0xFFFFFFB0];
	[tilespmem:s28+$0x20] =	vst v2;
	v5 =	vmul.f32 $8.000000000e+00, v5  }
0xd2: {  	v6 =	vmul.f32 $8.000000000e+00, v8;
	[tilespmem:s30+$0x50] =	vst v7;
	v2 =	vld [tilespmem:s29+$0x30];
	s29 =	smov.u32 s0;
	s0 =	sadd.s32 $0x200, s0  }
0xd3: {  	_ = 	snop  }
0xd4: {  	v4 =	vmul.f32 $8.000000000e+00, v4;
	_ =	sdelay $0x1  }
0xd5: {  	v3 =	vmul.f32 $8.000000000e+00, v3;
	v7 =	vld [tilespmem:s29+$0xA0];
	[tilespmem:s30+$0xFFFFFF90] =	vst v4  }
0xd6: {  	[tilespmem:s30+$0xFFFFFFD0] =	vst v6;
	v4 =	vld [tilespmem:s29+$0xFFFFFF20]  }
0xd7: {  	[tilespmem:s30+$0x10] =	vst v3;
	v3 =	vld [tilespmem:s29+$0xFFFFFFA0]  }
0xd8: {  	v6 =	vld [tilespmem:s29+$0x20];
	_ =	sdelay $0x1  }
0xd9: {  	v7 =	vmul.f32 $8.000000000e+00, v7  }
0xda: {  	v4 =	vmul.f32 $8.000000000e+00, v4  }
0xdb: {  	[tilespmem:s30+$0x60] =	vst v7;
	v3 =	vmul.f32 $8.000000000e+00, v3  }
0xdc: {  	v7 =	vld [tilespmem:s29+$0xB0];
	[tilespmem:s30+$0xFFFFFFA0] =	vst v4;
	v4 =	vmul.f32 $8.000000000e+00, v6  }
0xdd: {  	[tilespmem:s30+$0xFFFFFFE0] =	vst v3;
	v6 =	vld [tilespmem:s29+$0xFFFFFF30]  }
0xde: {  	v1 =	vmul.f32 $8.000000000e+00, v1;
	v3 =	vld [tilespmem:s29+$0xFFFFFFB0];
	[tilespmem:s30+$0x20] =	vst v4  }
0xdf: {  	[tilespmem:s28+$0x70] =	vst v5;
	v0 =	vmul.f32 $8.000000000e+00, v0;
	v4 =	vld [tilespmem:s29+$0x30]  }
0xe0: {  	[tilespmem:s28+$0xFFFFFFB0] =	vst v1;
	v1 =	vmul.f32 $8.000000000e+00, v2  }
0xe1: {  	[tilespmem:s28+$0xFFFFFFF0] =	vst v0;
	v0 =	vmul.f32 $8.000000000e+00, v7  }
0xe2: {  	[tilespmem:s28+$0x30] =	vst v1;
	v1 =	vmul.f32 $8.000000000e+00, v6  }
0xe3: {  	[tilespmem:s30+$0x70] =	vst v0;
	v0 =	vmul.f32 $8.000000000e+00, v3  }
0xe4: {  	s0 =	sshll.u32 s26, $0x8;
	[tilespmem:s30+$0xFFFFFFB0] =	vst v1;
	v1 =	vmul.f32 $8.000000000e+00, v4  }
0xe5: {  	s28 =	sshll.u32 s26, $0x1;
	s29 =	sand.u32 $0x3FFFFF00, s0;
	[tilespmem:s30+$0xFFFFFFF0] =	vst v0  }
0xe6: {  	s21 =	sadd.s32 s28, s8;
	s0 =	sadd.s32 $0x200, s29;
	[tilespmem:s30+$0x30] =	vst v1  }
0xe7: {  	[tilespmem:s15], [sflag:$0x1] =	stream.indirect.gather [hbm4b:s4+s14], $0x80, s0, s14, $0xb8;
	[tilespmem:$0x12400] =	vst v63  }
0xe8: {  	s0 =	sshll.u32 s21, $0xA  }
0xe9: {  	s0 =	sand.u32 $0x1FFFF800, s0  }
0xea: {  	s0 =	sadd.s32 s2, s0  }
0xeb: {  	[hbm4b:s0+s3] =	stream.linear.scatter [tilespmem:s19], [sflag:$0x3], $0x2000, $0x38;
	[tilespmem:$0x12400] =	vst v63  }
0xec: {  	_ =	swait.ge [sflag:s20], $0x4000  }
0xed: {  	[sflag:s20] =	ssyncset.done $0x0  }
0xee: {  	[sflag:s20] =	ssyncadd.s32 $0xFFFFC000  }
0xef: {  	_ =	swait.ge [sflag:s24], $0x2000  }
0xf0: {  	[sflag:s24] =	ssyncset.done $0x0  }
0xf1: {  	s21 =	simm.s32 $0xA400;
	[sflag:s24] =	ssyncadd.s32 $0xFFFFE000  }
0xf2: {  	v0 =	vld [tilespmem:s21+$0x180];
	_ =	sdelay $0x3  }
0xf3: {  	v1 =	vld [tilespmem:s21+$0x0]  }
0xf4: {  	v2 =	vld [tilespmem:s21+$0x80];
	v0 =	vmul.f32 $8.000000000e+00, v0  }
0xf5: {  	s30 =	simm.s32 $0x104F0;
	v3 =	vld [tilespmem:s21+$0x100]  }
0xf6: {  	[tilespmem:s30+$0xFFFFFFD0] =	vst v0  }
0xf7: {  	v0 =	vld [tilespmem:s21+$0x190]  }
0xf8: {  	v1 =	vmul.f32 $8.000000000e+00, v1  }
0xf9: {  	v2 =	vmul.f32 $8.000000000e+00, v2  }
0xfa: {  	v3 =	vmul.f32 $8.000000000e+00, v3;
	[tilespmem:s30+$0xFFFFFF10] =	vst v1  }
0xfb: {  	[tilespmem:s30+$0xFFFFFF50] =	vst v2;
	v1 =	vld [tilespmem:s21+$0x10]  }
0xfc: {  	[tilespmem:s30+$0xFFFFFF90] =	vst v3;
	v2 =	vld [tilespmem:s21+$0x90];
	v0 =	vmul.f32 $8.000000000e+00, v0  }
0xfd: {  	s31 =	simm.s32 $0xA600;
	v3 =	vld [tilespmem:s21+$0x110]  }
0xfe: {  	[tilespmem:s30+$0xFFFFFFE0] =	vst v0;
	v0 =	vld [tilespmem:s31+$0x180]  }
0xff: {  	v4 =	vld [tilespmem:s21+$0x1A0]  }
0x100: {  	v5 =	vld [tilespmem:s31+$0x80];
	v1 =	vmul.f32 $8.000000000e+00, v1  }
0x101: {  	v6 =	vld [tilespmem:s31+$0x100];
	v2 =	vmul.f32 $8.000000000e+00, v2  }
0x102: {  	v3 =	vmul.f32 $8.000000000e+00, v3;
	[tilespmem:s30+$0xFFFFFF20] =	vst v1;
	v1 =	vld [tilespmem:s31+$0x0]  }
0x103: {  	[tilespmem:s30+$0xFFFFFF60] =	vst v2;
	v2 =	vld [tilespmem:s21+$0x20];
	v0 =	vmul.f32 $8.000000000e+00, v0  }
0x104: {  	s1 =	simm.s32 $0x105F0;
	[tilespmem:s30+$0xFFFFFFA0] =	vst v3;
	v7 =	vld [tilespmem:s21+$0xA0];
	v3 =	vmul.f32 $8.000000000e+00, v4  }
0x105: {  	v4 =	vmul.f32 $8.000000000e+00, v5;
	[tilespmem:s1+$0xFFFFFFD0] =	vst v0;
	v0 =	vld [tilespmem:s21+$0x120]  }
0x106: {  	v5 =	vmul.f32 $8.000000000e+00, v6;
	v6 =	vld [tilespmem:s31+$0x190];
	[tilespmem:s30+$0xFFFFFFF0] =	vst v3  }
0x107: {  	v1 =	vmul.f32 $8.000000000e+00, v1;
	[tilespmem:s1+$0xFFFFFF50] =	vst v4;
	v8 =	vld [tilespmem:s21+$0x1B0]  }
0x108: {  	v2 =	vmul.f32 $8.000000000e+00, v2;
	[tilespmem:s1+$0xFFFFFF90] =	vst v5;
	v9 =	vld [tilespmem:s31+$0x90]  }
0x109: {  	[tilespmem:s1+$0xFFFFFF10] =	vst v1;
	v5 =	vmul.f32 $8.000000000e+00, v7;
	v3 =	vld [tilespmem:s31+$0x110]  }
0x10a: {  	v4 =	vld [tilespmem:s31+$0x10];
	[tilespmem:s30+$0xFFFFFF30] =	vst v2;
	v2 =	vmul.f32 $8.000000000e+00, v0  }
0x10b: {  	v1 =	vld [tilespmem:s21+$0x30];
	[tilespmem:s30+$0xFFFFFF70] =	vst v5;
	v7 =	vmul.f32 $8.000000000e+00, v6  }
0x10c: {  	v0 =	vld [tilespmem:s21+$0xB0];
	[tilespmem:s30+$0xFFFFFFB0] =	vst v2;
	v5 =	vmul.f32 $8.000000000e+00, v8  }
0x10d: {  	s18 =	simm.s32 $0xA800;
	s0 =	simm.s32 $0x4;
	v6 =	vmul.f32 $8.000000000e+00, v9;
	[tilespmem:s1+$0xFFFFFFE0] =	vst v7;
	v2 =	vld [tilespmem:s21+$0x130]  }
.LBB2_9:
0x10e: {  	v7 =	vld [tilespmem:s18+$0x180];
	v3 =	vmul.f32 $8.000000000e+00, v3;
	[tilespmem:s30+$0x0] =	vst v5  }
0x10f: {  	s0 =	sadd.s32 $0x4, s0;
	v4 =	vmul.f32 $8.000000000e+00, v4;
	[tilespmem:s1+$0xFFFFFF60] =	vst v6;
	v5 =	vld [tilespmem:s31+$0x1A0]  }
0x110: {  	p0 =	slt.u32 s0, $0x7C;
	v6 =	vld [tilespmem:s18+$0x80];
	[tilespmem:s1+$0xFFFFFFA0] =	vst v3;
	v1 =	vmul.f32 $8.000000000e+00, v1  }
0x111: {  	v3 =	vld [tilespmem:s18+$0x100];
	[tilespmem:s1+$0xFFFFFF20] =	vst v4;
	v0 =	vmul.f32 $8.000000000e+00, v0  }
0x112: {  	v4 =	vld [tilespmem:s18+$0x0];
	[tilespmem:s30+$0xFFFFFF40] =	vst v1;
	v1 =	vmul.f32 $8.000000000e+00, v2  }
0x113: {  	v2 =	vmul.f32 $8.000000000e+00, v7;
	v7 =	vld [tilespmem:s31+$0x20];
	[tilespmem:s30+$0xFFFFFF80] =	vst v0  }
0x114: {  	v0 =	vld [tilespmem:s31+$0xA0];
	v5 =	vmul.f32 $8.000000000e+00, v5;
	[tilespmem:s30+$0xFFFFFFC0] =	vst v1;
	s30 =	smov.u32 s1;
	s1 =	sadd.s32 $0x100, s1  }
0x115: {  	v1 =	vmul.f32 $8.000000000e+00, v6;
	[tilespmem:s1+$0xFFFFFFD0] =	vst v2;
	v2 =	vld [tilespmem:s31+$0x120]  }
0x116: {  	v3 =	vmul.f32 $8.000000000e+00, v3;
	v6 =	vld [tilespmem:s18+$0x190];
	[tilespmem:s30+$0xFFFFFFF0] =	vst v5  }
0x117: {  	v4 =	vmul.f32 $8.000000000e+00, v4;
	[tilespmem:s1+$0xFFFFFF50] =	vst v1;
	v5 =	vld [tilespmem:s31+$0x1B0]  }
0x118: {  	v8 =	vld [tilespmem:s18+$0x90];
	[tilespmem:s1+$0xFFFFFF90] =	vst v3;
	v1 =	vmul.f32 $8.000000000e+00, v7  }
.Ltmp3:
0x119: {  	[tilespmem:s1+$0xFFFFFF10] =	vst v4;
	v3 =	vld [tilespmem:s18+$0x110];
	v0 =	vmul.f32 $8.000000000e+00, v0;
	(pc) =	sbr.rel @p0 .LBB2_9-.Ltmp3, $4  }
0x11a: {  	v4 =	vld [tilespmem:s18+$0x10];
	[tilespmem:s30+$0xFFFFFF30] =	vst v1;
	v2 =	vmul.f32 $8.000000000e+00, v2  }
0x11b: {  	v7 =	vmul.f32 $8.000000000e+00, v6;
	v1 =	vld [tilespmem:s31+$0x30];
	[tilespmem:s30+$0xFFFFFF70] =	vst v0  }
0x11c: {  	v0 =	vld [tilespmem:s31+$0xB0];
	[tilespmem:s30+$0xFFFFFFB0] =	vst v2;
	v5 =	vmul.f32 $8.000000000e+00, v5  }
0x11d: {  	v6 =	vmul.f32 $8.000000000e+00, v8;
	[tilespmem:s1+$0xFFFFFFE0] =	vst v7;
	v2 =	vld [tilespmem:s31+$0x130];
	s31 =	smov.u32 s18;
	s18 =	sadd.s32 $0x200, s18  }
0x11e: {  	v3 =	vmul.f32 $8.000000000e+00, v3  }
0x11f: {  	v7 =	vld [tilespmem:s31+$0x1A0];
	v4 =	vmul.f32 $8.000000000e+00, v4;
	[tilespmem:s1+$0xFFFFFF60] =	vst v6  }
0x120: {  	[tilespmem:s1+$0xFFFFFFA0] =	vst v3;
	v53 =	vld [tilespmem:s31+$0xA0]  }
0x121: {  	[tilespmem:s1+$0xFFFFFF20] =	vst v4;
	v54 =	vld [tilespmem:s31+$0x120]  }
0x122: {  	v4 =	vld [tilespmem:s31+$0x20];
	_ =	sdelay $0x1  }
0x123: {  	v7 =	vmul.f32 $8.000000000e+00, v7  }
0x124: {  	v3 =	vmul.f32 $8.000000000e+00, v53  }
0x125: {  	[tilespmem:s1+$0xFFFFFFF0] =	vst v7;
	v6 =	vmul.f32 $8.000000000e+00, v54  }
0x126: {  	v55 =	vld [tilespmem:s31+$0x1B0];
	v4 =	vmul.f32 $8.000000000e+00, v4;
	[tilespmem:s1+$0xFFFFFF70] =	vst v3  }
0x127: {  	[tilespmem:s1+$0xFFFFFFB0] =	vst v6;
	v57 =	vld [tilespmem:s31+$0xB0]  }
0x128: {  	v1 =	vmul.f32 $8.000000000e+00, v1;
	[tilespmem:s1+$0xFFFFFF30] =	vst v4;
	v58 =	vld [tilespmem:s31+$0x130]  }
0x129: {  	[tilespmem:s30+$0x0] =	vst v5;
	v0 =	vmul.f32 $8.000000000e+00, v0;
	v56 =	vld [tilespmem:s31+$0x30]  }
0x12a: {  	[tilespmem:s30+$0xFFFFFF40] =	vst v1;
	v59 =	vmul.f32 $8.000000000e+00, v2  }
0x12b: {  	[tilespmem:s30+$0xFFFFFF80] =	vst v0;
	v60 =	vmul.f32 $8.000000000e+00, v55  }
0x12c: {  	[tilespmem:s30+$0xFFFFFFC0] =	vst v59;
	v62 =	vmul.f32 $8.000000000e+00, v57  }
0x12d: {  	[tilespmem:s1+$0x0] =	vst v60;
	v63 =	vmul.f32 $8.000000000e+00, v58  }
0x12e: {  	v61 =	vmul.f32 $8.000000000e+00, v56;
	[tilespmem:s1+$0xFFFFFF80] =	vst v62  }
0x12f: {  	s26 =	sadd.s32 $0x1, s26;
	[tilespmem:s1+$0xFFFFFFC0] =	vst v63  }
0x130: {  	s0 =	sadd.s32 $0x280, s29;
	p0 =	sne.s32 s26, $0x62;
	[tilespmem:s1+$0xFFFFFF40] =	vst v61  }
0x131: {  	[tilespmem:s16], [sflag:$0x2] =	stream.indirect.gather [hbm4b:s4+s14], $0x80, s0, s14, $0xb8;
	[tilespmem:$0x12400] =	vst v63  }
.Ltmp4:
0x132: {  	s31 =	sadd.s32 s28, s9;
	(pc) =	sbr.rel @p0 .LBB2_6-.Ltmp4, $4  }
0x133: {  	s0 =	sshll.u32 s31, $0xA  }
0x134: {  	s0 =	sand.u32 $0x1FFFFC00, s0  }
0x135: {  	s0 =	sadd.s32 s2, s0  }
0x136: {  	[hbm4b:s0+s3] =	stream.linear.scatter [tilespmem:s22], [sflag:$0x4], $0x2000, $0x38;
	[tilespmem:$0x12400] =	vst v63  }
0x137: {  	_ =	swait.ge [sflag:s17], $0x4000  }
0x138: {  	[sflag:s17] =	ssyncset.done $0x0  }
0x139: {  	[sflag:s17] =	ssyncadd.s32 $0xFFFFC000  }
0x13a: {  	_ =	swait.ge [sflag:s23], $0x2000  }
0x13b: {  	[sflag:s23] =	ssyncset.done $0x0  }
0x13c: {  	s21 =	simm.s32 $0x6500;
	[sflag:s23] =	ssyncadd.s32 $0xFFFFE000  }
0x13d: {  	v0 =	vld [tilespmem:s21+$0x80];
	_ =	sdelay $0x3  }
0x13e: {  	v1 =	vld [tilespmem:s21+$0xFFFFFF00]  }
0x13f: {  	v2 =	vld [tilespmem:s21+$0xFFFFFF80];
	v0 =	vmul.f32 $8.000000000e+00, v0  }
0x140: {  	s26 =	simm.s32 $0xE480;
	v3 =	vld [tilespmem:s21+$0x0]  }
0x141: {  	[tilespmem:s26+$0x40] =	vst v0  }
0x142: {  	v0 =	vld [tilespmem:s21+$0x90]  }
0x143: {  	v1 =	vmul.f32 $8.000000000e+00, v1  }
0x144: {  	v2 =	vmul.f32 $8.000000000e+00, v2  }
0x145: {  	v3 =	vmul.f32 $8.000000000e+00, v3;
	[tilespmem:s26+$0xFFFFFF80] =	vst v1  }
0x146: {  	[tilespmem:s26+$0xFFFFFFC0] =	vst v2;
	v1 =	vld [tilespmem:s21+$0xFFFFFF10]  }
0x147: {  	[tilespmem:s26+$0x0] =	vst v3;
	v2 =	vld [tilespmem:s21+$0xFFFFFF90];
	v0 =	vmul.f32 $8.000000000e+00, v0  }
0x148: {  	s28 =	simm.s32 $0x6700;
	v3 =	vld [tilespmem:s21+$0x10]  }
0x149: {  	[tilespmem:s26+$0x50] =	vst v0;
	v0 =	vld [tilespmem:s28+$0x80]  }
0x14a: {  	v4 =	vld [tilespmem:s21+$0xA0]  }
0x14b: {  	v5 =	vld [tilespmem:s28+$0xFFFFFF80];
	v1 =	vmul.f32 $8.000000000e+00, v1  }
0x14c: {  	v6 =	vld [tilespmem:s28+$0x0];
	v2 =	vmul.f32 $8.000000000e+00, v2  }
0x14d: {  	v3 =	vmul.f32 $8.000000000e+00, v3;
	[tilespmem:s26+$0xFFFFFF90] =	vst v1;
	v1 =	vld [tilespmem:s28+$0xFFFFFF00]  }
0x14e: {  	[tilespmem:s26+$0xFFFFFFD0] =	vst v2;
	v2 =	vld [tilespmem:s21+$0xFFFFFF20];
	v0 =	vmul.f32 $8.000000000e+00, v0  }
0x14f: {  	s1 =	simm.s32 $0xE580;
	[tilespmem:s26+$0x10] =	vst v3;
	v7 =	vld [tilespmem:s21+$0xFFFFFFA0];
	v3 =	vmul.f32 $8.000000000e+00, v4  }
0x150: {  	v4 =	vmul.f32 $8.000000000e+00, v5;
	[tilespmem:s1+$0x40] =	vst v0;
	v0 =	vld [tilespmem:s21+$0x20]  }
0x151: {  	v5 =	vmul.f32 $8.000000000e+00, v6;
	v6 =	vld [tilespmem:s28+$0x90];
	[tilespmem:s26+$0x60] =	vst v3  }
0x152: {  	v1 =	vmul.f32 $8.000000000e+00, v1;
	[tilespmem:s1+$0xFFFFFFC0] =	vst v4;
	v8 =	vld [tilespmem:s21+$0xB0]  }
0x153: {  	v2 =	vmul.f32 $8.000000000e+00, v2;
	[tilespmem:s1+$0x0] =	vst v5;
	v9 =	vld [tilespmem:s28+$0xFFFFFF90]  }
0x154: {  	[tilespmem:s1+$0xFFFFFF80] =	vst v1;
	v5 =	vmul.f32 $8.000000000e+00, v7;
	v3 =	vld [tilespmem:s28+$0x10]  }
0x155: {  	v4 =	vld [tilespmem:s28+$0xFFFFFF10];
	[tilespmem:s26+$0xFFFFFFA0] =	vst v2;
	v2 =	vmul.f32 $8.000000000e+00, v0  }
0x156: {  	v1 =	vld [tilespmem:s21+$0xFFFFFF30];
	[tilespmem:s26+$0xFFFFFFE0] =	vst v5;
	v7 =	vmul.f32 $8.000000000e+00, v6  }
0x157: {  	v0 =	vld [tilespmem:s21+$0xFFFFFFB0];
	[tilespmem:s26+$0x20] =	vst v2;
	v5 =	vmul.f32 $8.000000000e+00, v8  }
0x158: {  	s0 =	simm.s32 $0x4;
	s18 =	simm.s32 $0x6900;
	v6 =	vmul.f32 $8.000000000e+00, v9;
	[tilespmem:s1+$0x50] =	vst v7;
	v2 =	vld [tilespmem:s21+$0x30]  }
.LBB2_12:
0x159: {  	v7 =	vld [tilespmem:s18+$0x80];
	v3 =	vmul.f32 $8.000000000e+00, v3;
	[tilespmem:s26+$0x70] =	vst v5  }
0x15a: {  	s0 =	sadd.s32 $0x4, s0;
	v4 =	vmul.f32 $8.000000000e+00, v4;
	[tilespmem:s1+$0xFFFFFFD0] =	vst v6;
	v5 =	vld [tilespmem:s28+$0xA0]  }
0x15b: {  	p0 =	slt.u32 s0, $0x7C;
	v6 =	vld [tilespmem:s18+$0xFFFFFF80];
	[tilespmem:s1+$0x10] =	vst v3;
	v1 =	vmul.f32 $8.000000000e+00, v1  }
0x15c: {  	v3 =	vld [tilespmem:s18+$0x0];
	[tilespmem:s1+$0xFFFFFF90] =	vst v4;
	v0 =	vmul.f32 $8.000000000e+00, v0  }
0x15d: {  	v4 =	vld [tilespmem:s18+$0xFFFFFF00];
	[tilespmem:s26+$0xFFFFFFB0] =	vst v1;
	v1 =	vmul.f32 $8.000000000e+00, v2  }
0x15e: {  	v2 =	vmul.f32 $8.000000000e+00, v7;
	v7 =	vld [tilespmem:s28+$0xFFFFFF20];
	[tilespmem:s26+$0xFFFFFFF0] =	vst v0  }
0x15f: {  	v0 =	vld [tilespmem:s28+$0xFFFFFFA0];
	v5 =	vmul.f32 $8.000000000e+00, v5;
	[tilespmem:s26+$0x30] =	vst v1;
	s26 =	smov.u32 s1;
	s1 =	sadd.s32 $0x100, s1  }
0x160: {  	v1 =	vmul.f32 $8.000000000e+00, v6;
	[tilespmem:s1+$0x40] =	vst v2;
	v2 =	vld [tilespmem:s28+$0x20]  }
0x161: {  	v3 =	vmul.f32 $8.000000000e+00, v3;
	v6 =	vld [tilespmem:s18+$0x90];
	[tilespmem:s26+$0x60] =	vst v5  }
0x162: {  	v4 =	vmul.f32 $8.000000000e+00, v4;
	[tilespmem:s1+$0xFFFFFFC0] =	vst v1;
	v5 =	vld [tilespmem:s28+$0xB0]  }
0x163: {  	v8 =	vld [tilespmem:s18+$0xFFFFFF90];
	[tilespmem:s1+$0x0] =	vst v3;
	v1 =	vmul.f32 $8.000000000e+00, v7  }
.Ltmp5:
0x164: {  	[tilespmem:s1+$0xFFFFFF80] =	vst v4;
	v3 =	vld [tilespmem:s18+$0x10];
	v0 =	vmul.f32 $8.000000000e+00, v0;
	(pc) =	sbr.rel @p0 .LBB2_12-.Ltmp5, $4  }
0x165: {  	v4 =	vld [tilespmem:s18+$0xFFFFFF10];
	[tilespmem:s26+$0xFFFFFFA0] =	vst v1;
	v2 =	vmul.f32 $8.000000000e+00, v2  }
0x166: {  	v7 =	vmul.f32 $8.000000000e+00, v6;
	v1 =	vld [tilespmem:s28+$0xFFFFFF30];
	[tilespmem:s26+$0xFFFFFFE0] =	vst v0  }
0x167: {  	v0 =	vld [tilespmem:s28+$0xFFFFFFB0];
	[tilespmem:s26+$0x20] =	vst v2;
	v5 =	vmul.f32 $8.000000000e+00, v5  }
0x168: {  	v6 =	vmul.f32 $8.000000000e+00, v8;
	[tilespmem:s1+$0x50] =	vst v7;
	v2 =	vld [tilespmem:s28+$0x30];
	s28 =	smov.u32 s18;
	s18 =	sadd.s32 $0x200, s18  }
0x169: {  	_ = 	snop  }
0x16a: {  	v4 =	vmul.f32 $8.000000000e+00, v4;
	_ =	sdelay $0x1  }
0x16b: {  	v3 =	vmul.f32 $8.000000000e+00, v3;
	v7 =	vld [tilespmem:s28+$0xA0];
	[tilespmem:s1+$0xFFFFFF90] =	vst v4  }
0x16c: {  	[tilespmem:s1+$0xFFFFFFD0] =	vst v6;
	v4 =	vld [tilespmem:s28+$0xFFFFFF20]  }
0x16d: {  	[tilespmem:s1+$0x10] =	vst v3;
	v3 =	vld [tilespmem:s28+$0xFFFFFFA0]  }
0x16e: {  	v6 =	vld [tilespmem:s28+$0x20];
	_ =	sdelay $0x1  }
0x16f: {  	v7 =	vmul.f32 $8.000000000e+00, v7  }
0x170: {  	v4 =	vmul.f32 $8.000000000e+00, v4  }
0x171: {  	[tilespmem:s1+$0x60] =	vst v7;
	v3 =	vmul.f32 $8.000000000e+00, v3  }
0x172: {  	v7 =	vld [tilespmem:s28+$0xB0];
	[tilespmem:s1+$0xFFFFFFA0] =	vst v4;
	v4 =	vmul.f32 $8.000000000e+00, v6  }
0x173: {  	[tilespmem:s1+$0xFFFFFFE0] =	vst v3;
	v6 =	vld [tilespmem:s28+$0xFFFFFF30]  }
0x174: {  	v1 =	vmul.f32 $8.000000000e+00, v1;
	v3 =	vld [tilespmem:s28+$0xFFFFFFB0];
	[tilespmem:s1+$0x20] =	vst v4  }
0x175: {  	[tilespmem:s26+$0x70] =	vst v5;
	v0 =	vmul.f32 $8.000000000e+00, v0;
	v4 =	vld [tilespmem:s28+$0x30]  }
0x176: {  	[tilespmem:s26+$0xFFFFFFB0] =	vst v1;
	v1 =	vmul.f32 $8.000000000e+00, v2  }
0x177: {  	[tilespmem:s26+$0xFFFFFFF0] =	vst v0;
	v0 =	vmul.f32 $8.000000000e+00, v7  }
0x178: {  	[tilespmem:s26+$0x30] =	vst v1;
	v1 =	vmul.f32 $8.000000000e+00, v6  }
0x179: {  	[tilespmem:s1+$0x70] =	vst v0;
	v0 =	vmul.f32 $8.000000000e+00, v3  }
0x17a: {  	[tilespmem:s1+$0xFFFFFFB0] =	vst v1;
	v1 =	vmul.f32 $8.000000000e+00, v4  }
0x17b: {  	[tilespmem:s1+$0xFFFFFFF0] =	vst v0  }
0x17c: {  	[tilespmem:s1+$0x30] =	vst v1  }
0x17d: {  	[hbm4b:s10+s3] =	stream.linear.scatter [tilespmem:s19], [sflag:$0x3], $0x2000, $0x38;
	[tilespmem:$0x12400] =	vst v63  }
0x17e: {  	_ =	swait.ge [sflag:s20], $0x4000  }
0x17f: {  	[sflag:s20] =	ssyncset.done $0x0  }
0x180: {  	[sflag:s20] =	ssyncadd.s32 $0xFFFFC000  }
0x181: {  	_ =	swait.ge [sflag:s24], $0x2000  }
0x182: {  	[sflag:s24] =	ssyncset.done $0x0  }
0x183: {  	s21 =	simm.s32 $0xA400;
	[sflag:s24] =	ssyncadd.s32 $0xFFFFE000  }
0x184: {  	v0 =	vld [tilespmem:s21+$0x180];
	_ =	sdelay $0x3  }
0x185: {  	v1 =	vld [tilespmem:s21+$0x0]  }
0x186: {  	v2 =	vld [tilespmem:s21+$0x80];
	v0 =	vmul.f32 $8.000000000e+00, v0  }
0x187: {  	s26 =	simm.s32 $0x104F0;
	v3 =	vld [tilespmem:s21+$0x100]  }
0x188: {  	[tilespmem:s26+$0xFFFFFFD0] =	vst v0  }
0x189: {  	v0 =	vld [tilespmem:s21+$0x190]  }
0x18a: {  	v1 =	vmul.f32 $8.000000000e+00, v1  }
0x18b: {  	v2 =	vmul.f32 $8.000000000e+00, v2  }
0x18c: {  	v3 =	vmul.f32 $8.000000000e+00, v3;
	[tilespmem:s26+$0xFFFFFF10] =	vst v1  }
0x18d: {  	[tilespmem:s26+$0xFFFFFF50] =	vst v2;
	v1 =	vld [tilespmem:s21+$0x10]  }
0x18e: {  	[tilespmem:s26+$0xFFFFFF90] =	vst v3;
	v2 =	vld [tilespmem:s21+$0x90];
	v0 =	vmul.f32 $8.000000000e+00, v0  }
0x18f: {  	s28 =	simm.s32 $0xA600;
	v3 =	vld [tilespmem:s21+$0x110]  }
0x190: {  	[tilespmem:s26+$0xFFFFFFE0] =	vst v0;
	v0 =	vld [tilespmem:s28+$0x180]  }
0x191: {  	v4 =	vld [tilespmem:s21+$0x1A0]  }
0x192: {  	v5 =	vld [tilespmem:s28+$0x80];
	v1 =	vmul.f32 $8.000000000e+00, v1  }
0x193: {  	v6 =	vld [tilespmem:s28+$0x100];
	v2 =	vmul.f32 $8.000000000e+00, v2  }
0x194: {  	v3 =	vmul.f32 $8.000000000e+00, v3;
	[tilespmem:s26+$0xFFFFFF20] =	vst v1;
	v1 =	vld [tilespmem:s28+$0x0]  }
0x195: {  	[tilespmem:s26+$0xFFFFFF60] =	vst v2;
	v2 =	vld [tilespmem:s21+$0x20];
	v0 =	vmul.f32 $8.000000000e+00, v0  }
0x196: {  	s1 =	simm.s32 $0x105F0;
	[tilespmem:s26+$0xFFFFFFA0] =	vst v3;
	v7 =	vld [tilespmem:s21+$0xA0];
	v3 =	vmul.f32 $8.000000000e+00, v4  }
0x197: {  	v4 =	vmul.f32 $8.000000000e+00, v5;
	[tilespmem:s1+$0xFFFFFFD0] =	vst v0;
	v0 =	vld [tilespmem:s21+$0x120]  }
0x198: {  	v5 =	vmul.f32 $8.000000000e+00, v6;
	v6 =	vld [tilespmem:s28+$0x190];
	[tilespmem:s26+$0xFFFFFFF0] =	vst v3  }
0x199: {  	v1 =	vmul.f32 $8.000000000e+00, v1;
	[tilespmem:s1+$0xFFFFFF50] =	vst v4;
	v8 =	vld [tilespmem:s21+$0x1B0]  }
0x19a: {  	v2 =	vmul.f32 $8.000000000e+00, v2;
	[tilespmem:s1+$0xFFFFFF90] =	vst v5;
	v9 =	vld [tilespmem:s28+$0x90]  }
0x19b: {  	[tilespmem:s1+$0xFFFFFF10] =	vst v1;
	v5 =	vmul.f32 $8.000000000e+00, v7;
	v3 =	vld [tilespmem:s28+$0x110]  }
0x19c: {  	v4 =	vld [tilespmem:s28+$0x10];
	[tilespmem:s26+$0xFFFFFF30] =	vst v2;
	v2 =	vmul.f32 $8.000000000e+00, v0  }
0x19d: {  	v1 =	vld [tilespmem:s21+$0x30];
	[tilespmem:s26+$0xFFFFFF70] =	vst v5;
	v7 =	vmul.f32 $8.000000000e+00, v6  }
0x19e: {  	v0 =	vld [tilespmem:s21+$0xB0];
	[tilespmem:s26+$0xFFFFFFB0] =	vst v2;
	v5 =	vmul.f32 $8.000000000e+00, v8  }
0x19f: {  	s0 =	simm.s32 $0x4;
	s18 =	simm.s32 $0xA800;
	v6 =	vmul.f32 $8.000000000e+00, v9;
	[tilespmem:s1+$0xFFFFFFE0] =	vst v7;
	v2 =	vld [tilespmem:s21+$0x130]  }
.LBB2_14:
0x1a0: {  	v7 =	vld [tilespmem:s18+$0x180];
	v3 =	vmul.f32 $8.000000000e+00, v3;
	[tilespmem:s26+$0x0] =	vst v5  }
0x1a1: {  	s0 =	sadd.s32 $0x4, s0;
	v4 =	vmul.f32 $8.000000000e+00, v4;
	[tilespmem:s1+$0xFFFFFF60] =	vst v6;
	v5 =	vld [tilespmem:s28+$0x1A0]  }
0x1a2: {  	p0 =	slt.u32 s0, $0x7C;
	v6 =	vld [tilespmem:s18+$0x80];
	[tilespmem:s1+$0xFFFFFFA0] =	vst v3;
	v1 =	vmul.f32 $8.000000000e+00, v1  }
0x1a3: {  	v3 =	vld [tilespmem:s18+$0x100];
	[tilespmem:s1+$0xFFFFFF20] =	vst v4;
	v0 =	vmul.f32 $8.000000000e+00, v0  }
0x1a4: {  	v4 =	vld [tilespmem:s18+$0x0];
	[tilespmem:s26+$0xFFFFFF40] =	vst v1;
	v1 =	vmul.f32 $8.000000000e+00, v2  }
0x1a5: {  	v2 =	vmul.f32 $8.000000000e+00, v7;
	v7 =	vld [tilespmem:s28+$0x20];
	[tilespmem:s26+$0xFFFFFF80] =	vst v0  }
0x1a6: {  	v0 =	vld [tilespmem:s28+$0xA0];
	v5 =	vmul.f32 $8.000000000e+00, v5;
	[tilespmem:s26+$0xFFFFFFC0] =	vst v1;
	s26 =	smov.u32 s1;
	s1 =	sadd.s32 $0x100, s1  }
0x1a7: {  	v1 =	vmul.f32 $8.000000000e+00, v6;
	[tilespmem:s1+$0xFFFFFFD0] =	vst v2;
	v2 =	vld [tilespmem:s28+$0x120]  }
0x1a8: {  	v3 =	vmul.f32 $8.000000000e+00, v3;
	v6 =	vld [tilespmem:s18+$0x190];
	[tilespmem:s26+$0xFFFFFFF0] =	vst v5  }
0x1a9: {  	v4 =	vmul.f32 $8.000000000e+00, v4;
	[tilespmem:s1+$0xFFFFFF50] =	vst v1;
	v5 =	vld [tilespmem:s28+$0x1B0]  }
0x1aa: {  	v8 =	vld [tilespmem:s18+$0x90];
	[tilespmem:s1+$0xFFFFFF90] =	vst v3;
	v1 =	vmul.f32 $8.000000000e+00, v7  }
.Ltmp6:
0x1ab: {  	[tilespmem:s1+$0xFFFFFF10] =	vst v4;
	v3 =	vld [tilespmem:s18+$0x110];
	v0 =	vmul.f32 $8.000000000e+00, v0;
	(pc) =	sbr.rel @p0 .LBB2_14-.Ltmp6, $4  }
0x1ac: {  	v4 =	vld [tilespmem:s18+$0x10];
	[tilespmem:s26+$0xFFFFFF30] =	vst v1;
	v2 =	vmul.f32 $8.000000000e+00, v2  }
0x1ad: {  	v7 =	vmul.f32 $8.000000000e+00, v6;
	v1 =	vld [tilespmem:s28+$0x30];
	[tilespmem:s26+$0xFFFFFF70] =	vst v0  }
0x1ae: {  	v0 =	vld [tilespmem:s28+$0xB0];
	[tilespmem:s26+$0xFFFFFFB0] =	vst v2;
	v5 =	vmul.f32 $8.000000000e+00, v5  }
0x1af: {  	v6 =	vmul.f32 $8.000000000e+00, v8;
	[tilespmem:s1+$0xFFFFFFE0] =	vst v7;
	v2 =	vld [tilespmem:s28+$0x130];
	s28 =	smov.u32 s18;
	s18 =	sadd.s32 $0x200, s18  }
0x1b0: {  	v3 =	vmul.f32 $8.000000000e+00, v3  }
0x1b1: {  	v7 =	vld [tilespmem:s28+$0x1A0];
	v4 =	vmul.f32 $8.000000000e+00, v4;
	[tilespmem:s1+$0xFFFFFF60] =	vst v6  }
0x1b2: {  	[tilespmem:s1+$0xFFFFFFA0] =	vst v3;
	v53 =	vld [tilespmem:s28+$0xA0]  }
0x1b3: {  	[tilespmem:s1+$0xFFFFFF20] =	vst v4;
	v54 =	vld [tilespmem:s28+$0x120]  }
0x1b4: {  	v4 =	vld [tilespmem:s28+$0x20];
	_ =	sdelay $0x1  }
0x1b5: {  	v7 =	vmul.f32 $8.000000000e+00, v7  }
0x1b6: {  	v3 =	vmul.f32 $8.000000000e+00, v53  }
0x1b7: {  	[tilespmem:s1+$0xFFFFFFF0] =	vst v7;
	v6 =	vmul.f32 $8.000000000e+00, v54  }
0x1b8: {  	v55 =	vld [tilespmem:s28+$0x1B0];
	v4 =	vmul.f32 $8.000000000e+00, v4;
	[tilespmem:s1+$0xFFFFFF70] =	vst v3  }
0x1b9: {  	[tilespmem:s1+$0xFFFFFFB0] =	vst v6;
	v57 =	vld [tilespmem:s28+$0xB0]  }
0x1ba: {  	v1 =	vmul.f32 $8.000000000e+00, v1;
	[tilespmem:s1+$0xFFFFFF30] =	vst v4;
	v58 =	vld [tilespmem:s28+$0x130]  }
0x1bb: {  	[tilespmem:s26+$0x0] =	vst v5;
	v0 =	vmul.f32 $8.000000000e+00, v0;
	v56 =	vld [tilespmem:s28+$0x30]  }
0x1bc: {  	[tilespmem:s26+$0xFFFFFF40] =	vst v1;
	v59 =	vmul.f32 $8.000000000e+00, v2  }
0x1bd: {  	[tilespmem:s26+$0xFFFFFF80] =	vst v0;
	v60 =	vmul.f32 $8.000000000e+00, v55  }
0x1be: {  	[tilespmem:s26+$0xFFFFFFC0] =	vst v59;
	v62 =	vmul.f32 $8.000000000e+00, v57  }
0x1bf: {  	[tilespmem:s1+$0x0] =	vst v60;
	v63 =	vmul.f32 $8.000000000e+00, v58  }
0x1c0: {  	v61 =	vmul.f32 $8.000000000e+00, v56;
	[tilespmem:s1+$0xFFFFFF80] =	vst v62  }
0x1c1: {  	[tilespmem:s1+$0xFFFFFFC0] =	vst v63  }
0x1c2: {  	s25 =	sadd.s32 $0x1, s25;
	[tilespmem:s1+$0xFFFFFF40] =	vst v61  }
0x1c3: {  	[hbm4b:s11+s3] =	stream.linear.scatter [tilespmem:s22], [sflag:$0x4], $0x2000, $0x38;
	[tilespmem:$0x12400] =	vst v63  }
0x1c4: {  	p0 =	sne.s32 s25, s12;
	_ =	swait.ge [sflag:s23], $0x2000  }
.Ltmp7:
0x1c5: {  	[sflag:s23] =	ssyncset.done $0x0;
	(pc) =	sbr.rel @p0 .LBB2_1-.Ltmp7, $4  }
0x1c6: {  	[sflag:s23] =	ssyncadd.s32 $0xFFFFE000  }
0x1c7: {  	_ =	swait.ge [sflag:s24], $0x2000  }
0x1c8: {  	[sflag:s24] =	ssyncset.done $0x0  }
0x1c9: {  	[sflag:s24] =	ssyncadd.s32 $0xFFFFE000  }
0x1ca: {  	_ =	sfence.sel $0x180000  }
0x1cb: {  	[bflag:$0x0] =	sbarrier.arrive $0xFFFF  }
0x1cc: {  	_ =	strace $0x90000047  }
0x1cd: {  	s0 =	stileid.u32;
	[bflag:$0x2] =	sbarrier.arrive $0xFFFF  }
0x1ce: {  	p0 =	sne.s32 s0, $0x0;
	s0 =	rddreg [dreg:$0x2]  }
0x1cf: {  	s0 =	sadd.s32 @!p0 $0x100000, s0  }
0x1d0: {  	[sflag:s0] =	ssyncadd.tile.s32 @!p0 $0x1;
	_ =	shalt  }
.Lfunc_end2:
_tile_overlayer_lowered:
.L_overlay_start_2:
0x1d1: {  	(tag) =	ssettag $0x2  }
0x1d2: {  	s0 =	rddreg [dreg:$0x0];
	s2 =	stileid.u32  }
0x1d3: {  	s1 =	rddreg [dreg:$0x1];
	p0 =	sne.s32 s2, $0x0  }
0x1d4: {  	s3 =	rddreg [dreg:$0x2];
	[bflag:$0x3] =	sbarrier.arrive $0xFFFF;
	s2 =	simm.s32 @!p0 $0x1C05  }
0x1d5: {  	[timem:s3], [sflag:s2] =	dma.local @!p0 [hbm:s0], s1  }
0x1d6: {  	s0 =	simm.s32 @!p0 $0x5  }
0x1d7: {  	_ =	swait.ge @!p0 [sflag:s0], s1  }
0x1d8: {  	s1 =	ssub.s32 @!p0 $0x0, s1;
	[sflag:s0] =	ssyncset.done @!p0 $0x0  }
0x1d9: {  	[sflag:s0] =	ssyncadd.s32 @!p0 s1  }
0x1da: {  	[bflag:$0x3] =	sbarrier.arrive $0xFFFF  }
0x1db: {  	_ =	shalt  }

// kernel: sparse-core-data-format-call.cloned.1.call-start
scs
called_computation_lowered:
.L_overlay_start_0:
0x0: {  	s2 =	sld [smem:$0x3FD9]  }
0x1: {  	s3 =	sld [smem:$0x3FFE];
	_ =	sdelay $0x1  }
0x2: {  	s1 =	srdreg.scid  }
0x3: {  	s0 =	sand.u32 $0x1, s1  }
0x4: {  	s18 =	sshll.u32 s0, $0xA;
	s2 =	sadd.s32 s3, s2  }
0x5: {  	s2 =	sadd.s32 s2, s18  }
0x6: {  	[smem:$0x3FC6] =	sst s2  }
0x7: {  	_ = 	snop  }
0x8: {  	s2 =	sld [smem:$0x3FD0];
	(tm) =	ssettm $0x1  }
0x9: {  	s19 =	sld [smem:$0x3FFB];
	_ =	sdelay $0x3  }
0xa: {  	_ =	strace s19  }
0xb: {  	s3 =	sld [smem:$0x3FFC];
	_ =	sdelay $0x3  }
0xc: {  	_ =	strace s3  }
0xd: {  	s3 =	sld [smem:$0x3FFD];
	_ =	sdelay $0x3  }
0xe: {  	_ =	strace s3  }
0xf: {  	_ =	strace $0x8FFFFFFF  }
0x10: {  	s20 =	sld [smem:$0x3FDB];
	_ =	sdelay $0x1  }
0x11: {  	s4 =	simm.s32 $_scs_section_size  }
0x12: {  	s5 =	simm.s32 $_size__tile_overlayer_lowered;
	s6 =	simm.s32 $_tile_overlayer_lowered  }
0x13: {  	s23 =	simm.s32 $0x1BFF;
	s22 =	sshll.u32 s6, $0x1;
	s3 =	sadd.s32 s4, s20  }
0x14: {  	s7 =	simm.s32 $0x0;
	s21 =	sshll.u32 s5, $0x1;
	s5 =	sadd.s32 s22, s3  }
0x15: {  	[timem:s7], [sflag:s23] =	dma.local [hbm:s5], s21  }
0x16: {  	_ =	swait.ge [sflag:s23], s21  }
0x17: {  	s4 =	ssub.s32 $0x0, s21;
	[sflag:s23] =	ssyncset.done $0x0  }
0x18: {  	[sflag:s23] =	ssyncadd.s32 s4;
	_ =	sdelay $0x1  }
0x19: {  	s24 =	simm.s32 $0x1B8B  }
0x1a: {  	_ =	swait.ge [sflag:s24], $0x1  }
0x1b: {  	[sflag:s24] =	ssyncset.done $0x0  }
0x1c: {  	s26 =	simm.s32 $0x1B8E;
	s25 =	sld [smem:$0x3FFE];
	[sflag:s24] =	ssyncadd.s32 $0xFFFFFFFF  }
0x1d: {  	s27 =	simm.s32 $execute0_lowered;
	[smem:$0x3FD2] =	sst s26  }
0x1e: {  	s5 =	sshll.u32 s27, $0x1;
	_ =	strace $0x80000049;
	[dreg:$0x1] =	wrdreg $0xFFFFFFFF  }
0x1f: {  	s28 =	simm.s32 $_size_execute0_lowered;
	s3 =	sadd.s32 s3, s5;
	[dreg:$0x0] =	wrdreg $0x0  }
0x20: {  	s5 =	sshll.u32 s28, $0x1;
	[dreg:$0x2] =	wrdreg s3  }
0x21: {  	[dreg:$0x3] =	wrdreg s5  }
0x22: {  	[dreg:$0x4] =	wrdreg $0xC0  }
0x23: {  	_ =	task [dreg:s7], $0x5FFFF  }
0x24: {  	[dreg:$0x1] =	wrdreg $0xFFFFFFFF  }
0x25: {  	[dreg:$0x0] =	wrdreg $0x60  }
0x26: {  	[dreg:$0x2] =	wrdreg s25  }
0x27: {  	[dreg:$0x3] =	wrdreg s2  }
0x28: {  	[dreg:$0x4] =	wrdreg $0x9  }
0x29: {  	_ =	task.clear_ibuf [dreg:s7], $0x5FFFF;
	_ =	strace $0x90000049  }
0x2a: {  	s29 =	simm.s32 $0x9;
	_ =	strace $0x8000004B  }
0x2b: {  	_ =	swait.ge [sflag:s29], $0x1  }
0x2c: {  	[sflag:s29] =	ssyncadd.s32 $0xFFFFFFFF  }
0x2d: {  	_ =	strace $0x9000004B  }
0x2e: {  	_ =	sfence  }
0x2f: {  	s30 =	sld [smem:$0x0];
	_ =	sdelay $0x2  }
0x30: {  	s31 =	sshll.u32 s1, $0xD;
	s1 =	sshrl.u32 s1, $0x2  }
0x31: {  	s3 =	sand.u32 $0x4000, s31;
	s1 =	sadd.s32 s1, s30  }
0x32: {  	s0 =	sor.u32 s3, s0;
	s1 =	sshll.u32 s1, $0x11  }
0x33: {  	s0 =	sor.u32 s1, s0  }
0x34: {  	s0 =	sadd.s32 $0x8F2B, s0  }
0x35: {  	[sflag:s0] =	ssyncadd.remote.s32 $0x1  }
0x36: {  	_ =	sfence.sel $0xFFFF  }
0x37: {  	[dreg:$0x0] =	wrdreg $0xFFFFFFFF;
	(pc) =	sbr.abs _section_cstart, $3  }
0x38: {  	[dreg:$0x1] =	wrdreg $0xFFFFFFFF  }
0x39: {  	_ =	task.clear_ibuf [dreg:s7], $0x2FFFF;
	_ =	strace $0x9FFFFFFF  }
0x3a: {  	(tm) =	ssettm $0x7FFFFFFF  }
0x3b: {  	_ =	shalt  }
tec
execute0_lowered:
.L_overlay_start_1:
0x0: {  	(tag) =	ssettag $0x1  }
0x1: {  	s0 =	srdreg.scid  }
0x2: {  	s1 =	sshll.u32 s0, $0x4  }
0x3: {  	s0 =	stileid.u32;
	s1 =	sand.u32 $0x10, s1  }
0x4: {  	s1 =	sor.u32 s0, s1  }
0x5: {  	s6 =	rddreg [dreg:$0x0];
	s4 =	simm.s32 $0x1;
	s2 =	sshll.u32 s1, $0x7  }
0x6: {  	s7 =	simm.s32 $0x2;
	s12 =	simm.s32 $0x0;
	s1 =	ssub.s32 $0x1000, s2  }
0x7: {  	s8 =	simm.s32 $0x8000;
	s13 =	simm.s32 $0x0;
	s3 =	sand.u32 $0xF80, s1  }
0x8: {  	s9 =	simm.s32 $0x0;
	s5 =	sshrl.u32 s1, $0xC;
	p0 =	sne.s32 s3, $0x0  }
.Ltmp0:
0x9: {  	s1 =	rddreg [dreg:$0x2];
	s4 =	simm.s32 @!p0 $0x0;
	(pc) =	sbr.rel .LBB1_1-.Ltmp0, $4  }
0xa: {  	s11 =	simm.s32 $0x0;
	s3 =	rddreg [dreg:$0x1];
	s5 =	sadd.s32 s4, s5  }
0xb: {  	_ =	strace $0x8000004A;
	s4 =	simm.s32 $0x1;
	s5 =	smul.u32 $0xC8, s5  }
0xc: {  	s6 =	sadd.s32 $0xA00, s6;
	s10 =	smov.u32 s2;
	[sflag:s4] =	ssyncpa.u1 $0x0  }
0xd: {  	p0 =	por $0x0, $0x0;
	[sflag:s7] =	ssyncpa.u1 $0x0;
	s7 =	sor.u32 $0x1, s5  }
.LBB1_4:
0xe: {  	s16 =	sshll.u32 s13, $0x3;
	s17 =	sand.u32 $0x78, s13  }
0xf: {  	s30 =	sand.u32 $0x7E00, s13;
	s12 =	sshll.u32 s12, $0xF;
	s16 =	sand.u32 $0xC00, s16  }
0x10: {  	[tilespmem:s15+$0x810 ss:$0x81] =	vst.msk $0xffff, v2;
	s31 =	sand.u32 $0x7, s13;
	s16 =	sor.u32 s17, s16;
	s17 =	sadd.s32 s3, s30  }
0x11: {  	[tilespmem:s15+$0x1020 ss:$0x81] =	vst.msk $0xffff, v0;
	s13 =	sshll.u32 s31, $0x12;
	s12 =	sadd.s32 s12, s17;
	s16 =	sshrl.u32 s16, $0x3  }
0x12: {  	[tilespmem:s15+$0x0 ss:$0x81] =	vst.msk $0xffff, v1;
	s13 =	sor.u32 $0x400, s13;
	s12 =	sadd.s32 s16, s12  }
0x13: {  	[hbm4b:s12+s13] =	stream.strided.scatter [tilespmem:s14], [sflag:$0x2], $0x2000, s8, s13, $0x20;
	[tilespmem:$0x8080] =	vst v63  }
.LBB1_5:
0x14: {  	s14 =	sadd.s32 $0x1, s9  }
0x15: {  	s12 =	sadd.s32 $0x1000, s10;
	s16 =	smov.u32 s10;
	p2 =	sgt.s32 s14, $0xC7  }
0x16: {  	s16 =	smov.u32 @p2 s12  }
0x17: {  	s14 =	simm.s32 @p2 $0x0;
	p2 =	sgt.s32 s16, $0xFFF  }
0x18: {  	s16 =	smov.u32 @p2 s2;
	p2 =	sne.s32 s11, s7  }
.Ltmp1:
0x19: {  	p1 =	slt.u32 s11, $0x2;
	(pc) =	sbr.rel @!p2 .LBB1_6-.Ltmp1, $4  }
0x1a: {  	s15 =	simm.s32 @!p1 $0x2  }
0x1b: {  	s13 =	smov.u32 s10;
	p0 =	por !p0, !p0;
	_ =	swait.ge @!p1 [sflag:s15], $0x2000  }
0x1c: {  	s12 =	smov.u32 s9;
	[sflag:s15] =	ssyncset.done @!p1 $0x0;
	s9 =	smov.u32 s14  }
0x1d: {  	s11 =	sadd.s32 $0x1, s11;
	[sflag:s15] =	ssyncadd.s32 @!p1 $0xFFFFE000;
	s10 =	smov.u32 s16  }
.LBB1_1:
0x1e: {  	p1 =	sge.u32 s11, s5  }
0x1f: {  	s14 =	sand.u32 @!p1 $0x1FFFFFF, s9  }
0x20: {  	s15 =	smulhi.u32 @!p1 $0x147AE15, s14;
	_ =	sdelay $0x1  }
0x21: {  	s15 =	smul.u32 @!p1 $0xC8, s15  }
0x22: {  	s16 =	sxor.u32 @!p1 $0xFFFFFFFF, s11;
	s17 =	smul.u32 @!p1 $0xC80, s10  }
0x23: {  	s31 =	sadd.s32 $0xFFFFFFFF, s11;
	s16 =	sshll.u32 @!p1 s16, $0xD;
	s14 =	ssub.s32 @!p1 s14, s15  }
0x24: {  	s15 =	sand.u32 @!p1 $0x2000, s16;
	s16 =	sadd.s32 @!p1 s6, s17;
	s14 =	sshll.u32 @!p1 s14, $0x4  }
0x25: {  	s17 =	simm.s32 @!p1 $0x6400;
	s14 =	sadd.s32 @!p1 s14, s16;
	s16 =	simm.s32 @!p1 $0x40  }
0x26: {  	[tilespmem:s15], [sflag:$0x1] =	stream.strided.gather @!p1 [hbm4b:s14+s16], $0x2000, s17, s16, $0x38;
	[tilespmem:$0x8080] =	vst v63  }
0x27: {  	p1 =	sge.u32 s31, s5  }
.Ltmp2:
0x28: {  	_ = 	snop;
	(pc) =	sbr.rel @p1 .LBB1_5-.Ltmp2, $1  }
0x29: {  	_ =	sdelay $0x3  }
0x2a: {  	s14 =	simm.s32 $0x1  }
0x2b: {  	_ =	swait.ge [sflag:s4], $0x2000;
	s14 =	simm.s32 @!p0 $0x0  }
0x2c: {  	[sflag:s4] =	ssyncset.done $0x0;
	s15 =	sshll.u32 s14, $0xD  }
0x2d: {  	[sflag:s4] =	ssyncadd.s32 $0xFFFFE000;
	s18 =	sor.u32 $0x20, s15  }
0x2e: {  	s14 =	smul.u32 $0x8100, s14;
	v3 =	vld [tilespmem:s18+$0x10]  }
0x2f: {  	s30 =	sand.u32 $0x1, s11;
	v2 =	vld [tilespmem:s18+$0xFFFFFFF0]  }
0x30: {  	s15 =	smul.u32 $0x8100, s30;
	s14 =	sshrl.u32 s14, $0x2;
	v0 =	vld [tilespmem:s18+$0x0]  }
0x31: {  	v1 =	vld [tilespmem:s18+$0xFFFFFFE0];
	s16 =	sor.u32 $0x4000, s14  }
0x32: {  	s31 =	sshrl.u32 s15, $0x2;
	s15 =	sadd.s32 $0x0, s16  }
0x33: {  	s17 =	simm.s32 $0x4;
	s18 =	sadd.s32 $0x40, s18;
	s14 =	sor.u32 $0x4000, s31;
	[tilespmem:s15+$0x1830 ss:$0x81] =	vst.msk $0xffff, v3  }
.LBB1_3:
0x34: {  	v3 =	vld [tilespmem:s18+$0x10];
	p1 =	sne.s32 s17, $0x1FC;
	[tilespmem:s15+$0x810 ss:$0x81] =	vst.msk $0xffff, v2;
	s19 =	smov.u32 s17;
	s17 =	sadd.s32 $0x4, s17  }
.Ltmp3:
0x35: {  	v2 =	vld [tilespmem:s18+$0xFFFFFFF0];
	[tilespmem:s15+$0x1020 ss:$0x81] =	vst.msk $0xffff, v0;
	(pc) =	sbr.rel @p1 .LBB1_3-.Ltmp3, $4  }
0x36: {  	v0 =	vld [tilespmem:s18+$0x0];
	[tilespmem:s15+$0x0 ss:$0x81] =	vst.msk $0xffff, v1  }
0x37: {  	s15 =	sshra.s32 s19, $0x2;
	v1 =	vld [tilespmem:s18+$0xFFFFFFE0]  }
0x38: {  	s15 =	sadd.s32 s15, s16  }
0x39: {  	s18 =	sadd.s32 $0x40, s18;
	[tilespmem:s15+$0x1830 ss:$0x81] =	vst.msk $0xffff, v3  }
.Ltmp4:
0x3a: {  	_ = 	snop;
	(pc) =	sbr.rel .LBB1_4-.Ltmp4, $1  }
0x3b: {  	_ =	sdelay $0x3  }
.LBB1_6:
0x3c: {  	_ =	sfence.sel $0x180000  }
0x3d: {  	s2 =	simm.s32 $0x1;
	[bflag:$0x0] =	sbarrier.arrive $0xFFFF  }
0x3e: {  	s31 =	simm.s32 $0x2;
	[sflag:s2] =	ssyncpa.u1 $0x1  }
0x3f: {  	[sflag:s31] =	ssyncpa.u1 $0x1  }
0x40: {  	p0 =	sne.s32 s0, $0x0;
	_ =	strace $0x9000004A  }
0x41: {  	s0 =	sadd.s32 @!p0 $0x100000, s1;
	[bflag:$0x2] =	sbarrier.arrive $0xFFFF  }
0x42: {  	[sflag:s0] =	ssyncadd.tile.s32 @!p0 $0x1;
	_ =	shalt  }
.Lfunc_end1:
_tile_overlayer_lowered:
.L_overlay_start_2:
0x43: {  	(tag) =	ssettag $0x2  }
0x44: {  	s0 =	rddreg [dreg:$0x0];
	s2 =	stileid.u32  }
0x45: {  	s1 =	rddreg [dreg:$0x1];
	p0 =	sne.s32 s2, $0x0  }
0x46: {  	s3 =	rddreg [dreg:$0x2];
	[bflag:$0x3] =	sbarrier.arrive $0xFFFF;
	s2 =	simm.s32 @!p0 $0x1C01  }
0x47: {  	[timem:s3], [sflag:s2] =	dma.local @!p0 [hbm:s0], s1  }
0x48: {  	s0 =	simm.s32 @!p0 $0x1  }
0x49: {  	_ =	swait.ge @!p0 [sflag:s0], s1  }
0x4a: {  	s1 =	ssub.s32 @!p0 $0x0, s1;
	[sflag:s0] =	ssyncset.done @!p0 $0x0  }
0x4b: {  	[sflag:s0] =	ssyncadd.s32 @!p0 s1  }
0x4c: {  	[bflag:$0x3] =	sbarrier.arrive $0xFFFF  }
0x4d: {  	_ =	shalt  }

</sc_bundles>
